<compile_context>
chip_gen: v7x
topology: tpu7x:2x2x1
jax: 0.10.2.dev20260603
libtpu: 0.0.44.dev20260713+nightly
codegen_flags: <defaults>
</compile_context>

<pallas_src>
import functools

import jax
import jax.numpy as jnp
from jax import lax
from jax.experimental import pallas as pl
from jax.experimental.pallas import tpu as pltpu
from jax.experimental.pallas import tpu_sc as plsc

B = 4
S = 4096
D = 2048
K = 3072


_CH = 512


def _topk_body(scol_ref, srow_ref, idx_ref, gidx_ref, sout_ref, ranks_ref):
    srow = srow_ref[0]
    sout_ref[0] = srow
    for t in range(S // _CH):
        sc = scol_ref[0, t * _CH:(t + 1) * _CH, :]
        i_ids = t * _CH + lax.broadcasted_iota(jnp.int32, (_CH, S), 0)
        j_ids = lax.broadcasted_iota(jnp.int32, (_CH, S), 1)
        beats = (srow > sc) | ((srow == sc) & (j_ids < i_ids))
        rank = jnp.sum(beats.astype(jnp.int32), axis=1, keepdims=True)
        ranks_ref[t * _CH:(t + 1) * _CH, :] = rank
    r_row = lax.broadcasted_iota(jnp.int32, (_CH, K), 1)
    acc = jnp.zeros((1, K), jnp.int32)
    for t in range(S // _CH):
        rk = ranks_ref[t * _CH:(t + 1) * _CH, :]
        ivals = t * _CH + lax.broadcasted_iota(jnp.int32, (_CH, K), 0)
        acc = acc + jnp.sum(jnp.where(rk == r_row, ivals, 0), axis=0,
                            keepdims=True)
    idx_ref[0] = acc
    b = pl.program_id(0)
    gidx_ref[0] = acc + b * S


def _topk(scol, srow):
    return pl.pallas_call(
        _topk_body,
        grid=(B,),
        in_specs=[
            pl.BlockSpec((1, S, 1), lambda b: (b, 0, 0)),
            pl.BlockSpec((1, 1, S), lambda b: (b, 0, 0)),
        ],
        out_specs=[
            pl.BlockSpec((1, 1, K), lambda b: (b, 0, 0)),
            pl.BlockSpec((1, 1, K), lambda b: (b, 0, 0)),
            pl.BlockSpec((1, 1, S), lambda b: (b, 0, 0)),
        ],
        out_shape=[
            jax.ShapeDtypeStruct((B, 1, K), jnp.int32),
            jax.ShapeDtypeStruct((B, 1, K), jnp.int32),
            jax.ShapeDtypeStruct((B, 1, S), jnp.float32),
        ],
        scratch_shapes=[pltpu.VMEM((S, 1), jnp.int32)],
    )(scol, srow)



_NC = 2
_NS = 16
_NW = _NC * _NS
_RPW = (B * K) // _NW
_GC = 16
_NCHUNK = _RPW // _GC
_NBUF = 3


def _gather_body(x_hbm, gidx_hbm, out_hbm, idx_v, rows0, rows1, rows2,
                 g0, g1, g2, w0, w1, w2):
    wid = lax.axis_index("s") * _NC + lax.axis_index("c")
    base = wid * _RPW
    pltpu.sync_copy(gidx_hbm.at[pl.ds(base, _RPW)], idx_v)
    bufs = (rows0, rows1, rows2)
    gsems = (g0, g1, g2)
    wsems = (w0, w1, w2)

    def gather_start(c):
        return pltpu.async_copy(
            x_hbm.at[idx_v.at[pl.ds(c * _GC, _GC)]], bufs[c % _NBUF],
            gsems[c % _NBUF])

    gd = {c: gather_start(c) for c in range(_NBUF)}
    wd = {}
    for c in range(_NCHUNK):
        cur = c % _NBUF
        gd[c].wait()
        wd[c] = pltpu.async_copy(bufs[cur],
                                 out_hbm.at[pl.ds(base + c * _GC, _GC)],
                                 wsems[cur])
        if c + _NBUF < _NCHUNK:
            wd[c].wait()
            gd[c + _NBUF] = gather_start(c + _NBUF)
    for c in range(_NCHUNK - _NBUF, _NCHUNK):
        if c >= 0 and c in wd:
            wd[c].wait()


@functools.cache
def _gather_kernel():
    return functools.partial(
        pl.kernel,
        out_type=jax.ShapeDtypeStruct((B * K, D), jnp.float32),
        mesh=plsc.VectorSubcoreMesh(
            core_axis_name="c", subcore_axis_name="s",
            num_cores=_NC, num_subcores=_NS),
        scratch_types=(
            [pltpu.VMEM((_RPW,), jnp.int32)]
            + [pltpu.VMEM((_GC, D), jnp.float32)] * _NBUF
            + [pltpu.SemaphoreType.DMA] * (2 * _NBUF)
        ),
    )(_gather_body)


def _gather(x2d, gidx):
    return _gather_kernel()(x2d, gidx)




def kernel(x, W):
    s_cmp = jnp.einsum('bsd,od->bs', x, W)
    idx, gidx, sout = _topk(jnp.reshape(s_cmp, (B, S, 1)),
                            jnp.reshape(s_cmp, (B, 1, S)))
    routed = _gather(jnp.reshape(x, (B * S, D)), jnp.reshape(gidx, (B * K,)))
    scores = jnp.reshape(sout, (B, S))
    return (jnp.reshape(routed, (B, K, D)), jnp.reshape(idx, (B, K)),
            scores)

# --- scband reference (transcript-rebuilt; emitter-appended) ---
"""Pipeline reference for scband-mo-drouter-34428457844853 (READ-ONLY COPY).

The authoritative reference and input builder live on the scoring server;
editing this copy changes nothing except your own understanding.
"""

import jax, jax.numpy as jnp
import numpy as np

BATCH = 4
SEQ = 4096
DIM = 2048
CAPACITY = 0.75

def setup_inputs(seed: int = 0) -> dict:
    key = jax.random.key(seed)
    k1, k2 = jax.random.split(key)
    x = jax.random.normal(k1, (BATCH, SEQ, DIM), dtype=jnp.float32)
    # router weight: nn.Linear(dim, 1, bias=False), init normal std=0.02
    W = jax.random.normal(k2, (1, DIM), dtype=jnp.float32) * 0.02
    return {"x": x, "W": W}

def reference(x, W):
    bsz, seq_len, dim = x.shape
    k = max(1, int(seq_len * CAPACITY))
    # scores = Linear(x).squeeze(-1)  -> (B, S)
    scores = jnp.einsum('bsd,od->bs', x, W)
    # top-k over seq dim, sorted (matches torch.topk sorted=True)
    topk_scores, indices = jax.lax.top_k(scores, k)
    # gather selected tokens: (B, k, D)
    routed_x = jnp.take_along_axis(x, indices[:, :, None], axis=1)
    return routed_x, indices, scores

if __name__ == "__main__":
    import jax
    _d = setup_inputs()
    print(jax.jit(kernel)(*tuple(_d.values())))

</pallas_src>

<mosaic_0001>
#map = affine_map<(d0, d1) -> (0, 0)>
#map1 = affine_map<(d0, d1) -> (0)>
module attributes {stable_mosaic.version = 14 : i64} {
  func.func @_gather_body(%arg0: i32, %arg1: i32, %arg2: memref<16384x2048xf32, #tpu.memory_space<hbm>>, %arg3: memref<12288xi32, #tpu.memory_space<hbm>>, %arg4: memref<12288x2048xf32, #tpu.memory_space<hbm>>, %arg5: memref<384xi32, #tpu.memory_space<vmem>>, %arg6: memref<16x2048xf32, #tpu.memory_space<vmem>>, %arg7: memref<16x2048xf32, #tpu.memory_space<vmem>>, %arg8: memref<16x2048xf32, #tpu.memory_space<vmem>>, %arg9: memref<!tpu.dma_semaphore, #tpu.memory_space<semaphore_mem>>, %arg10: memref<!tpu.dma_semaphore, #tpu.memory_space<semaphore_mem>>, %arg11: memref<!tpu.dma_semaphore, #tpu.memory_space<semaphore_mem>>, %arg12: memref<!tpu.dma_semaphore, #tpu.memory_space<semaphore_mem>>, %arg13: memref<!tpu.dma_semaphore, #tpu.memory_space<semaphore_mem>>, %arg14: memref<!tpu.dma_semaphore, #tpu.memory_space<semaphore_mem>>) attributes {dimension_semantics = [#tpu.dimension_semantics<core_parallel>, #tpu.dimension_semantics<subcore_parallel>], iteration_bounds = array<i64: 2, 16>, scalar_prefetch = 0 : i64, scratch_operands = 10 : i64, tpu.core_type = #tpu.core_type<sc_vector_subcore>, window_params = [{transform_indices = #map}, {transform_indices = #map1}, {transform_indices = #map}]} {
    %mul3A = arith.constant 2 : i32
    %mul3A_0 = arith.muli %arg1, %mul3A : i32
    %add3A = arith.addi %mul3A_0, %arg0 : i32
    %mul3A_1 = arith.constant 384 : i32
    %mul3A_2 = arith.muli %add3A, %mul3A_1 : i32
    "tpu.region"() ({
      %run_scoped3A = tpu.sem_alloc : memref<!tpu.dma_semaphore, #tpu.memory_space<semaphore_mem>>
      %dma_start3A_481 = tpu.memref_slice %arg3[%mul3A_2] : memref<12288xi32, #tpu.memory_space<hbm>> -> memref<384xi32, #tpu.memory_space<hbm>>
      %dma_start3A_482 = tpu.memref_slice %arg3[%mul3A_2] : memref<12288xi32, #tpu.memory_space<hbm>> -> memref<384xi32, #tpu.memory_space<hbm>>
      tpu.enqueue_dma source(%dma_start3A_482 : memref<384xi32, #tpu.memory_space<hbm>>) target(%arg5 : memref<384xi32, #tpu.memory_space<vmem>>) target_semaphore(%run_scoped3A : memref<!tpu.dma_semaphore, #tpu.memory_space<semaphore_mem>>)
      %dma_wait3A_483 = tpu.memref_slice %arg3[%mul3A_2] : memref<12288xi32, #tpu.memory_space<hbm>> -> memref<384xi32, #tpu.memory_space<hbm>>
      %dma_wait3A_484 = tpu.memref_slice %arg3[%mul3A_2] : memref<12288xi32, #tpu.memory_space<hbm>> -> memref<384xi32, #tpu.memory_space<hbm>>
      tpu.wait_dma2 semaphore(%run_scoped3A : memref<!tpu.dma_semaphore, #tpu.memory_space<semaphore_mem>>) src(%dma_wait3A_484 : memref<384xi32, #tpu.memory_space<hbm>>) dst(%arg5 : memref<384xi32, #tpu.memory_space<vmem>>)
      tpu.yield
    }) : () -> ()
    %dma_start3A = arith.constant 0 : i32
    %dma_start3A_3 = tpu.memref_slice %arg5[%dma_start3A] : memref<384xi32, #tpu.memory_space<vmem>> -> memref<16xi32, #tpu.memory_space<vmem>>
    %dma_start3A_4 = arith.constant 0 : i32
    %dma_start3A_5 = arith.constant 0 : i32
    %dma_start3A_6 = tpu.memref_slice %arg2[%dma_start3A_4, %dma_start3A_5] : memref<16384x2048xf32, #tpu.memory_space<hbm>> -> memref<16384x2048xf32, #tpu.memory_space<hbm>>
    tpu.enqueue_indirect_dma source(%dma_start3A_6 : memref<16384x2048xf32, #tpu.memory_space<hbm>>) target(%arg6 : memref<16x2048xf32, #tpu.memory_space<vmem>>) offsets(%dma_start3A_3 : memref<16xi32, #tpu.memory_space<vmem>>) semaphore(%arg9 : memref<!tpu.dma_semaphore, #tpu.memory_space<semaphore_mem>>)
    %dma_start3A_7 = arith.constant 16 : i32
    %dma_start3A_8 = tpu.memref_slice %arg5[%dma_start3A_7] : memref<384xi32, #tpu.memory_space<vmem>> -> memref<16xi32, #tpu.memory_space<vmem>>
    %dma_start3A_9 = arith.constant 0 : i32
    %dma_start3A_10 = arith.constant 0 : i32
    %dma_start3A_11 = tpu.memref_slice %arg2[%dma_start3A_9, %dma_start3A_10] : memref<16384x2048xf32, #tpu.memory_space<hbm>> -> memref<16384x2048xf32, #tpu.memory_space<hbm>>
    tpu.enqueue_indirect_dma source(%dma_start3A_11 : memref<16384x2048xf32, #tpu.memory_space<hbm>>) target(%arg7 : memref<16x2048xf32, #tpu.memory_space<vmem>>) offsets(%dma_start3A_8 : memref<16xi32, #tpu.memory_space<vmem>>) semaphore(%arg10 : memref<!tpu.dma_semaphore, #tpu.memory_space<semaphore_mem>>)
    %dma_start3A_12 = arith.constant 32 : i32
    %dma_start3A_13 = tpu.memref_slice %arg5[%dma_start3A_12] : memref<384xi32, #tpu.memory_space<vmem>> -> memref<16xi32, #tpu.memory_space<vmem>>
    %dma_start3A_14 = arith.constant 0 : i32
    %dma_start3A_15 = arith.constant 0 : i32
    %dma_start3A_16 = tpu.memref_slice %arg2[%dma_start3A_14, %dma_start3A_15] : memref<16384x2048xf32, #tpu.memory_space<hbm>> -> memref<16384x2048xf32, #tpu.memory_space<hbm>>
    tpu.enqueue_indirect_dma source(%dma_start3A_16 : memref<16384x2048xf32, #tpu.memory_space<hbm>>) target(%arg8 : memref<16x2048xf32, #tpu.memory_space<vmem>>) offsets(%dma_start3A_13 : memref<16xi32, #tpu.memory_space<vmem>>) semaphore(%arg11 : memref<!tpu.dma_semaphore, #tpu.memory_space<semaphore_mem>>)
    %dma_wait3A = arith.constant 0 : i32
    %dma_wait3A_17 = tpu.memref_slice %arg5[%dma_wait3A] : memref<384xi32, #tpu.memory_space<vmem>> -> memref<16xi32, #tpu.memory_space<vmem>>
    %dma_wait3A_18 = arith.constant 0 : i32
    %dma_wait3A_19 = arith.constant 0 : i32
    %dma_wait3A_20 = tpu.memref_slice %arg2[%dma_wait3A_18, %dma_wait3A_19] : memref<16384x2048xf32, #tpu.memory_space<hbm>> -> memref<16384x2048xf32, #tpu.memory_space<hbm>>
    tpu.wait_indirect_dma semaphore(%arg9 : memref<!tpu.dma_semaphore, #tpu.memory_space<semaphore_mem>>) src(%dma_wait3A_20 : memref<16384x2048xf32, #tpu.memory_space<hbm>>) dst(%arg6 : memref<16x2048xf32, #tpu.memory_space<vmem>>)
    %add3A_21 = arith.constant 0 : i32
    %add3A_22 = arith.addi %mul3A_2, %add3A_21 : i32
    %dma_start3A_23 = arith.constant 0 : i32
    %dma_start3A_24 = tpu.memref_slice %arg4[%add3A_22, %dma_start3A_23] : memref<12288x2048xf32, #tpu.memory_space<hbm>> -> memref<16x2048xf32, #tpu.memory_space<hbm>>
    %dma_start3A_25 = arith.constant 0 : i32
    %dma_start3A_26 = tpu.memref_slice %arg4[%add3A_22, %dma_start3A_25] : memref<12288x2048xf32, #tpu.memory_space<hbm>> -> memref<16x2048xf32, #tpu.memory_space<hbm>>
    tpu.enqueue_dma source(%arg6 : memref<16x2048xf32, #tpu.memory_space<vmem>>) target(%dma_start3A_26 : memref<16x2048xf32, #tpu.memory_space<hbm>>) target_semaphore(%arg12 : memref<!tpu.dma_semaphore, #tpu.memory_space<semaphore_mem>>)
    %dma_wait3A_27 = arith.constant 0 : i32
    %dma_wait3A_28 = tpu.memref_slice %arg4[%add3A_22, %dma_wait3A_27] : memref<12288x2048xf32, #tpu.memory_space<hbm>> -> memref<16x2048xf32, #tpu.memory_space<hbm>>
    %dma_wait3A_29 = arith.constant 0 : i32
    %dma_wait3A_30 = tpu.memref_slice %arg4[%add3A_22, %dma_wait3A_29] : memref<12288x2048xf32, #tpu.memory_space<hbm>> -> memref<16x2048xf32, #tpu.memory_space<hbm>>
    tpu.wait_dma2 semaphore(%arg12 : memref<!tpu.dma_semaphore, #tpu.memory_space<semaphore_mem>>) src(%arg6 : memref<16x2048xf32, #tpu.memory_space<vmem>>) dst(%dma_wait3A_30 : memref<16x2048xf32, #tpu.memory_space<hbm>>)
    %dma_start3A_31 = arith.constant 48 : i32
    %dma_start3A_32 = tpu.memref_slice %arg5[%dma_start3A_31] : memref<384xi32, #tpu.memory_space<vmem>> -> memref<16xi32, #tpu.memory_space<vmem>>
    %dma_start3A_33 = arith.constant 0 : i32
    %dma_start3A_34 = arith.constant 0 : i32
    %dma_start3A_35 = tpu.memref_slice %arg2[%dma_start3A_33, %dma_start3A_34] : memref<16384x2048xf32, #tpu.memory_space<hbm>> -> memref<16384x2048xf32, #tpu.memory_space<hbm>>
    tpu.enqueue_indirect_dma source(%dma_start3A_35 : memref<16384x2048xf32, #tpu.memory_space<hbm>>) target(%arg6 : memref<16x2048xf32, #tpu.memory_space<vmem>>) offsets(%dma_start3A_32 : memref<16xi32, #tpu.memory_space<vmem>>) semaphore(%arg9 : memref<!tpu.dma_semaphore, #tpu.memory_space<semaphore_mem>>)
    %dma_wait3A_36 = arith.constant 16 : i32
    %dma_wait3A_37 = tpu.memref_slice %arg5[%dma_wait3A_36] : memref<384xi32, #tpu.memory_space<vmem>> -> memref<16xi32, #tpu.memory_space<vmem>>
    %dma_wait3A_38 = arith.constant 0 : i32
    %dma_wait3A_39 = arith.constant 0 : i32
    %dma_wait3A_40 = tpu.memref_slice %arg2[%dma_wait3A_38, %dma_wait3A_39] : memref<16384x2048xf32, #tpu.memory_space<hbm>> -> memref<16384x2048xf32, #tpu.memory_space<hbm>>
    tpu.wait_indirect_dma semaphore(%arg10 : memref<!tpu.dma_semaphore, #tpu.memory_space<semaphore_mem>>) src(%dma_wait3A_40 : memref<16384x2048xf32, #tpu.memory_space<hbm>>) dst(%arg7 : memref<16x2048xf32, #tpu.memory_space<vmem>>)
    %add3A_41 = arith.constant 16 : i32
    %add3A_42 = arith.addi %mul3A_2, %add3A_41 : i32
    %dma_start3A_43 = arith.constant 0 : i32
    %dma_start3A_44 = tpu.memref_slice %arg4[%add3A_42, %dma_start3A_43] : memref<12288x2048xf32, #tpu.memory_space<hbm>> -> memref<16x2048xf32, #tpu.memory_space<hbm>>
    %dma_start3A_45 = arith.constant 0 : i32
    %dma_start3A_46 = tpu.memref_slice %arg4[%add3A_42, %dma_start3A_45] : memref<12288x2048xf32, #tpu.memory_space<hbm>> -> memref<16x2048xf32, #tpu.memory_space<hbm>>
    tpu.enqueue_dma source(%arg7 : memref<16x2048xf32, #tpu.memory_space<vmem>>) target(%dma_start3A_46 : memref<16x2048xf32, #tpu.memory_space<hbm>>) target_semaphore(%arg13 : memref<!tpu.dma_semaphore, #tpu.memory_space<semaphore_mem>>)
    %dma_wait3A_47 = arith.constant 0 : i32
    %dma_wait3A_48 = tpu.memref_slice %arg4[%add3A_42, %dma_wait3A_47] : memref<12288x2048xf32, #tpu.memory_space<hbm>> -> memref<16x2048xf32, #tpu.memory_space<hbm>>
    %dma_wait3A_49 = arith.constant 0 : i32
    %dma_wait3A_50 = tpu.memref_slice %arg4[%add3A_42, %dma_wait3A_49] : memref<12288x2048xf32, #tpu.memory_space<hbm>> -> memref<16x2048xf32, #tpu.memory_space<hbm>>
    tpu.wait_dma2 semaphore(%arg13 : memref<!tpu.dma_semaphore, #tpu.memory_space<semaphore_mem>>) src(%arg7 : memref<16x2048xf32, #tpu.memory_space<vmem>>) dst(%dma_wait3A_50 : memref<16x2048xf32, #tpu.memory_space<hbm>>)
    %dma_start3A_51 = arith.constant 64 : i32
    %dma_start3A_52 = tpu.memref_slice %arg5[%dma_start3A_51] : memref<384xi32, #tpu.memory_space<vmem>> -> memref<16xi32, #tpu.memory_space<vmem>>
    %dma_start3A_53 = arith.constant 0 : i32
    %dma_start3A_54 = arith.constant 0 : i32
    %dma_start3A_55 = tpu.memref_slice %arg2[%dma_start3A_53, %dma_start3A_54] : memref<16384x2048xf32, #tpu.memory_space<hbm>> -> memref<16384x2048xf32, #tpu.memory_space<hbm>>
    tpu.enqueue_indirect_dma source(%dma_start3A_55 : memref<16384x2048xf32, #tpu.memory_space<hbm>>) target(%arg7 : memref<16x2048xf32, #tpu.memory_space<vmem>>) offsets(%dma_start3A_52 : memref<16xi32, #tpu.memory_space<vmem>>) semaphore(%arg10 : memref<!tpu.dma_semaphore, #tpu.memory_space<semaphore_mem>>)
    %dma_wait3A_56 = arith.constant 32 : i32
    %dma_wait3A_57 = tpu.memref_slice %arg5[%dma_wait3A_56] : memref<384xi32, #tpu.memory_space<vmem>> -> memref<16xi32, #tpu.memory_space<vmem>>
    %dma_wait3A_58 = arith.constant 0 : i32
    %dma_wait3A_59 = arith.constant 0 : i32
    %dma_wait3A_60 = tpu.memref_slice %arg2[%dma_wait3A_58, %dma_wait3A_59] : memref<16384x2048xf32, #tpu.memory_space<hbm>> -> memref<16384x2048xf32, #tpu.memory_space<hbm>>
    tpu.wait_indirect_dma semaphore(%arg11 : memref<!tpu.dma_semaphore, #tpu.memory_space<semaphore_mem>>) src(%dma_wait3A_60 : memref<16384x2048xf32, #tpu.memory_space<hbm>>) dst(%arg8 : memref<16x2048xf32, #tpu.memory_space<vmem>>)
    %add3A_61 = arith.constant 32 : i32
    %add3A_62 = arith.addi %mul3A_2, %add3A_61 : i32
    %dma_start3A_63 = arith.constant 0 : i32
    %dma_start3A_64 = tpu.memref_slice %arg4[%add3A_62, %dma_start3A_63] : memref<12288x2048xf32, #tpu.memory_space<hbm>> -> memref<16x2048xf32, #tpu.memory_space<hbm>>
    %dma_start3A_65 = arith.constant 0 : i32
    %dma_start3A_66 = tpu.memref_slice %arg4[%add3A_62, %dma_start3A_65] : memref<12288x2048xf32, #tpu.memory_space<hbm>> -> memref<16x2048xf32, #tpu.memory_space<hbm>>
    tpu.enqueue_dma source(%arg8 : memref<16x2048xf32, #tpu.memory_space<vmem>>) target(%dma_start3A_66 : memref<16x2048xf32, #tpu.memory_space<hbm>>) target_semaphore(%arg14 : memref<!tpu.dma_semaphore, #tpu.memory_space<semaphore_mem>>)
    %dma_wait3A_67 = arith.constant 0 : i32
    %dma_wait3A_68 = tpu.memref_slice %arg4[%add3A_62, %dma_wait3A_67] : memref<12288x2048xf32, #tpu.memory_space<hbm>> -> memref<16x2048xf32, #tpu.memory_space<hbm>>
    %dma_wait3A_69 = arith.constant 0 : i32
    %dma_wait3A_70 = tpu.memref_slice %arg4[%add3A_62, %dma_wait3A_69] : memref<12288x2048xf32, #tpu.memory_space<hbm>> -> memref<16x2048xf32, #tpu.memory_space<hbm>>
    tpu.wait_dma2 semaphore(%arg14 : memref<!tpu.dma_semaphore, #tpu.memory_space<semaphore_mem>>) src(%arg8 : memref<16x2048xf32, #tpu.memory_space<vmem>>) dst(%dma_wait3A_70 : memref<16x2048xf32, #tpu.memory_space<hbm>>)
    %dma_start3A_71 = arith.constant 80 : i32
    %dma_start3A_72 = tpu.memref_slice %arg5[%dma_start3A_71] : memref<384xi32, #tpu.memory_space<vmem>> -> memref<16xi32, #tpu.memory_space<vmem>>
    %dma_start3A_73 = arith.constant 0 : i32
    %dma_start3A_74 = arith.constant 0 : i32
    %dma_start3A_75 = tpu.memref_slice %arg2[%dma_start3A_73, %dma_start3A_74] : memref<16384x2048xf32, #tpu.memory_space<hbm>> -> memref<16384x2048xf32, #tpu.memory_space<hbm>>
    tpu.enqueue_indirect_dma source(%dma_start3A_75 : memref<16384x2048xf32, #tpu.memory_space<hbm>>) target(%arg8 : memref<16x2048xf32, #tpu.memory_space<vmem>>) offsets(%dma_start3A_72 : memref<16xi32, #tpu.memory_space<vmem>>) semaphore(%arg11 : memref<!tpu.dma_semaphore, #tpu.memory_space<semaphore_mem>>)
    %dma_wait3A_76 = arith.constant 48 : i32
    %dma_wait3A_77 = tpu.memref_slice %arg5[%dma_wait3A_76] : memref<384xi32, #tpu.memory_space<vmem>> -> memref<16xi32, #tpu.memory_space<vmem>>
    %dma_wait3A_78 = arith.constant 0 : i32
    %dma_wait3A_79 = arith.constant 0 : i32
    %dma_wait3A_80 = tpu.memref_slice %arg2[%dma_wait3A_78, %dma_wait3A_79] : memref<16384x2048xf32, #tpu.memory_space<hbm>> -> memref<16384x2048xf32, #tpu.memory_space<hbm>>
    tpu.wait_indirect_dma semaphore(%arg9 : memref<!tpu.dma_semaphore, #tpu.memory_space<semaphore_mem>>) src(%dma_wait3A_80 : memref<16384x2048xf32, #tpu.memory_space<hbm>>) dst(%arg6 : memref<16x2048xf32, #tpu.memory_space<vmem>>)
    %add3A_81 = arith.constant 48 : i32
    %add3A_82 = arith.addi %mul3A_2, %add3A_81 : i32
    %dma_start3A_83 = arith.constant 0 : i32
    %dma_start3A_84 = tpu.memref_slice %arg4[%add3A_82, %dma_start3A_83] : memref<12288x2048xf32, #tpu.memory_space<hbm>> -> memref<16x2048xf32, #tpu.memory_space<hbm>>
    %dma_start3A_85 = arith.constant 0 : i32
    %dma_start3A_86 = tpu.memref_slice %arg4[%add3A_82, %dma_start3A_85] : memref<12288x2048xf32, #tpu.memory_space<hbm>> -> memref<16x2048xf32, #tpu.memory_space<hbm>>
    tpu.enqueue_dma source(%arg6 : memref<16x2048xf32, #tpu.memory_space<vmem>>) target(%dma_start3A_86 : memref<16x2048xf32, #tpu.memory_space<hbm>>) target_semaphore(%arg12 : memref<!tpu.dma_semaphore, #tpu.memory_space<semaphore_mem>>)
    %dma_wait3A_87 = arith.constant 0 : i32
    %dma_wait3A_88 = tpu.memref_slice %arg4[%add3A_82, %dma_wait3A_87] : memref<12288x2048xf32, #tpu.memory_space<hbm>> -> memref<16x2048xf32, #tpu.memory_space<hbm>>
    %dma_wait3A_89 = arith.constant 0 : i32
    %dma_wait3A_90 = tpu.memref_slice %arg4[%add3A_82, %dma_wait3A_89] : memref<12288x2048xf32, #tpu.memory_space<hbm>> -> memref<16x2048xf32, #tpu.memory_space<hbm>>
    tpu.wait_dma2 semaphore(%arg12 : memref<!tpu.dma_semaphore, #tpu.memory_space<semaphore_mem>>) src(%arg6 : memref<16x2048xf32, #tpu.memory_space<vmem>>) dst(%dma_wait3A_90 : memref<16x2048xf32, #tpu.memory_space<hbm>>)
    %dma_start3A_91 = arith.constant 96 : i32
    %dma_start3A_92 = tpu.memref_slice %arg5[%dma_start3A_91] : memref<384xi32, #tpu.memory_space<vmem>> -> memref<16xi32, #tpu.memory_space<vmem>>
    %dma_start3A_93 = arith.constant 0 : i32
    %dma_start3A_94 = arith.constant 0 : i32
    %dma_start3A_95 = tpu.memref_slice %arg2[%dma_start3A_93, %dma_start3A_94] : memref<16384x2048xf32, #tpu.memory_space<hbm>> -> memref<16384x2048xf32, #tpu.memory_space<hbm>>
    tpu.enqueue_indirect_dma source(%dma_start3A_95 : memref<16384x2048xf32, #tpu.memory_space<hbm>>) target(%arg6 : memref<16x2048xf32, #tpu.memory_space<vmem>>) offsets(%dma_start3A_92 : memref<16xi32, #tpu.memory_space<vmem>>) semaphore(%arg9 : memref<!tpu.dma_semaphore, #tpu.memory_space<semaphore_mem>>)
    %dma_wait3A_96 = arith.constant 64 : i32
    %dma_wait3A_97 = tpu.memref_slice %arg5[%dma_wait3A_96] : memref<384xi32, #tpu.memory_space<vmem>> -> memref<16xi32, #tpu.memory_space<vmem>>
    %dma_wait3A_98 = arith.constant 0 : i32
    %dma_wait3A_99 = arith.constant 0 : i32
    %dma_wait3A_100 = tpu.memref_slice %arg2[%dma_wait3A_98, %dma_wait3A_99] : memref<16384x2048xf32, #tpu.memory_space<hbm>> -> memref<16384x2048xf32, #tpu.memory_space<hbm>>
    tpu.wait_indirect_dma semaphore(%arg10 : memref<!tpu.dma_semaphore, #tpu.memory_space<semaphore_mem>>) src(%dma_wait3A_100 : memref<16384x2048xf32, #tpu.memory_space<hbm>>) dst(%arg7 : memref<16x2048xf32, #tpu.memory_space<vmem>>)
    %add3A_101 = arith.constant 64 : i32
    %add3A_102 = arith.addi %mul3A_2, %add3A_101 : i32
    %dma_start3A_103 = arith.constant 0 : i32
    %dma_start3A_104 = tpu.memref_slice %arg4[%add3A_102, %dma_start3A_103] : memref<12288x2048xf32, #tpu.memory_space<hbm>> -> memref<16x2048xf32, #tpu.memory_space<hbm>>
    %dma_start3A_105 = arith.constant 0 : i32
    %dma_start3A_106 = tpu.memref_slice %arg4[%add3A_102, %dma_start3A_105] : memref<12288x2048xf32, #tpu.memory_space<hbm>> -> memref<16x2048xf32, #tpu.memory_space<hbm>>
    tpu.enqueue_dma source(%arg7 : memref<16x2048xf32, #tpu.memory_space<vmem>>) target(%dma_start3A_106 : memref<16x2048xf32, #tpu.memory_space<hbm>>) target_semaphore(%arg13 : memref<!tpu.dma_semaphore, #tpu.memory_space<semaphore_mem>>)
    %dma_wait3A_107 = arith.constant 0 : i32
    %dma_wait3A_108 = tpu.memref_slice %arg4[%add3A_102, %dma_wait3A_107] : memref<12288x2048xf32, #tpu.memory_space<hbm>> -> memref<16x2048xf32, #tpu.memory_space<hbm>>
    %dma_wait3A_109 = arith.constant 0 : i32
    %dma_wait3A_110 = tpu.memref_slice %arg4[%add3A_102, %dma_wait3A_109] : memref<12288x2048xf32, #tpu.memory_space<hbm>> -> memref<16x2048xf32, #tpu.memory_space<hbm>>
    tpu.wait_dma2 semaphore(%arg13 : memref<!tpu.dma_semaphore, #tpu.memory_space<semaphore_mem>>) src(%arg7 : memref<16x2048xf32, #tpu.memory_space<vmem>>) dst(%dma_wait3A_110 : memref<16x2048xf32, #tpu.memory_space<hbm>>)
    %dma_start3A_111 = arith.constant 112 : i32
    %dma_start3A_112 = tpu.memref_slice %arg5[%dma_start3A_111] : memref<384xi32, #tpu.memory_space<vmem>> -> memref<16xi32, #tpu.memory_space<vmem>>
    %dma_start3A_113 = arith.constant 0 : i32
    %dma_start3A_114 = arith.constant 0 : i32
    %dma_start3A_115 = tpu.memref_slice %arg2[%dma_start3A_113, %dma_start3A_114] : memref<16384x2048xf32, #tpu.memory_space<hbm>> -> memref<16384x2048xf32, #tpu.memory_space<hbm>>
    tpu.enqueue_indirect_dma source(%dma_start3A_115 : memref<16384x2048xf32, #tpu.memory_space<hbm>>) target(%arg7 : memref<16x2048xf32, #tpu.memory_space<vmem>>) offsets(%dma_start3A_112 : memref<16xi32, #tpu.memory_space<vmem>>) semaphore(%arg10 : memref<!tpu.dma_semaphore, #tpu.memory_space<semaphore_mem>>)
    %dma_wait3A_116 = arith.constant 80 : i32
    %dma_wait3A_117 = tpu.memref_slice %arg5[%dma_wait3A_116] : memref<384xi32, #tpu.memory_space<vmem>> -> memref<16xi32, #tpu.memory_space<vmem>>
    %dma_wait3A_118 = arith.constant 0 : i32
    %dma_wait3A_119 = arith.constant 0 : i32
    %dma_wait3A_120 = tpu.memref_slice %arg2[%dma_wait3A_118, %dma_wait3A_119] : memref<16384x2048xf32, #tpu.memory_space<hbm>> -> memref<16384x2048xf32, #tpu.memory_space<hbm>>
    tpu.wait_indirect_dma semaphore(%arg11 : memref<!tpu.dma_semaphore, #tpu.memory_space<semaphore_mem>>) src(%dma_wait3A_120 : memref<16384x2048xf32, #tpu.memory_space<hbm>>) dst(%arg8 : memref<16x2048xf32, #tpu.memory_space<vmem>>)
    %add3A_121 = arith.constant 80 : i32
    %add3A_122 = arith.addi %mul3A_2, %add3A_121 : i32
    %dma_start3A_123 = arith.constant 0 : i32
    %dma_start3A_124 = tpu.memref_slice %arg4[%add3A_122, %dma_start3A_123] : memref<12288x2048xf32, #tpu.memory_space<hbm>> -> memref<16x2048xf32, #tpu.memory_space<hbm>>
    %dma_start3A_125 = arith.constant 0 : i32
    %dma_start3A_126 = tpu.memref_slice %arg4[%add3A_122, %dma_start3A_125] : memref<12288x2048xf32, #tpu.memory_space<hbm>> -> memref<16x2048xf32, #tpu.memory_space<hbm>>
    tpu.enqueue_dma source(%arg8 : memref<16x2048xf32, #tpu.memory_space<vmem>>) target(%dma_start3A_126 : memref<16x2048xf32, #tpu.memory_space<hbm>>) target_semaphore(%arg14 : memref<!tpu.dma_semaphore, #tpu.memory_space<semaphore_mem>>)
    %dma_wait3A_127 = arith.constant 0 : i32
    %dma_wait3A_128 = tpu.memref_slice %arg4[%add3A_122, %dma_wait3A_127] : memref<12288x2048xf32, #tpu.memory_space<hbm>> -> memref<16x2048xf32, #tpu.memory_space<hbm>>
    %dma_wait3A_129 = arith.constant 0 : i32
    %dma_wait3A_130 = tpu.memref_slice %arg4[%add3A_122, %dma_wait3A_129] : memref<12288x2048xf32, #tpu.memory_space<hbm>> -> memref<16x2048xf32, #tpu.memory_space<hbm>>
    tpu.wait_dma2 semaphore(%arg14 : memref<!tpu.dma_semaphore, #tpu.memory_space<semaphore_mem>>) src(%arg8 : memref<16x2048xf32, #tpu.memory_space<vmem>>) dst(%dma_wait3A_130 : memref<16x2048xf32, #tpu.memory_space<hbm>>)
    %dma_start3A_131 = arith.constant 128 : i32
    %dma_start3A_132 = tpu.memref_slice %arg5[%dma_start3A_131] : memref<384xi32, #tpu.memory_space<vmem>> -> memref<16xi32, #tpu.memory_space<vmem>>
    %dma_start3A_133 = arith.constant 0 : i32
    %dma_start3A_134 = arith.constant 0 : i32
    %dma_start3A_135 = tpu.memref_slice %arg2[%dma_start3A_133, %dma_start3A_134] : memref<16384x2048xf32, #tpu.memory_space<hbm>> -> memref<16384x2048xf32, #tpu.memory_space<hbm>>
    tpu.enqueue_indirect_dma source(%dma_start3A_135 : memref<16384x2048xf32, #tpu.memory_space<hbm>>) target(%arg8 : memref<16x2048xf32, #tpu.memory_space<vmem>>) offsets(%dma_start3A_132 : memref<16xi32, #tpu.memory_space<vmem>>) semaphore(%arg11 : memref<!tpu.dma_semaphore, #tpu.memory_space<semaphore_mem>>)
    %dma_wait3A_136 = arith.constant 96 : i32
    %dma_wait3A_137 = tpu.memref_slice %arg5[%dma_wait3A_136] : memref<384xi32, #tpu.memory_space<vmem>> -> memref<16xi32, #tpu.memory_space<vmem>>
    %dma_wait3A_138 = arith.constant 0 : i32
    %dma_wait3A_139 = arith.constant 0 : i32
    %dma_wait3A_140 = tpu.memref_slice %arg2[%dma_wait3A_138, %dma_wait3A_139] : memref<16384x2048xf32, #tpu.memory_space<hbm>> -> memref<16384x2048xf32, #tpu.memory_space<hbm>>
    tpu.wait_indirect_dma semaphore(%arg9 : memref<!tpu.dma_semaphore, #tpu.memory_space<semaphore_mem>>) src(%dma_wait3A_140 : memref<16384x2048xf32, #tpu.memory_space<hbm>>) dst(%arg6 : memref<16x2048xf32, #tpu.memory_space<vmem>>)
    %add3A_141 = arith.constant 96 : i32
    %add3A_142 = arith.addi %mul3A_2, %add3A_141 : i32
    %dma_start3A_143 = arith.constant 0 : i32
    %dma_start3A_144 = tpu.memref_slice %arg4[%add3A_142, %dma_start3A_143] : memref<12288x2048xf32, #tpu.memory_space<hbm>> -> memref<16x2048xf32, #tpu.memory_space<hbm>>
    %dma_start3A_145 = arith.constant 0 : i32
    %dma_start3A_146 = tpu.memref_slice %arg4[%add3A_142, %dma_start3A_145] : memref<12288x2048xf32, #tpu.memory_space<hbm>> -> memref<16x2048xf32, #tpu.memory_space<hbm>>
    tpu.enqueue_dma source(%arg6 : memref<16x2048xf32, #tpu.memory_space<vmem>>) target(%dma_start3A_146 : memref<16x2048xf32, #tpu.memory_space<hbm>>) target_semaphore(%arg12 : memref<!tpu.dma_semaphore, #tpu.memory_space<semaphore_mem>>)
    %dma_wait3A_147 = arith.constant 0 : i32
    %dma_wait3A_148 = tpu.memref_slice %arg4[%add3A_142, %dma_wait3A_147] : memref<12288x2048xf32, #tpu.memory_space<hbm>> -> memref<16x2048xf32, #tpu.memory_space<hbm>>
    %dma_wait3A_149 = arith.constant 0 : i32
    %dma_wait3A_150 = tpu.memref_slice %arg4[%add3A_142, %dma_wait3A_149] : memref<12288x2048xf32, #tpu.memory_space<hbm>> -> memref<16x2048xf32, #tpu.memory_space<hbm>>
    tpu.wait_dma2 semaphore(%arg12 : memref<!tpu.dma_semaphore, #tpu.memory_space<semaphore_mem>>) src(%arg6 : memref<16x2048xf32, #tpu.memory_space<vmem>>) dst(%dma_wait3A_150 : memref<16x2048xf32, #tpu.memory_space<hbm>>)
    %dma_start3A_151 = arith.constant 144 : i32
    %dma_start3A_152 = tpu.memref_slice %arg5[%dma_start3A_151] : memref<384xi32, #tpu.memory_space<vmem>> -> memref<16xi32, #tpu.memory_space<vmem>>
    %dma_start3A_153 = arith.constant 0 : i32
    %dma_start3A_154 = arith.constant 0 : i32
    %dma_start3A_155 = tpu.memref_slice %arg2[%dma_start3A_153, %dma_start3A_154] : memref<16384x2048xf32, #tpu.memory_space<hbm>> -> memref<16384x2048xf32, #tpu.memory_space<hbm>>
    tpu.enqueue_indirect_dma source(%dma_start3A_155 : memref<16384x2048xf32, #tpu.memory_space<hbm>>) target(%arg6 : memref<16x2048xf32, #tpu.memory_space<vmem>>) offsets(%dma_start3A_152 : memref<16xi32, #tpu.memory_space<vmem>>) semaphore(%arg9 : memref<!tpu.dma_semaphore, #tpu.memory_space<semaphore_mem>>)
    %dma_wait3A_156 = arith.constant 112 : i32
    %dma_wait3A_157 = tpu.memref_slice %arg5[%dma_wait3A_156] : memref<384xi32, #tpu.memory_space<vmem>> -> memref<16xi32, #tpu.memory_space<vmem>>
    %dma_wait3A_158 = arith.constant 0 : i32
    %dma_wait3A_159 = arith.constant 0 : i32
    %dma_wait3A_160 = tpu.memref_slice %arg2[%dma_wait3A_158, %dma_wait3A_159] : memref<16384x2048xf32, #tpu.memory_space<hbm>> -> memref<16384x2048xf32, #tpu.memory_space<hbm>>
    tpu.wait_indirect_dma semaphore(%arg10 : memref<!tpu.dma_semaphore, #tpu.memory_space<semaphore_mem>>) src(%dma_wait3A_160 : memref<16384x2048xf32, #tpu.memory_space<hbm>>) dst(%arg7 : memref<16x2048xf32, #tpu.memory_space<vmem>>)
    %add3A_161 = arith.constant 112 : i32
    %add3A_162 = arith.addi %mul3A_2, %add3A_161 : i32
    %dma_start3A_163 = arith.constant 0 : i32
    %dma_start3A_164 = tpu.memref_slice %arg4[%add3A_162, %dma_start3A_163] : memref<12288x2048xf32, #tpu.memory_space<hbm>> -> memref<16x2048xf32, #tpu.memory_space<hbm>>
    %dma_start3A_165 = arith.constant 0 : i32
    %dma_start3A_166 = tpu.memref_slice %arg4[%add3A_162, %dma_start3A_165] : memref<12288x2048xf32, #tpu.memory_space<hbm>> -> memref<16x2048xf32, #tpu.memory_space<hbm>>
    tpu.enqueue_dma source(%arg7 : memref<16x2048xf32, #tpu.memory_space<vmem>>) target(%dma_start3A_166 : memref<16x2048xf32, #tpu.memory_space<hbm>>) target_semaphore(%arg13 : memref<!tpu.dma_semaphore, #tpu.memory_space<semaphore_mem>>)
    %dma_wait3A_167 = arith.constant 0 : i32
    %dma_wait3A_168 = tpu.memref_slice %arg4[%add3A_162, %dma_wait3A_167] : memref<12288x2048xf32, #tpu.memory_space<hbm>> -> memref<16x2048xf32, #tpu.memory_space<hbm>>
    %dma_wait3A_169 = arith.constant 0 : i32
    %dma_wait3A_170 = tpu.memref_slice %arg4[%add3A_162, %dma_wait3A_169] : memref<12288x2048xf32, #tpu.memory_space<hbm>> -> memref<16x2048xf32, #tpu.memory_space<hbm>>
    tpu.wait_dma2 semaphore(%arg13 : memref<!tpu.dma_semaphore, #tpu.memory_space<semaphore_mem>>) src(%arg7 : memref<16x2048xf32, #tpu.memory_space<vmem>>) dst(%dma_wait3A_170 : memref<16x2048xf32, #tpu.memory_space<hbm>>)
    %dma_start3A_171 = arith.constant 160 : i32
    %dma_start3A_172 = tpu.memref_slice %arg5[%dma_start3A_171] : memref<384xi32, #tpu.memory_space<vmem>> -> memref<16xi32, #tpu.memory_space<vmem>>
    %dma_start3A_173 = arith.constant 0 : i32
    %dma_start3A_174 = arith.constant 0 : i32
    %dma_start3A_175 = tpu.memref_slice %arg2[%dma_start3A_173, %dma_start3A_174] : memref<16384x2048xf32, #tpu.memory_space<hbm>> -> memref<16384x2048xf32, #tpu.memory_space<hbm>>
    tpu.enqueue_indirect_dma source(%dma_start3A_175 : memref<16384x2048xf32, #tpu.memory_space<hbm>>) target(%arg7 : memref<16x2048xf32, #tpu.memory_space<vmem>>) offsets(%dma_start3A_172 : memref<16xi32, #tpu.memory_space<vmem>>) semaphore(%arg10 : memref<!tpu.dma_semaphore, #tpu.memory_space<semaphore_mem>>)
    %dma_wait3A_176 = arith.constant 128 : i32
    %dma_wait3A_177 = tpu.memref_slice %arg5[%dma_wait3A_176] : memref<384xi32, #tpu.memory_space<vmem>> -> memref<16xi32, #tpu.memory_space<vmem>>
    %dma_wait3A_178 = arith.constant 0 : i32
    %dma_wait3A_179 = arith.constant 0 : i32
    %dma_wait3A_180 = tpu.memref_slice %arg2[%dma_wait3A_178, %dma_wait3A_179] : memref<16384x2048xf32, #tpu.memory_space<hbm>> -> memref<16384x2048xf32, #tpu.memory_space<hbm>>
    tpu.wait_indirect_dma semaphore(%arg11 : memref<!tpu.dma_semaphore, #tpu.memory_space<semaphore_mem>>) src(%dma_wait3A_180 : memref<16384x2048xf32, #tpu.memory_space<hbm>>) dst(%arg8 : memref<16x2048xf32, #tpu.memory_space<vmem>>)
    %add3A_181 = arith.constant 128 : i32
    %add3A_182 = arith.addi %mul3A_2, %add3A_181 : i32
    %dma_start3A_183 = arith.constant 0 : i32
    %dma_start3A_184 = tpu.memref_slice %arg4[%add3A_182, %dma_start3A_183] : memref<12288x2048xf32, #tpu.memory_space<hbm>> -> memref<16x2048xf32, #tpu.memory_space<hbm>>
    %dma_start3A_185 = arith.constant 0 : i32
    %dma_start3A_186 = tpu.memref_slice %arg4[%add3A_182, %dma_start3A_185] : memref<12288x2048xf32, #tpu.memory_space<hbm>> -> memref<16x2048xf32, #tpu.memory_space<hbm>>
    tpu.enqueue_dma source(%arg8 : memref<16x2048xf32, #tpu.memory_space<vmem>>) target(%dma_start3A_186 : memref<16x2048xf32, #tpu.memory_space<hbm>>) target_semaphore(%arg14 : memref<!tpu.dma_semaphore, #tpu.memory_space<semaphore_mem>>)
    %dma_wait3A_187 = arith.constant 0 : i32
    %dma_wait3A_188 = tpu.memref_slice %arg4[%add3A_182, %dma_wait3A_187] : memref<12288x2048xf32, #tpu.memory_space<hbm>> -> memref<16x2048xf32, #tpu.memory_space<hbm>>
    %dma_wait3A_189 = arith.constant 0 : i32
    %dma_wait3A_190 = tpu.memref_slice %arg4[%add3A_182, %dma_wait3A_189] : memref<12288x2048xf32, #tpu.memory_space<hbm>> -> memref<16x2048xf32, #tpu.memory_space<hbm>>
    tpu.wait_dma2 semaphore(%arg14 : memref<!tpu.dma_semaphore, #tpu.memory_space<semaphore_mem>>) src(%arg8 : memref<16x2048xf32, #tpu.memory_space<vmem>>) dst(%dma_wait3A_190 : memref<16x2048xf32, #tpu.memory_space<hbm>>)
    %dma_start3A_191 = arith.constant 176 : i32
    %dma_start3A_192 = tpu.memref_slice %arg5[%dma_start3A_191] : memref<384xi32, #tpu.memory_space<vmem>> -> memref<16xi32, #tpu.memory_space<vmem>>
    %dma_start3A_193 = arith.constant 0 : i32
    %dma_start3A_194 = arith.constant 0 : i32
    %dma_start3A_195 = tpu.memref_slice %arg2[%dma_start3A_193, %dma_start3A_194] : memref<16384x2048xf32, #tpu.memory_space<hbm>> -> memref<16384x2048xf32, #tpu.memory_space<hbm>>
    tpu.enqueue_indirect_dma source(%dma_start3A_195 : memref<16384x2048xf32, #tpu.memory_space<hbm>>) target(%arg8 : memref<16x2048xf32, #tpu.memory_space<vmem>>) offsets(%dma_start3A_192 : memref<16xi32, #tpu.memory_space<vmem>>) semaphore(%arg11 : memref<!tpu.dma_semaphore, #tpu.memory_space<semaphore_mem>>)
    %dma_wait3A_196 = arith.constant 144 : i32
    %dma_wait3A_197 = tpu.memref_slice %arg5[%dma_wait3A_196] : memref<384xi32, #tpu.memory_space<vmem>> -> memref<16xi32, #tpu.memory_space<vmem>>
    %dma_wait3A_198 = arith.constant 0 : i32
    %dma_wait3A_199 = arith.constant 0 : i32
    %dma_wait3A_200 = tpu.memref_slice %arg2[%dma_wait3A_198, %dma_wait3A_199] : memref<16384x2048xf32, #tpu.memory_space<hbm>> -> memref<16384x2048xf32, #tpu.memory_space<hbm>>
    tpu.wait_indirect_dma semaphore(%arg9 : memref<!tpu.dma_semaphore, #tpu.memory_space<semaphore_mem>>) src(%dma_wait3A_200 : memref<16384x2048xf32, #tpu.memory_space<hbm>>) dst(%arg6 : memref<16x2048xf32, #tpu.memory_space<vmem>>)
    %add3A_201 = arith.constant 144 : i32
    %add3A_202 = arith.addi %mul3A_2, %add3A_201 : i32
    %dma_start3A_203 = arith.constant 0 : i32
    %dma_start3A_204 = tpu.memref_slice %arg4[%add3A_202, %dma_start3A_203] : memref<12288x2048xf32, #tpu.memory_space<hbm>> -> memref<16x2048xf32, #tpu.memory_space<hbm>>
    %dma_start3A_205 = arith.constant 0 : i32
    %dma_start3A_206 = tpu.memref_slice %arg4[%add3A_202, %dma_start3A_205] : memref<12288x2048xf32, #tpu.memory_space<hbm>> -> memref<16x2048xf32, #tpu.memory_space<hbm>>
    tpu.enqueue_dma source(%arg6 : memref<16x2048xf32, #tpu.memory_space<vmem>>) target(%dma_start3A_206 : memref<16x2048xf32, #tpu.memory_space<hbm>>) target_semaphore(%arg12 : memref<!tpu.dma_semaphore, #tpu.memory_space<semaphore_mem>>)
    %dma_wait3A_207 = arith.constant 0 : i32
    %dma_wait3A_208 = tpu.memref_slice %arg4[%add3A_202, %dma_wait3A_207] : memref<12288x2048xf32, #tpu.memory_space<hbm>> -> memref<16x2048xf32, #tpu.memory_space<hbm>>
    %dma_wait3A_209 = arith.constant 0 : i32
    %dma_wait3A_210 = tpu.memref_slice %arg4[%add3A_202, %dma_wait3A_209] : memref<12288x2048xf32, #tpu.memory_space<hbm>> -> memref<16x2048xf32, #tpu.memory_space<hbm>>
    tpu.wait_dma2 semaphore(%arg12 : memref<!tpu.dma_semaphore, #tpu.memory_space<semaphore_mem>>) src(%arg6 : memref<16x2048xf32, #tpu.memory_space<vmem>>) dst(%dma_wait3A_210 : memref<16x2048xf32, #tpu.memory_space<hbm>>)
    %dma_start3A_211 = arith.constant 192 : i32
    %dma_start3A_212 = tpu.memref_slice %arg5[%dma_start3A_211] : memref<384xi32, #tpu.memory_space<vmem>> -> memref<16xi32, #tpu.memory_space<vmem>>
    %dma_start3A_213 = arith.constant 0 : i32
    %dma_start3A_214 = arith.constant 0 : i32
    %dma_start3A_215 = tpu.memref_slice %arg2[%dma_start3A_213, %dma_start3A_214] : memref<16384x2048xf32, #tpu.memory_space<hbm>> -> memref<16384x2048xf32, #tpu.memory_space<hbm>>
    tpu.enqueue_indirect_dma source(%dma_start3A_215 : memref<16384x2048xf32, #tpu.memory_space<hbm>>) target(%arg6 : memref<16x2048xf32, #tpu.memory_space<vmem>>) offsets(%dma_start3A_212 : memref<16xi32, #tpu.memory_space<vmem>>) semaphore(%arg9 : memref<!tpu.dma_semaphore, #tpu.memory_space<semaphore_mem>>)
    %dma_wait3A_216 = arith.constant 160 : i32
    %dma_wait3A_217 = tpu.memref_slice %arg5[%dma_wait3A_216] : memref<384xi32, #tpu.memory_space<vmem>> -> memref<16xi32, #tpu.memory_space<vmem>>
    %dma_wait3A_218 = arith.constant 0 : i32
    %dma_wait3A_219 = arith.constant 0 : i32
    %dma_wait3A_220 = tpu.memref_slice %arg2[%dma_wait3A_218, %dma_wait3A_219] : memref<16384x2048xf32, #tpu.memory_space<hbm>> -> memref<16384x2048xf32, #tpu.memory_space<hbm>>
    tpu.wait_indirect_dma semaphore(%arg10 : memref<!tpu.dma_semaphore, #tpu.memory_space<semaphore_mem>>) src(%dma_wait3A_220 : memref<16384x2048xf32, #tpu.memory_space<hbm>>) dst(%arg7 : memref<16x2048xf32, #tpu.memory_space<vmem>>)
    %add3A_221 = arith.constant 160 : i32
    %add3A_222 = arith.addi %mul3A_2, %add3A_221 : i32
    %dma_start3A_223 = arith.constant 0 : i32
    %dma_start3A_224 = tpu.memref_slice %arg4[%add3A_222, %dma_start3A_223] : memref<12288x2048xf32, #tpu.memory_space<hbm>> -> memref<16x2048xf32, #tpu.memory_space<hbm>>
    %dma_start3A_225 = arith.constant 0 : i32
    %dma_start3A_226 = tpu.memref_slice %arg4[%add3A_222, %dma_start3A_225] : memref<12288x2048xf32, #tpu.memory_space<hbm>> -> memref<16x2048xf32, #tpu.memory_space<hbm>>
    tpu.enqueue_dma source(%arg7 : memref<16x2048xf32, #tpu.memory_space<vmem>>) target(%dma_start3A_226 : memref<16x2048xf32, #tpu.memory_space<hbm>>) target_semaphore(%arg13 : memref<!tpu.dma_semaphore, #tpu.memory_space<semaphore_mem>>)
    %dma_wait3A_227 = arith.constant 0 : i32
    %dma_wait3A_228 = tpu.memref_slice %arg4[%add3A_222, %dma_wait3A_227] : memref<12288x2048xf32, #tpu.memory_space<hbm>> -> memref<16x2048xf32, #tpu.memory_space<hbm>>
    %dma_wait3A_229 = arith.constant 0 : i32
    %dma_wait3A_230 = tpu.memref_slice %arg4[%add3A_222, %dma_wait3A_229] : memref<12288x2048xf32, #tpu.memory_space<hbm>> -> memref<16x2048xf32, #tpu.memory_space<hbm>>
    tpu.wait_dma2 semaphore(%arg13 : memref<!tpu.dma_semaphore, #tpu.memory_space<semaphore_mem>>) src(%arg7 : memref<16x2048xf32, #tpu.memory_space<vmem>>) dst(%dma_wait3A_230 : memref<16x2048xf32, #tpu.memory_space<hbm>>)
    %dma_start3A_231 = arith.constant 208 : i32
    %dma_start3A_232 = tpu.memref_slice %arg5[%dma_start3A_231] : memref<384xi32, #tpu.memory_space<vmem>> -> memref<16xi32, #tpu.memory_space<vmem>>
    %dma_start3A_233 = arith.constant 0 : i32
    %dma_start3A_234 = arith.constant 0 : i32
    %dma_start3A_235 = tpu.memref_slice %arg2[%dma_start3A_233, %dma_start3A_234] : memref<16384x2048xf32, #tpu.memory_space<hbm>> -> memref<16384x2048xf32, #tpu.memory_space<hbm>>
    tpu.enqueue_indirect_dma source(%dma_start3A_235 : memref<16384x2048xf32, #tpu.memory_space<hbm>>) target(%arg7 : memref<16x2048xf32, #tpu.memory_space<vmem>>) offsets(%dma_start3A_232 : memref<16xi32, #tpu.memory_space<vmem>>) semaphore(%arg10 : memref<!tpu.dma_semaphore, #tpu.memory_space<semaphore_mem>>)
    %dma_wait3A_236 = arith.constant 176 : i32
    %dma_wait3A_237 = tpu.memref_slice %arg5[%dma_wait3A_236] : memref<384xi32, #tpu.memory_space<vmem>> -> memref<16xi32, #tpu.memory_space<vmem>>
    %dma_wait3A_238 = arith.constant 0 : i32
    %dma_wait3A_239 = arith.constant 0 : i32
    %dma_wait3A_240 = tpu.memref_slice %arg2[%dma_wait3A_238, %dma_wait3A_239] : memref<16384x2048xf32, #tpu.memory_space<hbm>> -> memref<16384x2048xf32, #tpu.memory_space<hbm>>
    tpu.wait_indirect_dma semaphore(%arg11 : memref<!tpu.dma_semaphore, #tpu.memory_space<semaphore_mem>>) src(%dma_wait3A_240 : memref<16384x2048xf32, #tpu.memory_space<hbm>>) dst(%arg8 : memref<16x2048xf32, #tpu.memory_space<vmem>>)
    %add3A_241 = arith.constant 176 : i32
    %add3A_242 = arith.addi %mul3A_2, %add3A_241 : i32
    %dma_start3A_243 = arith.constant 0 : i32
    %dma_start3A_244 = tpu.memref_slice %arg4[%add3A_242, %dma_start3A_243] : memref<12288x2048xf32, #tpu.memory_space<hbm>> -> memref<16x2048xf32, #tpu.memory_space<hbm>>
    %dma_start3A_245 = arith.constant 0 : i32
    %dma_start3A_246 = tpu.memref_slice %arg4[%add3A_242, %dma_start3A_245] : memref<12288x2048xf32, #tpu.memory_space<hbm>> -> memref<16x2048xf32, #tpu.memory_space<hbm>>
    tpu.enqueue_dma source(%arg8 : memref<16x2048xf32, #tpu.memory_space<vmem>>) target(%dma_start3A_246 : memref<16x2048xf32, #tpu.memory_space<hbm>>) target_semaphore(%arg14 : memref<!tpu.dma_semaphore, #tpu.memory_space<semaphore_mem>>)
    %dma_wait3A_247 = arith.constant 0 : i32
    %dma_wait3A_248 = tpu.memref_slice %arg4[%add3A_242, %dma_wait3A_247] : memref<12288x2048xf32, #tpu.memory_space<hbm>> -> memref<16x2048xf32, #tpu.memory_space<hbm>>
    %dma_wait3A_249 = arith.constant 0 : i32
    %dma_wait3A_250 = tpu.memref_slice %arg4[%add3A_242, %dma_wait3A_249] : memref<12288x2048xf32, #tpu.memory_space<hbm>> -> memref<16x2048xf32, #tpu.memory_space<hbm>>
    tpu.wait_dma2 semaphore(%arg14 : memref<!tpu.dma_semaphore, #tpu.memory_space<semaphore_mem>>) src(%arg8 : memref<16x2048xf32, #tpu.memory_space<vmem>>) dst(%dma_wait3A_250 : memref<16x2048xf32, #tpu.memory_space<hbm>>)
    %dma_start3A_251 = arith.constant 224 : i32
    %dma_start3A_252 = tpu.memref_slice %arg5[%dma_start3A_251] : memref<384xi32, #tpu.memory_space<vmem>> -> memref<16xi32, #tpu.memory_space<vmem>>
    %dma_start3A_253 = arith.constant 0 : i32
    %dma_start3A_254 = arith.constant 0 : i32
    %dma_start3A_255 = tpu.memref_slice %arg2[%dma_start3A_253, %dma_start3A_254] : memref<16384x2048xf32, #tpu.memory_space<hbm>> -> memref<16384x2048xf32, #tpu.memory_space<hbm>>
    tpu.enqueue_indirect_dma source(%dma_start3A_255 : memref<16384x2048xf32, #tpu.memory_space<hbm>>) target(%arg8 : memref<16x2048xf32, #tpu.memory_space<vmem>>) offsets(%dma_start3A_252 : memref<16xi32, #tpu.memory_space<vmem>>) semaphore(%arg11 : memref<!tpu.dma_semaphore, #tpu.memory_space<semaphore_mem>>)
    %dma_wait3A_256 = arith.constant 192 : i32
    %dma_wait3A_257 = tpu.memref_slice %arg5[%dma_wait3A_256] : memref<384xi32, #tpu.memory_space<vmem>> -> memref<16xi32, #tpu.memory_space<vmem>>
    %dma_wait3A_258 = arith.constant 0 : i32
    %dma_wait3A_259 = arith.constant 0 : i32
    %dma_wait3A_260 = tpu.memref_slice %arg2[%dma_wait3A_258, %dma_wait3A_259] : memref<16384x2048xf32, #tpu.memory_space<hbm>> -> memref<16384x2048xf32, #tpu.memory_space<hbm>>
    tpu.wait_indirect_dma semaphore(%arg9 : memref<!tpu.dma_semaphore, #tpu.memory_space<semaphore_mem>>) src(%dma_wait3A_260 : memref<16384x2048xf32, #tpu.memory_space<hbm>>) dst(%arg6 : memref<16x2048xf32, #tpu.memory_space<vmem>>)
    %add3A_261 = arith.constant 192 : i32
    %add3A_262 = arith.addi %mul3A_2, %add3A_261 : i32
    %dma_start3A_263 = arith.constant 0 : i32
    %dma_start3A_264 = tpu.memref_slice %arg4[%add3A_262, %dma_start3A_263] : memref<12288x2048xf32, #tpu.memory_space<hbm>> -> memref<16x2048xf32, #tpu.memory_space<hbm>>
    %dma_start3A_265 = arith.constant 0 : i32
    %dma_start3A_266 = tpu.memref_slice %arg4[%add3A_262, %dma_start3A_265] : memref<12288x2048xf32, #tpu.memory_space<hbm>> -> memref<16x2048xf32, #tpu.memory_space<hbm>>
    tpu.enqueue_dma source(%arg6 : memref<16x2048xf32, #tpu.memory_space<vmem>>) target(%dma_start3A_266 : memref<16x2048xf32, #tpu.memory_space<hbm>>) target_semaphore(%arg12 : memref<!tpu.dma_semaphore, #tpu.memory_space<semaphore_mem>>)
    %dma_wait3A_267 = arith.constant 0 : i32
    %dma_wait3A_268 = tpu.memref_slice %arg4[%add3A_262, %dma_wait3A_267] : memref<12288x2048xf32, #tpu.memory_space<hbm>> -> memref<16x2048xf32, #tpu.memory_space<hbm>>
    %dma_wait3A_269 = arith.constant 0 : i32
    %dma_wait3A_270 = tpu.memref_slice %arg4[%add3A_262, %dma_wait3A_269] : memref<12288x2048xf32, #tpu.memory_space<hbm>> -> memref<16x2048xf32, #tpu.memory_space<hbm>>
    tpu.wait_dma2 semaphore(%arg12 : memref<!tpu.dma_semaphore, #tpu.memory_space<semaphore_mem>>) src(%arg6 : memref<16x2048xf32, #tpu.memory_space<vmem>>) dst(%dma_wait3A_270 : memref<16x2048xf32, #tpu.memory_space<hbm>>)
    %dma_start3A_271 = arith.constant 240 : i32
    %dma_start3A_272 = tpu.memref_slice %arg5[%dma_start3A_271] : memref<384xi32, #tpu.memory_space<vmem>> -> memref<16xi32, #tpu.memory_space<vmem>>
    %dma_start3A_273 = arith.constant 0 : i32
    %dma_start3A_274 = arith.constant 0 : i32
    %dma_start3A_275 = tpu.memref_slice %arg2[%dma_start3A_273, %dma_start3A_274] : memref<16384x2048xf32, #tpu.memory_space<hbm>> -> memref<16384x2048xf32, #tpu.memory_space<hbm>>
    tpu.enqueue_indirect_dma source(%dma_start3A_275 : memref<16384x2048xf32, #tpu.memory_space<hbm>>) target(%arg6 : memref<16x2048xf32, #tpu.memory_space<vmem>>) offsets(%dma_start3A_272 : memref<16xi32, #tpu.memory_space<vmem>>) semaphore(%arg9 : memref<!tpu.dma_semaphore, #tpu.memory_space<semaphore_mem>>)
    %dma_wait3A_276 = arith.constant 208 : i32
    %dma_wait3A_277 = tpu.memref_slice %arg5[%dma_wait3A_276] : memref<384xi32, #tpu.memory_space<vmem>> -> memref<16xi32, #tpu.memory_space<vmem>>
    %dma_wait3A_278 = arith.constant 0 : i32
    %dma_wait3A_279 = arith.constant 0 : i32
    %dma_wait3A_280 = tpu.memref_slice %arg2[%dma_wait3A_278, %dma_wait3A_279] : memref<16384x2048xf32, #tpu.memory_space<hbm>> -> memref<16384x2048xf32, #tpu.memory_space<hbm>>
    tpu.wait_indirect_dma semaphore(%arg10 : memref<!tpu.dma_semaphore, #tpu.memory_space<semaphore_mem>>) src(%dma_wait3A_280 : memref<16384x2048xf32, #tpu.memory_space<hbm>>) dst(%arg7 : memref<16x2048xf32, #tpu.memory_space<vmem>>)
    %add3A_281 = arith.constant 208 : i32
    %add3A_282 = arith.addi %mul3A_2, %add3A_281 : i32
    %dma_start3A_283 = arith.constant 0 : i32
    %dma_start3A_284 = tpu.memref_slice %arg4[%add3A_282, %dma_start3A_283] : memref<12288x2048xf32, #tpu.memory_space<hbm>> -> memref<16x2048xf32, #tpu.memory_space<hbm>>
    %dma_start3A_285 = arith.constant 0 : i32
    %dma_start3A_286 = tpu.memref_slice %arg4[%add3A_282, %dma_start3A_285] : memref<12288x2048xf32, #tpu.memory_space<hbm>> -> memref<16x2048xf32, #tpu.memory_space<hbm>>
    tpu.enqueue_dma source(%arg7 : memref<16x2048xf32, #tpu.memory_space<vmem>>) target(%dma_start3A_286 : memref<16x2048xf32, #tpu.memory_space<hbm>>) target_semaphore(%arg13 : memref<!tpu.dma_semaphore, #tpu.memory_space<semaphore_mem>>)
    %dma_wait3A_287 = arith.constant 0 : i32
    %dma_wait3A_288 = tpu.memref_slice %arg4[%add3A_282, %dma_wait3A_287] : memref<12288x2048xf32, #tpu.memory_space<hbm>> -> memref<16x2048xf32, #tpu.memory_space<hbm>>
    %dma_wait3A_289 = arith.constant 0 : i32
    %dma_wait3A_290 = tpu.memref_slice %arg4[%add3A_282, %dma_wait3A_289] : memref<12288x2048xf32, #tpu.memory_space<hbm>> -> memref<16x2048xf32, #tpu.memory_space<hbm>>
    tpu.wait_dma2 semaphore(%arg13 : memref<!tpu.dma_semaphore, #tpu.memory_space<semaphore_mem>>) src(%arg7 : memref<16x2048xf32, #tpu.memory_space<vmem>>) dst(%dma_wait3A_290 : memref<16x2048xf32, #tpu.memory_space<hbm>>)
    %dma_start3A_291 = arith.constant 256 : i32
    %dma_start3A_292 = tpu.memref_slice %arg5[%dma_start3A_291] : memref<384xi32, #tpu.memory_space<vmem>> -> memref<16xi32, #tpu.memory_space<vmem>>
    %dma_start3A_293 = arith.constant 0 : i32
    %dma_start3A_294 = arith.constant 0 : i32
    %dma_start3A_295 = tpu.memref_slice %arg2[%dma_start3A_293, %dma_start3A_294] : memref<16384x2048xf32, #tpu.memory_space<hbm>> -> memref<16384x2048xf32, #tpu.memory_space<hbm>>
    tpu.enqueue_indirect_dma source(%dma_start3A_295 : memref<16384x2048xf32, #tpu.memory_space<hbm>>) target(%arg7 : memref<16x2048xf32, #tpu.memory_space<vmem>>) offsets(%dma_start3A_292 : memref<16xi32, #tpu.memory_space<vmem>>) semaphore(%arg10 : memref<!tpu.dma_semaphore, #tpu.memory_space<semaphore_mem>>)
    %dma_wait3A_296 = arith.constant 224 : i32
    %dma_wait3A_297 = tpu.memref_slice %arg5[%dma_wait3A_296] : memref<384xi32, #tpu.memory_space<vmem>> -> memref<16xi32, #tpu.memory_space<vmem>>
    %dma_wait3A_298 = arith.constant 0 : i32
    %dma_wait3A_299 = arith.constant 0 : i32
    %dma_wait3A_300 = tpu.memref_slice %arg2[%dma_wait3A_298, %dma_wait3A_299] : memref<16384x2048xf32, #tpu.memory_space<hbm>> -> memref<16384x2048xf32, #tpu.memory_space<hbm>>
    tpu.wait_indirect_dma semaphore(%arg11 : memref<!tpu.dma_semaphore, #tpu.memory_space<semaphore_mem>>) src(%dma_wait3A_300 : memref<16384x2048xf32, #tpu.memory_space<hbm>>) dst(%arg8 : memref<16x2048xf32, #tpu.memory_space<vmem>>)
    %add3A_301 = arith.constant 224 : i32
    %add3A_302 = arith.addi %mul3A_2, %add3A_301 : i32
    %dma_start3A_303 = arith.constant 0 : i32
    %dma_start3A_304 = tpu.memref_slice %arg4[%add3A_302, %dma_start3A_303] : memref<12288x2048xf32, #tpu.memory_space<hbm>> -> memref<16x2048xf32, #tpu.memory_space<hbm>>
    %dma_start3A_305 = arith.constant 0 : i32
    %dma_start3A_306 = tpu.memref_slice %arg4[%add3A_302, %dma_start3A_305] : memref<12288x2048xf32, #tpu.memory_space<hbm>> -> memref<16x2048xf32, #tpu.memory_space<hbm>>
    tpu.enqueue_dma source(%arg8 : memref<16x2048xf32, #tpu.memory_space<vmem>>) target(%dma_start3A_306 : memref<16x2048xf32, #tpu.memory_space<hbm>>) target_semaphore(%arg14 : memref<!tpu.dma_semaphore, #tpu.memory_space<semaphore_mem>>)
    %dma_wait3A_307 = arith.constant 0 : i32
    %dma_wait3A_308 = tpu.memref_slice %arg4[%add3A_302, %dma_wait3A_307] : memref<12288x2048xf32, #tpu.memory_space<hbm>> -> memref<16x2048xf32, #tpu.memory_space<hbm>>
    %dma_wait3A_309 = arith.constant 0 : i32
    %dma_wait3A_310 = tpu.memref_slice %arg4[%add3A_302, %dma_wait3A_309] : memref<12288x2048xf32, #tpu.memory_space<hbm>> -> memref<16x2048xf32, #tpu.memory_space<hbm>>
    tpu.wait_dma2 semaphore(%arg14 : memref<!tpu.dma_semaphore, #tpu.memory_space<semaphore_mem>>) src(%arg8 : memref<16x2048xf32, #tpu.memory_space<vmem>>) dst(%dma_wait3A_310 : memref<16x2048xf32, #tpu.memory_space<hbm>>)
    %dma_start3A_311 = arith.constant 272 : i32
    %dma_start3A_312 = tpu.memref_slice %arg5[%dma_start3A_311] : memref<384xi32, #tpu.memory_space<vmem>> -> memref<16xi32, #tpu.memory_space<vmem>>
    %dma_start3A_313 = arith.constant 0 : i32
    %dma_start3A_314 = arith.constant 0 : i32
    %dma_start3A_315 = tpu.memref_slice %arg2[%dma_start3A_313, %dma_start3A_314] : memref<16384x2048xf32, #tpu.memory_space<hbm>> -> memref<16384x2048xf32, #tpu.memory_space<hbm>>
    tpu.enqueue_indirect_dma source(%dma_start3A_315 : memref<16384x2048xf32, #tpu.memory_space<hbm>>) target(%arg8 : memref<16x2048xf32, #tpu.memory_space<vmem>>) offsets(%dma_start3A_312 : memref<16xi32, #tpu.memory_space<vmem>>) semaphore(%arg11 : memref<!tpu.dma_semaphore, #tpu.memory_space<semaphore_mem>>)
    %dma_wait3A_316 = arith.constant 240 : i32
    %dma_wait3A_317 = tpu.memref_slice %arg5[%dma_wait3A_316] : memref<384xi32, #tpu.memory_space<vmem>> -> memref<16xi32, #tpu.memory_space<vmem>>
    %dma_wait3A_318 = arith.constant 0 : i32
    %dma_wait3A_319 = arith.constant 0 : i32
    %dma_wait3A_320 = tpu.memref_slice %arg2[%dma_wait3A_318, %dma_wait3A_319] : memref<16384x2048xf32, #tpu.memory_space<hbm>> -> memref<16384x2048xf32, #tpu.memory_space<hbm>>
    tpu.wait_indirect_dma semaphore(%arg9 : memref<!tpu.dma_semaphore, #tpu.memory_space<semaphore_mem>>) src(%dma_wait3A_320 : memref<16384x2048xf32, #tpu.memory_space<hbm>>) dst(%arg6 : memref<16x2048xf32, #tpu.memory_space<vmem>>)
    %add3A_321 = arith.constant 240 : i32
    %add3A_322 = arith.addi %mul3A_2, %add3A_321 : i32
    %dma_start3A_323 = arith.constant 0 : i32
    %dma_start3A_324 = tpu.memref_slice %arg4[%add3A_322, %dma_start3A_323] : memref<12288x2048xf32, #tpu.memory_space<hbm>> -> memref<16x2048xf32, #tpu.memory_space<hbm>>
    %dma_start3A_325 = arith.constant 0 : i32
    %dma_start3A_326 = tpu.memref_slice %arg4[%add3A_322, %dma_start3A_325] : memref<12288x2048xf32, #tpu.memory_space<hbm>> -> memref<16x2048xf32, #tpu.memory_space<hbm>>
    tpu.enqueue_dma source(%arg6 : memref<16x2048xf32, #tpu.memory_space<vmem>>) target(%dma_start3A_326 : memref<16x2048xf32, #tpu.memory_space<hbm>>) target_semaphore(%arg12 : memref<!tpu.dma_semaphore, #tpu.memory_space<semaphore_mem>>)
    %dma_wait3A_327 = arith.constant 0 : i32
    %dma_wait3A_328 = tpu.memref_slice %arg4[%add3A_322, %dma_wait3A_327] : memref<12288x2048xf32, #tpu.memory_space<hbm>> -> memref<16x2048xf32, #tpu.memory_space<hbm>>
    %dma_wait3A_329 = arith.constant 0 : i32
    %dma_wait3A_330 = tpu.memref_slice %arg4[%add3A_322, %dma_wait3A_329] : memref<12288x2048xf32, #tpu.memory_space<hbm>> -> memref<16x2048xf32, #tpu.memory_space<hbm>>
    tpu.wait_dma2 semaphore(%arg12 : memref<!tpu.dma_semaphore, #tpu.memory_space<semaphore_mem>>) src(%arg6 : memref<16x2048xf32, #tpu.memory_space<vmem>>) dst(%dma_wait3A_330 : memref<16x2048xf32, #tpu.memory_space<hbm>>)
    %dma_start3A_331 = arith.constant 288 : i32
    %dma_start3A_332 = tpu.memref_slice %arg5[%dma_start3A_331] : memref<384xi32, #tpu.memory_space<vmem>> -> memref<16xi32, #tpu.memory_space<vmem>>
    %dma_start3A_333 = arith.constant 0 : i32
    %dma_start3A_334 = arith.constant 0 : i32
    %dma_start3A_335 = tpu.memref_slice %arg2[%dma_start3A_333, %dma_start3A_334] : memref<16384x2048xf32, #tpu.memory_space<hbm>> -> memref<16384x2048xf32, #tpu.memory_space<hbm>>
    tpu.enqueue_indirect_dma source(%dma_start3A_335 : memref<16384x2048xf32, #tpu.memory_space<hbm>>) target(%arg6 : memref<16x2048xf32, #tpu.memory_space<vmem>>) offsets(%dma_start3A_332 : memref<16xi32, #tpu.memory_space<vmem>>) semaphore(%arg9 : memref<!tpu.dma_semaphore, #tpu.memory_space<semaphore_mem>>)
    %dma_wait3A_336 = arith.constant 256 : i32
    %dma_wait3A_337 = tpu.memref_slice %arg5[%dma_wait3A_336] : memref<384xi32, #tpu.memory_space<vmem>> -> memref<16xi32, #tpu.memory_space<vmem>>
    %dma_wait3A_338 = arith.constant 0 : i32
    %dma_wait3A_339 = arith.constant 0 : i32
    %dma_wait3A_340 = tpu.memref_slice %arg2[%dma_wait3A_338, %dma_wait3A_339] : memref<16384x2048xf32, #tpu.memory_space<hbm>> -> memref<16384x2048xf32, #tpu.memory_space<hbm>>
    tpu.wait_indirect_dma semaphore(%arg10 : memref<!tpu.dma_semaphore, #tpu.memory_space<semaphore_mem>>) src(%dma_wait3A_340 : memref<16384x2048xf32, #tpu.memory_space<hbm>>) dst(%arg7 : memref<16x2048xf32, #tpu.memory_space<vmem>>)
    %add3A_341 = arith.constant 256 : i32
    %add3A_342 = arith.addi %mul3A_2, %add3A_341 : i32
    %dma_start3A_343 = arith.constant 0 : i32
    %dma_start3A_344 = tpu.memref_slice %arg4[%add3A_342, %dma_start3A_343] : memref<12288x2048xf32, #tpu.memory_space<hbm>> -> memref<16x2048xf32, #tpu.memory_space<hbm>>
    %dma_start3A_345 = arith.constant 0 : i32
    %dma_start3A_346 = tpu.memref_slice %arg4[%add3A_342, %dma_start3A_345] : memref<12288x2048xf32, #tpu.memory_space<hbm>> -> memref<16x2048xf32, #tpu.memory_space<hbm>>
    tpu.enqueue_dma source(%arg7 : memref<16x2048xf32, #tpu.memory_space<vmem>>) target(%dma_start3A_346 : memref<16x2048xf32, #tpu.memory_space<hbm>>) target_semaphore(%arg13 : memref<!tpu.dma_semaphore, #tpu.memory_space<semaphore_mem>>)
    %dma_wait3A_347 = arith.constant 0 : i32
    %dma_wait3A_348 = tpu.memref_slice %arg4[%add3A_342, %dma_wait3A_347] : memref<12288x2048xf32, #tpu.memory_space<hbm>> -> memref<16x2048xf32, #tpu.memory_space<hbm>>
    %dma_wait3A_349 = arith.constant 0 : i32
    %dma_wait3A_350 = tpu.memref_slice %arg4[%add3A_342, %dma_wait3A_349] : memref<12288x2048xf32, #tpu.memory_space<hbm>> -> memref<16x2048xf32, #tpu.memory_space<hbm>>
    tpu.wait_dma2 semaphore(%arg13 : memref<!tpu.dma_semaphore, #tpu.memory_space<semaphore_mem>>) src(%arg7 : memref<16x2048xf32, #tpu.memory_space<vmem>>) dst(%dma_wait3A_350 : memref<16x2048xf32, #tpu.memory_space<hbm>>)
    %dma_start3A_351 = arith.constant 304 : i32
    %dma_start3A_352 = tpu.memref_slice %arg5[%dma_start3A_351] : memref<384xi32, #tpu.memory_space<vmem>> -> memref<16xi32, #tpu.memory_space<vmem>>
    %dma_start3A_353 = arith.constant 0 : i32
    %dma_start3A_354 = arith.constant 0 : i32
    %dma_start3A_355 = tpu.memref_slice %arg2[%dma_start3A_353, %dma_start3A_354] : memref<16384x2048xf32, #tpu.memory_space<hbm>> -> memref<16384x2048xf32, #tpu.memory_space<hbm>>
    tpu.enqueue_indirect_dma source(%dma_start3A_355 : memref<16384x2048xf32, #tpu.memory_space<hbm>>) target(%arg7 : memref<16x2048xf32, #tpu.memory_space<vmem>>) offsets(%dma_start3A_352 : memref<16xi32, #tpu.memory_space<vmem>>) semaphore(%arg10 : memref<!tpu.dma_semaphore, #tpu.memory_space<semaphore_mem>>)
    %dma_wait3A_356 = arith.constant 272 : i32
    %dma_wait3A_357 = tpu.memref_slice %arg5[%dma_wait3A_356] : memref<384xi32, #tpu.memory_space<vmem>> -> memref<16xi32, #tpu.memory_space<vmem>>
    %dma_wait3A_358 = arith.constant 0 : i32
    %dma_wait3A_359 = arith.constant 0 : i32
    %dma_wait3A_360 = tpu.memref_slice %arg2[%dma_wait3A_358, %dma_wait3A_359] : memref<16384x2048xf32, #tpu.memory_space<hbm>> -> memref<16384x2048xf32, #tpu.memory_space<hbm>>
    tpu.wait_indirect_dma semaphore(%arg11 : memref<!tpu.dma_semaphore, #tpu.memory_space<semaphore_mem>>) src(%dma_wait3A_360 : memref<16384x2048xf32, #tpu.memory_space<hbm>>) dst(%arg8 : memref<16x2048xf32, #tpu.memory_space<vmem>>)
    %add3A_361 = arith.constant 272 : i32
    %add3A_362 = arith.addi %mul3A_2, %add3A_361 : i32
    %dma_start3A_363 = arith.constant 0 : i32
    %dma_start3A_364 = tpu.memref_slice %arg4[%add3A_362, %dma_start3A_363] : memref<12288x2048xf32, #tpu.memory_space<hbm>> -> memref<16x2048xf32, #tpu.memory_space<hbm>>
    %dma_start3A_365 = arith.constant 0 : i32
    %dma_start3A_366 = tpu.memref_slice %arg4[%add3A_362, %dma_start3A_365] : memref<12288x2048xf32, #tpu.memory_space<hbm>> -> memref<16x2048xf32, #tpu.memory_space<hbm>>
    tpu.enqueue_dma source(%arg8 : memref<16x2048xf32, #tpu.memory_space<vmem>>) target(%dma_start3A_366 : memref<16x2048xf32, #tpu.memory_space<hbm>>) target_semaphore(%arg14 : memref<!tpu.dma_semaphore, #tpu.memory_space<semaphore_mem>>)
    %dma_wait3A_367 = arith.constant 0 : i32
    %dma_wait3A_368 = tpu.memref_slice %arg4[%add3A_362, %dma_wait3A_367] : memref<12288x2048xf32, #tpu.memory_space<hbm>> -> memref<16x2048xf32, #tpu.memory_space<hbm>>
    %dma_wait3A_369 = arith.constant 0 : i32
    %dma_wait3A_370 = tpu.memref_slice %arg4[%add3A_362, %dma_wait3A_369] : memref<12288x2048xf32, #tpu.memory_space<hbm>> -> memref<16x2048xf32, #tpu.memory_space<hbm>>
    tpu.wait_dma2 semaphore(%arg14 : memref<!tpu.dma_semaphore, #tpu.memory_space<semaphore_mem>>) src(%arg8 : memref<16x2048xf32, #tpu.memory_space<vmem>>) dst(%dma_wait3A_370 : memref<16x2048xf32, #tpu.memory_space<hbm>>)
    %dma_start3A_371 = arith.constant 320 : i32
    %dma_start3A_372 = tpu.memref_slice %arg5[%dma_start3A_371] : memref<384xi32, #tpu.memory_space<vmem>> -> memref<16xi32, #tpu.memory_space<vmem>>
    %dma_start3A_373 = arith.constant 0 : i32
    %dma_start3A_374 = arith.constant 0 : i32
    %dma_start3A_375 = tpu.memref_slice %arg2[%dma_start3A_373, %dma_start3A_374] : memref<16384x2048xf32, #tpu.memory_space<hbm>> -> memref<16384x2048xf32, #tpu.memory_space<hbm>>
    tpu.enqueue_indirect_dma source(%dma_start3A_375 : memref<16384x2048xf32, #tpu.memory_space<hbm>>) target(%arg8 : memref<16x2048xf32, #tpu.memory_space<vmem>>) offsets(%dma_start3A_372 : memref<16xi32, #tpu.memory_space<vmem>>) semaphore(%arg11 : memref<!tpu.dma_semaphore, #tpu.memory_space<semaphore_mem>>)
    %dma_wait3A_376 = arith.constant 288 : i32
    %dma_wait3A_377 = tpu.memref_slice %arg5[%dma_wait3A_376] : memref<384xi32, #tpu.memory_space<vmem>> -> memref<16xi32, #tpu.memory_space<vmem>>
    %dma_wait3A_378 = arith.constant 0 : i32
    %dma_wait3A_379 = arith.constant 0 : i32
    %dma_wait3A_380 = tpu.memref_slice %arg2[%dma_wait3A_378, %dma_wait3A_379] : memref<16384x2048xf32, #tpu.memory_space<hbm>> -> memref<16384x2048xf32, #tpu.memory_space<hbm>>
    tpu.wait_indirect_dma semaphore(%arg9 : memref<!tpu.dma_semaphore, #tpu.memory_space<semaphore_mem>>) src(%dma_wait3A_380 : memref<16384x2048xf32, #tpu.memory_space<hbm>>) dst(%arg6 : memref<16x2048xf32, #tpu.memory_space<vmem>>)
    %add3A_381 = arith.constant 288 : i32
    %add3A_382 = arith.addi %mul3A_2, %add3A_381 : i32
    %dma_start3A_383 = arith.constant 0 : i32
    %dma_start3A_384 = tpu.memref_slice %arg4[%add3A_382, %dma_start3A_383] : memref<12288x2048xf32, #tpu.memory_space<hbm>> -> memref<16x2048xf32, #tpu.memory_space<hbm>>
    %dma_start3A_385 = arith.constant 0 : i32
    %dma_start3A_386 = tpu.memref_slice %arg4[%add3A_382, %dma_start3A_385] : memref<12288x2048xf32, #tpu.memory_space<hbm>> -> memref<16x2048xf32, #tpu.memory_space<hbm>>
    tpu.enqueue_dma source(%arg6 : memref<16x2048xf32, #tpu.memory_space<vmem>>) target(%dma_start3A_386 : memref<16x2048xf32, #tpu.memory_space<hbm>>) target_semaphore(%arg12 : memref<!tpu.dma_semaphore, #tpu.memory_space<semaphore_mem>>)
    %dma_wait3A_387 = arith.constant 0 : i32
    %dma_wait3A_388 = tpu.memref_slice %arg4[%add3A_382, %dma_wait3A_387] : memref<12288x2048xf32, #tpu.memory_space<hbm>> -> memref<16x2048xf32, #tpu.memory_space<hbm>>
    %dma_wait3A_389 = arith.constant 0 : i32
    %dma_wait3A_390 = tpu.memref_slice %arg4[%add3A_382, %dma_wait3A_389] : memref<12288x2048xf32, #tpu.memory_space<hbm>> -> memref<16x2048xf32, #tpu.memory_space<hbm>>
    tpu.wait_dma2 semaphore(%arg12 : memref<!tpu.dma_semaphore, #tpu.memory_space<semaphore_mem>>) src(%arg6 : memref<16x2048xf32, #tpu.memory_space<vmem>>) dst(%dma_wait3A_390 : memref<16x2048xf32, #tpu.memory_space<hbm>>)
    %dma_start3A_391 = arith.constant 336 : i32
    %dma_start3A_392 = tpu.memref_slice %arg5[%dma_start3A_391] : memref<384xi32, #tpu.memory_space<vmem>> -> memref<16xi32, #tpu.memory_space<vmem>>
    %dma_start3A_393 = arith.constant 0 : i32
    %dma_start3A_394 = arith.constant 0 : i32
    %dma_start3A_395 = tpu.memref_slice %arg2[%dma_start3A_393, %dma_start3A_394] : memref<16384x2048xf32, #tpu.memory_space<hbm>> -> memref<16384x2048xf32, #tpu.memory_space<hbm>>
    tpu.enqueue_indirect_dma source(%dma_start3A_395 : memref<16384x2048xf32, #tpu.memory_space<hbm>>) target(%arg6 : memref<16x2048xf32, #tpu.memory_space<vmem>>) offsets(%dma_start3A_392 : memref<16xi32, #tpu.memory_space<vmem>>) semaphore(%arg9 : memref<!tpu.dma_semaphore, #tpu.memory_space<semaphore_mem>>)
    %dma_wait3A_396 = arith.constant 304 : i32
    %dma_wait3A_397 = tpu.memref_slice %arg5[%dma_wait3A_396] : memref<384xi32, #tpu.memory_space<vmem>> -> memref<16xi32, #tpu.memory_space<vmem>>
    %dma_wait3A_398 = arith.constant 0 : i32
    %dma_wait3A_399 = arith.constant 0 : i32
    %dma_wait3A_400 = tpu.memref_slice %arg2[%dma_wait3A_398, %dma_wait3A_399] : memref<16384x2048xf32, #tpu.memory_space<hbm>> -> memref<16384x2048xf32, #tpu.memory_space<hbm>>
    tpu.wait_indirect_dma semaphore(%arg10 : memref<!tpu.dma_semaphore, #tpu.memory_space<semaphore_mem>>) src(%dma_wait3A_400 : memref<16384x2048xf32, #tpu.memory_space<hbm>>) dst(%arg7 : memref<16x2048xf32, #tpu.memory_space<vmem>>)
    %add3A_401 = arith.constant 304 : i32
    %add3A_402 = arith.addi %mul3A_2, %add3A_401 : i32
    %dma_start3A_403 = arith.constant 0 : i32
    %dma_start3A_404 = tpu.memref_slice %arg4[%add3A_402, %dma_start3A_403] : memref<12288x2048xf32, #tpu.memory_space<hbm>> -> memref<16x2048xf32, #tpu.memory_space<hbm>>
    %dma_start3A_405 = arith.constant 0 : i32
    %dma_start3A_406 = tpu.memref_slice %arg4[%add3A_402, %dma_start3A_405] : memref<12288x2048xf32, #tpu.memory_space<hbm>> -> memref<16x2048xf32, #tpu.memory_space<hbm>>
    tpu.enqueue_dma source(%arg7 : memref<16x2048xf32, #tpu.memory_space<vmem>>) target(%dma_start3A_406 : memref<16x2048xf32, #tpu.memory_space<hbm>>) target_semaphore(%arg13 : memref<!tpu.dma_semaphore, #tpu.memory_space<semaphore_mem>>)
    %dma_wait3A_407 = arith.constant 0 : i32
    %dma_wait3A_408 = tpu.memref_slice %arg4[%add3A_402, %dma_wait3A_407] : memref<12288x2048xf32, #tpu.memory_space<hbm>> -> memref<16x2048xf32, #tpu.memory_space<hbm>>
    %dma_wait3A_409 = arith.constant 0 : i32
    %dma_wait3A_410 = tpu.memref_slice %arg4[%add3A_402, %dma_wait3A_409] : memref<12288x2048xf32, #tpu.memory_space<hbm>> -> memref<16x2048xf32, #tpu.memory_space<hbm>>
    tpu.wait_dma2 semaphore(%arg13 : memref<!tpu.dma_semaphore, #tpu.memory_space<semaphore_mem>>) src(%arg7 : memref<16x2048xf32, #tpu.memory_space<vmem>>) dst(%dma_wait3A_410 : memref<16x2048xf32, #tpu.memory_space<hbm>>)
    %dma_start3A_411 = arith.constant 352 : i32
    %dma_start3A_412 = tpu.memref_slice %arg5[%dma_start3A_411] : memref<384xi32, #tpu.memory_space<vmem>> -> memref<16xi32, #tpu.memory_space<vmem>>
    %dma_start3A_413 = arith.constant 0 : i32
    %dma_start3A_414 = arith.constant 0 : i32
    %dma_start3A_415 = tpu.memref_slice %arg2[%dma_start3A_413, %dma_start3A_414] : memref<16384x2048xf32, #tpu.memory_space<hbm>> -> memref<16384x2048xf32, #tpu.memory_space<hbm>>
    tpu.enqueue_indirect_dma source(%dma_start3A_415 : memref<16384x2048xf32, #tpu.memory_space<hbm>>) target(%arg7 : memref<16x2048xf32, #tpu.memory_space<vmem>>) offsets(%dma_start3A_412 : memref<16xi32, #tpu.memory_space<vmem>>) semaphore(%arg10 : memref<!tpu.dma_semaphore, #tpu.memory_space<semaphore_mem>>)
    %dma_wait3A_416 = arith.constant 320 : i32
    %dma_wait3A_417 = tpu.memref_slice %arg5[%dma_wait3A_416] : memref<384xi32, #tpu.memory_space<vmem>> -> memref<16xi32, #tpu.memory_space<vmem>>
    %dma_wait3A_418 = arith.constant 0 : i32
    %dma_wait3A_419 = arith.constant 0 : i32
    %dma_wait3A_420 = tpu.memref_slice %arg2[%dma_wait3A_418, %dma_wait3A_419] : memref<16384x2048xf32, #tpu.memory_space<hbm>> -> memref<16384x2048xf32, #tpu.memory_space<hbm>>
    tpu.wait_indirect_dma semaphore(%arg11 : memref<!tpu.dma_semaphore, #tpu.memory_space<semaphore_mem>>) src(%dma_wait3A_420 : memref<16384x2048xf32, #tpu.memory_space<hbm>>) dst(%arg8 : memref<16x2048xf32, #tpu.memory_space<vmem>>)
    %add3A_421 = arith.constant 320 : i32
    %add3A_422 = arith.addi %mul3A_2, %add3A_421 : i32
    %dma_start3A_423 = arith.constant 0 : i32
    %dma_start3A_424 = tpu.memref_slice %arg4[%add3A_422, %dma_start3A_423] : memref<12288x2048xf32, #tpu.memory_space<hbm>> -> memref<16x2048xf32, #tpu.memory_space<hbm>>
    %dma_start3A_425 = arith.constant 0 : i32
    %dma_start3A_426 = tpu.memref_slice %arg4[%add3A_422, %dma_start3A_425] : memref<12288x2048xf32, #tpu.memory_space<hbm>> -> memref<16x2048xf32, #tpu.memory_space<hbm>>
    tpu.enqueue_dma source(%arg8 : memref<16x2048xf32, #tpu.memory_space<vmem>>) target(%dma_start3A_426 : memref<16x2048xf32, #tpu.memory_space<hbm>>) target_semaphore(%arg14 : memref<!tpu.dma_semaphore, #tpu.memory_space<semaphore_mem>>)
    %dma_wait3A_427 = arith.constant 0 : i32
    %dma_wait3A_428 = tpu.memref_slice %arg4[%add3A_422, %dma_wait3A_427] : memref<12288x2048xf32, #tpu.memory_space<hbm>> -> memref<16x2048xf32, #tpu.memory_space<hbm>>
    %dma_wait3A_429 = arith.constant 0 : i32
    %dma_wait3A_430 = tpu.memref_slice %arg4[%add3A_422, %dma_wait3A_429] : memref<12288x2048xf32, #tpu.memory_space<hbm>> -> memref<16x2048xf32, #tpu.memory_space<hbm>>
    tpu.wait_dma2 semaphore(%arg14 : memref<!tpu.dma_semaphore, #tpu.memory_space<semaphore_mem>>) src(%arg8 : memref<16x2048xf32, #tpu.memory_space<vmem>>) dst(%dma_wait3A_430 : memref<16x2048xf32, #tpu.memory_space<hbm>>)
    %dma_start3A_431 = arith.constant 368 : i32
    %dma_start3A_432 = tpu.memref_slice %arg5[%dma_start3A_431] : memref<384xi32, #tpu.memory_space<vmem>> -> memref<16xi32, #tpu.memory_space<vmem>>
    %dma_start3A_433 = arith.constant 0 : i32
    %dma_start3A_434 = arith.constant 0 : i32
    %dma_start3A_435 = tpu.memref_slice %arg2[%dma_start3A_433, %dma_start3A_434] : memref<16384x2048xf32, #tpu.memory_space<hbm>> -> memref<16384x2048xf32, #tpu.memory_space<hbm>>
    tpu.enqueue_indirect_dma source(%dma_start3A_435 : memref<16384x2048xf32, #tpu.memory_space<hbm>>) target(%arg8 : memref<16x2048xf32, #tpu.memory_space<vmem>>) offsets(%dma_start3A_432 : memref<16xi32, #tpu.memory_space<vmem>>) semaphore(%arg11 : memref<!tpu.dma_semaphore, #tpu.memory_space<semaphore_mem>>)
    %dma_wait3A_436 = arith.constant 336 : i32
    %dma_wait3A_437 = tpu.memref_slice %arg5[%dma_wait3A_436] : memref<384xi32, #tpu.memory_space<vmem>> -> memref<16xi32, #tpu.memory_space<vmem>>
    %dma_wait3A_438 = arith.constant 0 : i32
    %dma_wait3A_439 = arith.constant 0 : i32
    %dma_wait3A_440 = tpu.memref_slice %arg2[%dma_wait3A_438, %dma_wait3A_439] : memref<16384x2048xf32, #tpu.memory_space<hbm>> -> memref<16384x2048xf32, #tpu.memory_space<hbm>>
    tpu.wait_indirect_dma semaphore(%arg9 : memref<!tpu.dma_semaphore, #tpu.memory_space<semaphore_mem>>) src(%dma_wait3A_440 : memref<16384x2048xf32, #tpu.memory_space<hbm>>) dst(%arg6 : memref<16x2048xf32, #tpu.memory_space<vmem>>)
    %add3A_441 = arith.constant 336 : i32
    %add3A_442 = arith.addi %mul3A_2, %add3A_441 : i32
    %dma_start3A_443 = arith.constant 0 : i32
    %dma_start3A_444 = tpu.memref_slice %arg4[%add3A_442, %dma_start3A_443] : memref<12288x2048xf32, #tpu.memory_space<hbm>> -> memref<16x2048xf32, #tpu.memory_space<hbm>>
    %dma_start3A_445 = arith.constant 0 : i32
    %dma_start3A_446 = tpu.memref_slice %arg4[%add3A_442, %dma_start3A_445] : memref<12288x2048xf32, #tpu.memory_space<hbm>> -> memref<16x2048xf32, #tpu.memory_space<hbm>>
    tpu.enqueue_dma source(%arg6 : memref<16x2048xf32, #tpu.memory_space<vmem>>) target(%dma_start3A_446 : memref<16x2048xf32, #tpu.memory_space<hbm>>) target_semaphore(%arg12 : memref<!tpu.dma_semaphore, #tpu.memory_space<semaphore_mem>>)
    %dma_wait3A_447 = arith.constant 352 : i32
    %dma_wait3A_448 = tpu.memref_slice %arg5[%dma_wait3A_447] : memref<384xi32, #tpu.memory_space<vmem>> -> memref<16xi32, #tpu.memory_space<vmem>>
    %dma_wait3A_449 = arith.constant 0 : i32
    %dma_wait3A_450 = arith.constant 0 : i32
    %dma_wait3A_451 = tpu.memref_slice %arg2[%dma_wait3A_449, %dma_wait3A_450] : memref<16384x2048xf32, #tpu.memory_space<hbm>> -> memref<16384x2048xf32, #tpu.memory_space<hbm>>
    tpu.wait_indirect_dma semaphore(%arg10 : memref<!tpu.dma_semaphore, #tpu.memory_space<semaphore_mem>>) src(%dma_wait3A_451 : memref<16384x2048xf32, #tpu.memory_space<hbm>>) dst(%arg7 : memref<16x2048xf32, #tpu.memory_space<vmem>>)
    %add3A_452 = arith.constant 352 : i32
    %add3A_453 = arith.addi %mul3A_2, %add3A_452 : i32
    %dma_start3A_454 = arith.constant 0 : i32
    %dma_start3A_455 = tpu.memref_slice %arg4[%add3A_453, %dma_start3A_454] : memref<12288x2048xf32, #tpu.memory_space<hbm>> -> memref<16x2048xf32, #tpu.memory_space<hbm>>
    %dma_start3A_456 = arith.constant 0 : i32
    %dma_start3A_457 = tpu.memref_slice %arg4[%add3A_453, %dma_start3A_456] : memref<12288x2048xf32, #tpu.memory_space<hbm>> -> memref<16x2048xf32, #tpu.memory_space<hbm>>
    tpu.enqueue_dma source(%arg7 : memref<16x2048xf32, #tpu.memory_space<vmem>>) target(%dma_start3A_457 : memref<16x2048xf32, #tpu.memory_space<hbm>>) target_semaphore(%arg13 : memref<!tpu.dma_semaphore, #tpu.memory_space<semaphore_mem>>)
    %dma_wait3A_458 = arith.constant 368 : i32
    %dma_wait3A_459 = tpu.memref_slice %arg5[%dma_wait3A_458] : memref<384xi32, #tpu.memory_space<vmem>> -> memref<16xi32, #tpu.memory_space<vmem>>
    %dma_wait3A_460 = arith.constant 0 : i32
    %dma_wait3A_461 = arith.constant 0 : i32
    %dma_wait3A_462 = tpu.memref_slice %arg2[%dma_wait3A_460, %dma_wait3A_461] : memref<16384x2048xf32, #tpu.memory_space<hbm>> -> memref<16384x2048xf32, #tpu.memory_space<hbm>>
    tpu.wait_indirect_dma semaphore(%arg11 : memref<!tpu.dma_semaphore, #tpu.memory_space<semaphore_mem>>) src(%dma_wait3A_462 : memref<16384x2048xf32, #tpu.memory_space<hbm>>) dst(%arg8 : memref<16x2048xf32, #tpu.memory_space<vmem>>)
    %add3A_463 = arith.constant 368 : i32
    %add3A_464 = arith.addi %mul3A_2, %add3A_463 : i32
    %dma_start3A_465 = arith.constant 0 : i32
    %dma_start3A_466 = tpu.memref_slice %arg4[%add3A_464, %dma_start3A_465] : memref<12288x2048xf32, #tpu.memory_space<hbm>> -> memref<16x2048xf32, #tpu.memory_space<hbm>>
    %dma_start3A_467 = arith.constant 0 : i32
    %dma_start3A_468 = tpu.memref_slice %arg4[%add3A_464, %dma_start3A_467] : memref<12288x2048xf32, #tpu.memory_space<hbm>> -> memref<16x2048xf32, #tpu.memory_space<hbm>>
    tpu.enqueue_dma source(%arg8 : memref<16x2048xf32, #tpu.memory_space<vmem>>) target(%dma_start3A_468 : memref<16x2048xf32, #tpu.memory_space<hbm>>) target_semaphore(%arg14 : memref<!tpu.dma_semaphore, #tpu.memory_space<semaphore_mem>>)
    %dma_wait3A_469 = arith.constant 0 : i32
    %dma_wait3A_470 = tpu.memref_slice %arg4[%add3A_442, %dma_wait3A_469] : memref<12288x2048xf32, #tpu.memory_space<hbm>> -> memref<16x2048xf32, #tpu.memory_space<hbm>>
    %dma_wait3A_471 = arith.constant 0 : i32
    %dma_wait3A_472 = tpu.memref_slice %arg4[%add3A_442, %dma_wait3A_471] : memref<12288x2048xf32, #tpu.memory_space<hbm>> -> memref<16x2048xf32, #tpu.memory_space<hbm>>
    tpu.wait_dma2 semaphore(%arg12 : memref<!tpu.dma_semaphore, #tpu.memory_space<semaphore_mem>>) src(%arg6 : memref<16x2048xf32, #tpu.memory_space<vmem>>) dst(%dma_wait3A_472 : memref<16x2048xf32, #tpu.memory_space<hbm>>)
    %dma_wait3A_473 = arith.constant 0 : i32
    %dma_wait3A_474 = tpu.memref_slice %arg4[%add3A_453, %dma_wait3A_473] : memref<12288x2048xf32, #tpu.memory_space<hbm>> -> memref<16x2048xf32, #tpu.memory_space<hbm>>
    %dma_wait3A_475 = arith.constant 0 : i32
    %dma_wait3A_476 = tpu.memref_slice %arg4[%add3A_453, %dma_wait3A_475] : memref<12288x2048xf32, #tpu.memory_space<hbm>> -> memref<16x2048xf32, #tpu.memory_space<hbm>>
    tpu.wait_dma2 semaphore(%arg13 : memref<!tpu.dma_semaphore, #tpu.memory_space<semaphore_mem>>) src(%arg7 : memref<16x2048xf32, #tpu.memory_space<vmem>>) dst(%dma_wait3A_476 : memref<16x2048xf32, #tpu.memory_space<hbm>>)
    %dma_wait3A_477 = arith.constant 0 : i32
    %dma_wait3A_478 = tpu.memref_slice %arg4[%add3A_464, %dma_wait3A_477] : memref<12288x2048xf32, #tpu.memory_space<hbm>> -> memref<16x2048xf32, #tpu.memory_space<hbm>>
    %dma_wait3A_479 = arith.constant 0 : i32
    %dma_wait3A_480 = tpu.memref_slice %arg4[%add3A_464, %dma_wait3A_479] : memref<12288x2048xf32, #tpu.memory_space<hbm>> -> memref<16x2048xf32, #tpu.memory_space<hbm>>
    tpu.wait_dma2 semaphore(%arg14 : memref<!tpu.dma_semaphore, #tpu.memory_space<semaphore_mem>>) src(%arg8 : memref<16x2048xf32, #tpu.memory_space<vmem>>) dst(%dma_wait3A_480 : memref<16x2048xf32, #tpu.memory_space<hbm>>)
    return
  }
}

module attributes {stable_mosaic.version = 14 : i64} {
  func.func @_topk_body(%arg0: i32, %arg1: memref<1x4096x1xf32, #tpu.memory_space<vmem>>, %arg2: memref<1x1x4096xf32, #tpu.memory_space<vmem>>, %arg3: memref<1x1x3072xi32, #tpu.memory_space<vmem>>, %arg4: memref<1x1x3072xi32, #tpu.memory_space<vmem>>, %arg5: memref<1x1x4096xf32, #tpu.memory_space<vmem>>, %arg6: memref<4096x1xi32, #tpu.memory_space<vmem>>) attributes {dimension_semantics = [#tpu.dimension_semantics<arbitrary>], iteration_bounds = array<i64: 4>, scalar_prefetch = 0 : i64, scratch_operands = 1 : i64, tpu.core_type = #tpu.core_type<tc>, window_params = [{transform_indices = @transform_0, window_bounds = array<i64: 1, 4096, 1>}, {transform_indices = @transform_1, window_bounds = array<i64: 1, 1, 4096>}, {transform_indices = @transform_2, window_bounds = array<i64: 1, 1, 3072>}, {transform_indices = @transform_3, window_bounds = array<i64: 1, 1, 3072>}, {transform_indices = @transform_4, window_bounds = array<i64: 1, 1, 4096>}]} {
    %get3A = arith.constant 0 : index
    %get3A_0 = arith.constant 0 : index
    %get3A_1 = arith.constant 0 : index
    %get3A_2 = vector.load %arg2[%get3A, %get3A_0, %get3A_1] : memref<1x1x4096xf32, #tpu.memory_space<vmem>>, vector<1x1x4096xf32>
    %get3A_3 = vector.shape_cast %get3A_2 : vector<1x1x4096xf32> to vector<1x4096xf32>
    %swap3A = arith.constant 0 : index
    %swap3A_4 = arith.constant 0 : index
    %swap3A_5 = arith.constant 0 : index
    %swap3A_6 = vector.load %arg5[%swap3A, %swap3A_4, %swap3A_5] : memref<1x1x4096xf32, #tpu.memory_space<vmem>>, vector<1x1x4096xf32>
    %swap3A_7 = vector.shape_cast %swap3A_6 : vector<1x1x4096xf32> to vector<1x4096xf32>
    %swap3A_8 = vector.shape_cast %get3A_3 : vector<1x4096xf32> to vector<1x1x4096xf32>
    tpu.vector_store %arg5[%swap3A, %swap3A_4, %swap3A_5], %swap3A_8 {strides = array<i32>} : memref<1x1x4096xf32, #tpu.memory_space<vmem>>, vector<1x1x4096xf32>,
    %get3A_9 = arith.constant 0 : index
    %get3A_10 = arith.constant 0 : index
    %get3A_11 = arith.constant 0 : index
    %get3A_12 = vector.load %arg1[%get3A_9, %get3A_10, %get3A_11] : memref<1x4096x1xf32, #tpu.memory_space<vmem>>, vector<1x512x1xf32>
    %get3A_13 = vector.shape_cast %get3A_12 : vector<1x512x1xf32> to vector<512x1xf32>
    %iota3A = tpu.iota {dimensions = array<i32: 0>} : vector<512x4096xi32>
    %add3A = arith.constant 0 : i32
    %add3A_14 = vector.broadcast %add3A : i32 to vector<512x4096xi32>
    %add3A_15 = arith.addi %add3A_14, %iota3A : vector<512x4096xi32>
    %iota3A_16 = tpu.iota {dimensions = array<i32: 1>} : vector<512x4096xi32>
    %gt3A = vector.broadcast %get3A_3 : vector<1x4096xf32> to vector<512x4096xf32>
    %gt3A_17 = vector.broadcast %get3A_13 : vector<512x1xf32> to vector<512x4096xf32>
    %gt3A_18 = arith.cmpf ogt, %gt3A, %gt3A_17 : vector<512x4096xf32>
    %eq3A = vector.broadcast %get3A_3 : vector<1x4096xf32> to vector<512x4096xf32>
    %eq3A_19 = vector.broadcast %get3A_13 : vector<512x1xf32> to vector<512x4096xf32>
    %eq3A_20 = arith.cmpf oeq, %eq3A, %eq3A_19 : vector<512x4096xf32>
    %lt3A = arith.cmpi slt, %iota3A_16, %add3A_15 : vector<512x4096xi32>
    %and3A = arith.andi %eq3A_20, %lt3A : vector<512x4096xi1>
    %or3A = arith.ori %gt3A_18, %and3A : vector<512x4096xi1>
    %convert_element_type3A = arith.extui %or3A : vector<512x4096xi1> to vector<512x4096xi32>
    %reduce_sum3A = arith.constant dense<0> : vector<512xi32>
    %reduce_sum3A_21 = vector.multi_reduction <add>, %convert_element_type3A, %reduce_sum3A [1] : vector<512x4096xi32> to vector<512xi32>
    %broadcast_in_dim3A = vector.shape_cast %reduce_sum3A_21 : vector<512xi32> to vector<512x1xi32>
    %swap3A_22 = arith.constant 0 : index
    %swap3A_23 = arith.constant 0 : index
    %swap3A_24 = vector.load %arg6[%swap3A_22, %swap3A_23] : memref<4096x1xi32, #tpu.memory_space<vmem>>, vector<512x1xi32>
    tpu.vector_store %arg6[%swap3A_22, %swap3A_23], %broadcast_in_dim3A {strides = array<i32>} : memref<4096x1xi32, #tpu.memory_space<vmem>>, vector<512x1xi32>,
    %get3A_25 = arith.constant 0 : index
    %get3A_26 = arith.constant 512 : index
    %get3A_27 = arith.constant 0 : index
    %get3A_28 = vector.load %arg1[%get3A_25, %get3A_26, %get3A_27] : memref<1x4096x1xf32, #tpu.memory_space<vmem>>, vector<1x512x1xf32>
    %get3A_29 = vector.shape_cast %get3A_28 : vector<1x512x1xf32> to vector<512x1xf32>
    %iota3A_30 = tpu.iota {dimensions = array<i32: 0>} : vector<512x4096xi32>
    %add3A_31 = arith.constant 512 : i32
    %add3A_32 = vector.broadcast %add3A_31 : i32 to vector<512x4096xi32>
    %add3A_33 = arith.addi %add3A_32, %iota3A_30 : vector<512x4096xi32>
    %iota3A_34 = tpu.iota {dimensions = array<i32: 1>} : vector<512x4096xi32>
    %gt3A_35 = vector.broadcast %get3A_3 : vector<1x4096xf32> to vector<512x4096xf32>
    %gt3A_36 = vector.broadcast %get3A_29 : vector<512x1xf32> to vector<512x4096xf32>
    %gt3A_37 = arith.cmpf ogt, %gt3A_35, %gt3A_36 : vector<512x4096xf32>
    %eq3A_38 = vector.broadcast %get3A_3 : vector<1x4096xf32> to vector<512x4096xf32>
    %eq3A_39 = vector.broadcast %get3A_29 : vector<512x1xf32> to vector<512x4096xf32>
    %eq3A_40 = arith.cmpf oeq, %eq3A_38, %eq3A_39 : vector<512x4096xf32>
    %lt3A_41 = arith.cmpi slt, %iota3A_34, %add3A_33 : vector<512x4096xi32>
    %and3A_42 = arith.andi %eq3A_40, %lt3A_41 : vector<512x4096xi1>
    %or3A_43 = arith.ori %gt3A_37, %and3A_42 : vector<512x4096xi1>
    %convert_element_type3A_44 = arith.extui %or3A_43 : vector<512x4096xi1> to vector<512x4096xi32>
    %reduce_sum3A_45 = arith.constant dense<0> : vector<512xi32>
    %reduce_sum3A_46 = vector.multi_reduction <add>, %convert_element_type3A_44, %reduce_sum3A_45 [1] : vector<512x4096xi32> to vector<512xi32>
    %broadcast_in_dim3A_47 = vector.shape_cast %reduce_sum3A_46 : vector<512xi32> to vector<512x1xi32>
    %swap3A_48 = arith.constant 512 : index
    %swap3A_49 = arith.constant 0 : index
    %swap3A_50 = vector.load %arg6[%swap3A_48, %swap3A_49] : memref<4096x1xi32, #tpu.memory_space<vmem>>, vector<512x1xi32>
    tpu.vector_store %arg6[%swap3A_48, %swap3A_49], %broadcast_in_dim3A_47 {strides = array<i32>} : memref<4096x1xi32, #tpu.memory_space<vmem>>, vector<512x1xi32>,
    %get3A_51 = arith.constant 0 : index
    %get3A_52 = arith.constant 1024 : index
    %get3A_53 = arith.constant 0 : index
    %get3A_54 = vector.load %arg1[%get3A_51, %get3A_52, %get3A_53] : memref<1x4096x1xf32, #tpu.memory_space<vmem>>, vector<1x512x1xf32>
    %get3A_55 = vector.shape_cast %get3A_54 : vector<1x512x1xf32> to vector<512x1xf32>
    %iota3A_56 = tpu.iota {dimensions = array<i32: 0>} : vector<512x4096xi32>
    %add3A_57 = arith.constant 1024 : i32
    %add3A_58 = vector.broadcast %add3A_57 : i32 to vector<512x4096xi32>
    %add3A_59 = arith.addi %add3A_58, %iota3A_56 : vector<512x4096xi32>
    %iota3A_60 = tpu.iota {dimensions = array<i32: 1>} : vector<512x4096xi32>
    %gt3A_61 = vector.broadcast %get3A_3 : vector<1x4096xf32> to vector<512x4096xf32>
    %gt3A_62 = vector.broadcast %get3A_55 : vector<512x1xf32> to vector<512x4096xf32>
    %gt3A_63 = arith.cmpf ogt, %gt3A_61, %gt3A_62 : vector<512x4096xf32>
    %eq3A_64 = vector.broadcast %get3A_3 : vector<1x4096xf32> to vector<512x4096xf32>
    %eq3A_65 = vector.broadcast %get3A_55 : vector<512x1xf32> to vector<512x4096xf32>
    %eq3A_66 = arith.cmpf oeq, %eq3A_64, %eq3A_65 : vector<512x4096xf32>
    %lt3A_67 = arith.cmpi slt, %iota3A_60, %add3A_59 : vector<512x4096xi32>
    %and3A_68 = arith.andi %eq3A_66, %lt3A_67 : vector<512x4096xi1>
    %or3A_69 = arith.ori %gt3A_63, %and3A_68 : vector<512x4096xi1>
    %convert_element_type3A_70 = arith.extui %or3A_69 : vector<512x4096xi1> to vector<512x4096xi32>
    %reduce_sum3A_71 = arith.constant dense<0> : vector<512xi32>
    %reduce_sum3A_72 = vector.multi_reduction <add>, %convert_element_type3A_70, %reduce_sum3A_71 [1] : vector<512x4096xi32> to vector<512xi32>
    %broadcast_in_dim3A_73 = vector.shape_cast %reduce_sum3A_72 : vector<512xi32> to vector<512x1xi32>
    %swap3A_74 = arith.constant 1024 : index
    %swap3A_75 = arith.constant 0 : index
    %swap3A_76 = vector.load %arg6[%swap3A_74, %swap3A_75] : memref<4096x1xi32, #tpu.memory_space<vmem>>, vector<512x1xi32>
    tpu.vector_store %arg6[%swap3A_74, %swap3A_75], %broadcast_in_dim3A_73 {strides = array<i32>} : memref<4096x1xi32, #tpu.memory_space<vmem>>, vector<512x1xi32>,
    %get3A_77 = arith.constant 0 : index
    %get3A_78 = arith.constant 1536 : index
    %get3A_79 = arith.constant 0 : index
    %get3A_80 = vector.load %arg1[%get3A_77, %get3A_78, %get3A_79] : memref<1x4096x1xf32, #tpu.memory_space<vmem>>, vector<1x512x1xf32>
    %get3A_81 = vector.shape_cast %get3A_80 : vector<1x512x1xf32> to vector<512x1xf32>
    %iota3A_82 = tpu.iota {dimensions = array<i32: 0>} : vector<512x4096xi32>
    %add3A_83 = arith.constant 1536 : i32
    %add3A_84 = vector.broadcast %add3A_83 : i32 to vector<512x4096xi32>
    %add3A_85 = arith.addi %add3A_84, %iota3A_82 : vector<512x4096xi32>
    %iota3A_86 = tpu.iota {dimensions = array<i32: 1>} : vector<512x4096xi32>
    %gt3A_87 = vector.broadcast %get3A_3 : vector<1x4096xf32> to vector<512x4096xf32>
    %gt3A_88 = vector.broadcast %get3A_81 : vector<512x1xf32> to vector<512x4096xf32>
    %gt3A_89 = arith.cmpf ogt, %gt3A_87, %gt3A_88 : vector<512x4096xf32>
    %eq3A_90 = vector.broadcast %get3A_3 : vector<1x4096xf32> to vector<512x4096xf32>
    %eq3A_91 = vector.broadcast %get3A_81 : vector<512x1xf32> to vector<512x4096xf32>
    %eq3A_92 = arith.cmpf oeq, %eq3A_90, %eq3A_91 : vector<512x4096xf32>
    %lt3A_93 = arith.cmpi slt, %iota3A_86, %add3A_85 : vector<512x4096xi32>
    %and3A_94 = arith.andi %eq3A_92, %lt3A_93 : vector<512x4096xi1>
    %or3A_95 = arith.ori %gt3A_89, %and3A_94 : vector<512x4096xi1>
    %convert_element_type3A_96 = arith.extui %or3A_95 : vector<512x4096xi1> to vector<512x4096xi32>
    %reduce_sum3A_97 = arith.constant dense<0> : vector<512xi32>
    %reduce_sum3A_98 = vector.multi_reduction <add>, %convert_element_type3A_96, %reduce_sum3A_97 [1] : vector<512x4096xi32> to vector<512xi32>
    %broadcast_in_dim3A_99 = vector.shape_cast %reduce_sum3A_98 : vector<512xi32> to vector<512x1xi32>
    %swap3A_100 = arith.constant 1536 : index
    %swap3A_101 = arith.constant 0 : index
    %swap3A_102 = vector.load %arg6[%swap3A_100, %swap3A_101] : memref<4096x1xi32, #tpu.memory_space<vmem>>, vector<512x1xi32>
    tpu.vector_store %arg6[%swap3A_100, %swap3A_101], %broadcast_in_dim3A_99 {strides = array<i32>} : memref<4096x1xi32, #tpu.memory_space<vmem>>, vector<512x1xi32>,
    %get3A_103 = arith.constant 0 : index
    %get3A_104 = arith.constant 2048 : index
    %get3A_105 = arith.constant 0 : index
    %get3A_106 = vector.load %arg1[%get3A_103, %get3A_104, %get3A_105] : memref<1x4096x1xf32, #tpu.memory_space<vmem>>, vector<1x512x1xf32>
    %get3A_107 = vector.shape_cast %get3A_106 : vector<1x512x1xf32> to vector<512x1xf32>
    %iota3A_108 = tpu.iota {dimensions = array<i32: 0>} : vector<512x4096xi32>
    %add3A_109 = arith.constant 2048 : i32
    %add3A_110 = vector.broadcast %add3A_109 : i32 to vector<512x4096xi32>
    %add3A_111 = arith.addi %add3A_110, %iota3A_108 : vector<512x4096xi32>
    %iota3A_112 = tpu.iota {dimensions = array<i32: 1>} : vector<512x4096xi32>
    %gt3A_113 = vector.broadcast %get3A_3 : vector<1x4096xf32> to vector<512x4096xf32>
    %gt3A_114 = vector.broadcast %get3A_107 : vector<512x1xf32> to vector<512x4096xf32>
    %gt3A_115 = arith.cmpf ogt, %gt3A_113, %gt3A_114 : vector<512x4096xf32>
    %eq3A_116 = vector.broadcast %get3A_3 : vector<1x4096xf32> to vector<512x4096xf32>
    %eq3A_117 = vector.broadcast %get3A_107 : vector<512x1xf32> to vector<512x4096xf32>
    %eq3A_118 = arith.cmpf oeq, %eq3A_116, %eq3A_117 : vector<512x4096xf32>
    %lt3A_119 = arith.cmpi slt, %iota3A_112, %add3A_111 : vector<512x4096xi32>
    %and3A_120 = arith.andi %eq3A_118, %lt3A_119 : vector<512x4096xi1>
    %or3A_121 = arith.ori %gt3A_115, %and3A_120 : vector<512x4096xi1>
    %convert_element_type3A_122 = arith.extui %or3A_121 : vector<512x4096xi1> to vector<512x4096xi32>
    %reduce_sum3A_123 = arith.constant dense<0> : vector<512xi32>
    %reduce_sum3A_124 = vector.multi_reduction <add>, %convert_element_type3A_122, %reduce_sum3A_123 [1] : vector<512x4096xi32> to vector<512xi32>
    %broadcast_in_dim3A_125 = vector.shape_cast %reduce_sum3A_124 : vector<512xi32> to vector<512x1xi32>
    %swap3A_126 = arith.constant 2048 : index
    %swap3A_127 = arith.constant 0 : index
    %swap3A_128 = vector.load %arg6[%swap3A_126, %swap3A_127] : memref<4096x1xi32, #tpu.memory_space<vmem>>, vector<512x1xi32>
    tpu.vector_store %arg6[%swap3A_126, %swap3A_127], %broadcast_in_dim3A_125 {strides = array<i32>} : memref<4096x1xi32, #tpu.memory_space<vmem>>, vector<512x1xi32>,
    %get3A_129 = arith.constant 0 : index
    %get3A_130 = arith.constant 2560 : index
    %get3A_131 = arith.constant 0 : index
    %get3A_132 = vector.load %arg1[%get3A_129, %get3A_130, %get3A_131] : memref<1x4096x1xf32, #tpu.memory_space<vmem>>, vector<1x512x1xf32>
    %get3A_133 = vector.shape_cast %get3A_132 : vector<1x512x1xf32> to vector<512x1xf32>
    %iota3A_134 = tpu.iota {dimensions = array<i32: 0>} : vector<512x4096xi32>
    %add3A_135 = arith.constant 2560 : i32
    %add3A_136 = vector.broadcast %add3A_135 : i32 to vector<512x4096xi32>
    %add3A_137 = arith.addi %add3A_136, %iota3A_134 : vector<512x4096xi32>
    %iota3A_138 = tpu.iota {dimensions = array<i32: 1>} : vector<512x4096xi32>
    %gt3A_139 = vector.broadcast %get3A_3 : vector<1x4096xf32> to vector<512x4096xf32>
    %gt3A_140 = vector.broadcast %get3A_133 : vector<512x1xf32> to vector<512x4096xf32>
    %gt3A_141 = arith.cmpf ogt, %gt3A_139, %gt3A_140 : vector<512x4096xf32>
    %eq3A_142 = vector.broadcast %get3A_3 : vector<1x4096xf32> to vector<512x4096xf32>
    %eq3A_143 = vector.broadcast %get3A_133 : vector<512x1xf32> to vector<512x4096xf32>
    %eq3A_144 = arith.cmpf oeq, %eq3A_142, %eq3A_143 : vector<512x4096xf32>
    %lt3A_145 = arith.cmpi slt, %iota3A_138, %add3A_137 : vector<512x4096xi32>
    %and3A_146 = arith.andi %eq3A_144, %lt3A_145 : vector<512x4096xi1>
    %or3A_147 = arith.ori %gt3A_141, %and3A_146 : vector<512x4096xi1>
    %convert_element_type3A_148 = arith.extui %or3A_147 : vector<512x4096xi1> to vector<512x4096xi32>
    %reduce_sum3A_149 = arith.constant dense<0> : vector<512xi32>
    %reduce_sum3A_150 = vector.multi_reduction <add>, %convert_element_type3A_148, %reduce_sum3A_149 [1] : vector<512x4096xi32> to vector<512xi32>
    %broadcast_in_dim3A_151 = vector.shape_cast %reduce_sum3A_150 : vector<512xi32> to vector<512x1xi32>
    %swap3A_152 = arith.constant 2560 : index
    %swap3A_153 = arith.constant 0 : index
    %swap3A_154 = vector.load %arg6[%swap3A_152, %swap3A_153] : memref<4096x1xi32, #tpu.memory_space<vmem>>, vector<512x1xi32>
    tpu.vector_store %arg6[%swap3A_152, %swap3A_153], %broadcast_in_dim3A_151 {strides = array<i32>} : memref<4096x1xi32, #tpu.memory_space<vmem>>, vector<512x1xi32>,
    %get3A_155 = arith.constant 0 : index
    %get3A_156 = arith.constant 3072 : index
    %get3A_157 = arith.constant 0 : index
    %get3A_158 = vector.load %arg1[%get3A_155, %get3A_156, %get3A_157] : memref<1x4096x1xf32, #tpu.memory_space<vmem>>, vector<1x512x1xf32>
    %get3A_159 = vector.shape_cast %get3A_158 : vector<1x512x1xf32> to vector<512x1xf32>
    %iota3A_160 = tpu.iota {dimensions = array<i32: 0>} : vector<512x4096xi32>
    %add3A_161 = arith.constant 3072 : i32
    %add3A_162 = vector.broadcast %add3A_161 : i32 to vector<512x4096xi32>
    %add3A_163 = arith.addi %add3A_162, %iota3A_160 : vector<512x4096xi32>
    %iota3A_164 = tpu.iota {dimensions = array<i32: 1>} : vector<512x4096xi32>
    %gt3A_165 = vector.broadcast %get3A_3 : vector<1x4096xf32> to vector<512x4096xf32>
    %gt3A_166 = vector.broadcast %get3A_159 : vector<512x1xf32> to vector<512x4096xf32>
    %gt3A_167 = arith.cmpf ogt, %gt3A_165, %gt3A_166 : vector<512x4096xf32>
    %eq3A_168 = vector.broadcast %get3A_3 : vector<1x4096xf32> to vector<512x4096xf32>
    %eq3A_169 = vector.broadcast %get3A_159 : vector<512x1xf32> to vector<512x4096xf32>
    %eq3A_170 = arith.cmpf oeq, %eq3A_168, %eq3A_169 : vector<512x4096xf32>
    %lt3A_171 = arith.cmpi slt, %iota3A_164, %add3A_163 : vector<512x4096xi32>
    %and3A_172 = arith.andi %eq3A_170, %lt3A_171 : vector<512x4096xi1>
    %or3A_173 = arith.ori %gt3A_167, %and3A_172 : vector<512x4096xi1>
    %convert_element_type3A_174 = arith.extui %or3A_173 : vector<512x4096xi1> to vector<512x4096xi32>
    %reduce_sum3A_175 = arith.constant dense<0> : vector<512xi32>
    %reduce_sum3A_176 = vector.multi_reduction <add>, %convert_element_type3A_174, %reduce_sum3A_175 [1] : vector<512x4096xi32> to vector<512xi32>
    %broadcast_in_dim3A_177 = vector.shape_cast %reduce_sum3A_176 : vector<512xi32> to vector<512x1xi32>
    %swap3A_178 = arith.constant 3072 : index
    %swap3A_179 = arith.constant 0 : index
    %swap3A_180 = vector.load %arg6[%swap3A_178, %swap3A_179] : memref<4096x1xi32, #tpu.memory_space<vmem>>, vector<512x1xi32>
    tpu.vector_store %arg6[%swap3A_178, %swap3A_179], %broadcast_in_dim3A_177 {strides = array<i32>} : memref<4096x1xi32, #tpu.memory_space<vmem>>, vector<512x1xi32>,
    %get3A_181 = arith.constant 0 : index
    %get3A_182 = arith.constant 3584 : index
    %get3A_183 = arith.constant 0 : index
    %get3A_184 = vector.load %arg1[%get3A_181, %get3A_182, %get3A_183] : memref<1x4096x1xf32, #tpu.memory_space<vmem>>, vector<1x512x1xf32>
    %get3A_185 = vector.shape_cast %get3A_184 : vector<1x512x1xf32> to vector<512x1xf32>
    %iota3A_186 = tpu.iota {dimensions = array<i32: 0>} : vector<512x4096xi32>
    %add3A_187 = arith.constant 3584 : i32
    %add3A_188 = vector.broadcast %add3A_187 : i32 to vector<512x4096xi32>
    %add3A_189 = arith.addi %add3A_188, %iota3A_186 : vector<512x4096xi32>
    %iota3A_190 = tpu.iota {dimensions = array<i32: 1>} : vector<512x4096xi32>
    %gt3A_191 = vector.broadcast %get3A_3 : vector<1x4096xf32> to vector<512x4096xf32>
    %gt3A_192 = vector.broadcast %get3A_185 : vector<512x1xf32> to vector<512x4096xf32>
    %gt3A_193 = arith.cmpf ogt, %gt3A_191, %gt3A_192 : vector<512x4096xf32>
    %eq3A_194 = vector.broadcast %get3A_3 : vector<1x4096xf32> to vector<512x4096xf32>
    %eq3A_195 = vector.broadcast %get3A_185 : vector<512x1xf32> to vector<512x4096xf32>
    %eq3A_196 = arith.cmpf oeq, %eq3A_194, %eq3A_195 : vector<512x4096xf32>
    %lt3A_197 = arith.cmpi slt, %iota3A_190, %add3A_189 : vector<512x4096xi32>
    %and3A_198 = arith.andi %eq3A_196, %lt3A_197 : vector<512x4096xi1>
    %or3A_199 = arith.ori %gt3A_193, %and3A_198 : vector<512x4096xi1>
    %convert_element_type3A_200 = arith.extui %or3A_199 : vector<512x4096xi1> to vector<512x4096xi32>
    %reduce_sum3A_201 = arith.constant dense<0> : vector<512xi32>
    %reduce_sum3A_202 = vector.multi_reduction <add>, %convert_element_type3A_200, %reduce_sum3A_201 [1] : vector<512x4096xi32> to vector<512xi32>
    %broadcast_in_dim3A_203 = vector.shape_cast %reduce_sum3A_202 : vector<512xi32> to vector<512x1xi32>
    %swap3A_204 = arith.constant 3584 : index
    %swap3A_205 = arith.constant 0 : index
    %swap3A_206 = vector.load %arg6[%swap3A_204, %swap3A_205] : memref<4096x1xi32, #tpu.memory_space<vmem>>, vector<512x1xi32>
    tpu.vector_store %arg6[%swap3A_204, %swap3A_205], %broadcast_in_dim3A_203 {strides = array<i32>} : memref<4096x1xi32, #tpu.memory_space<vmem>>, vector<512x1xi32>,
    %iota3A_207 = tpu.iota {dimensions = array<i32: 1>} : vector<512x3072xi32>
    %broadcast_in_dim3A_208 = arith.constant 0 : i32
    %broadcast_in_dim3A_209 = vector.broadcast %broadcast_in_dim3A_208 : i32 to vector<1x3072xi32>
    %get3A_210 = arith.constant 0 : index
    %get3A_211 = arith.constant 0 : index
    %get3A_212 = vector.load %arg6[%get3A_210, %get3A_211] : memref<4096x1xi32, #tpu.memory_space<vmem>>, vector<512x1xi32>
    %iota3A_213 = tpu.iota {dimensions = array<i32: 0>} : vector<512x3072xi32>
    %add3A_214 = arith.constant 0 : i32
    %add3A_215 = vector.broadcast %add3A_214 : i32 to vector<512x3072xi32>
    %add3A_216 = arith.addi %add3A_215, %iota3A_213 : vector<512x3072xi32>
    %eq3A_217 = vector.broadcast %get3A_212 : vector<512x1xi32> to vector<512x3072xi32>
    %eq3A_218 = arith.cmpi eq, %eq3A_217, %iota3A_207 : vector<512x3072xi32>
    %jit3A = arith.constant 0 : i32
    %broadcast_in_dim3A_219 = vector.broadcast %jit3A : i32 to vector<512x3072xi32>
    %select_n3A = arith.select %eq3A_218, %add3A_216, %broadcast_in_dim3A_219 : vector<512x3072xi1>, vector<512x3072xi32>
    %reduce_sum3A_220 = arith.constant dense<0> : vector<3072xi32>
    %reduce_sum3A_221 = vector.multi_reduction <add>, %select_n3A, %reduce_sum3A_220 [0] : vector<512x3072xi32> to vector<3072xi32>
    %broadcast_in_dim3A_222 = vector.shape_cast %reduce_sum3A_221 : vector<3072xi32> to vector<1x3072xi32>
    %add3A_223 = arith.addi %broadcast_in_dim3A_209, %broadcast_in_dim3A_222 : vector<1x3072xi32>
    %get3A_224 = arith.constant 512 : index
    %get3A_225 = arith.constant 0 : index
    %get3A_226 = vector.load %arg6[%get3A_224, %get3A_225] : memref<4096x1xi32, #tpu.memory_space<vmem>>, vector<512x1xi32>
    %iota3A_227 = tpu.iota {dimensions = array<i32: 0>} : vector<512x3072xi32>
    %add3A_228 = arith.constant 512 : i32
    %add3A_229 = vector.broadcast %add3A_228 : i32 to vector<512x3072xi32>
    %add3A_230 = arith.addi %add3A_229, %iota3A_227 : vector<512x3072xi32>
    %eq3A_231 = vector.broadcast %get3A_226 : vector<512x1xi32> to vector<512x3072xi32>
    %eq3A_232 = arith.cmpi eq, %eq3A_231, %iota3A_207 : vector<512x3072xi32>
    %jit3A_233 = arith.constant 0 : i32
    %broadcast_in_dim3A_234 = vector.broadcast %jit3A_233 : i32 to vector<512x3072xi32>
    %select_n3A_235 = arith.select %eq3A_232, %add3A_230, %broadcast_in_dim3A_234 : vector<512x3072xi1>, vector<512x3072xi32>
    %reduce_sum3A_236 = arith.constant dense<0> : vector<3072xi32>
    %reduce_sum3A_237 = vector.multi_reduction <add>, %select_n3A_235, %reduce_sum3A_236 [0] : vector<512x3072xi32> to vector<3072xi32>
    %broadcast_in_dim3A_238 = vector.shape_cast %reduce_sum3A_237 : vector<3072xi32> to vector<1x3072xi32>
    %add3A_239 = arith.addi %add3A_223, %broadcast_in_dim3A_238 : vector<1x3072xi32>
    %get3A_240 = arith.constant 1024 : index
    %get3A_241 = arith.constant 0 : index
    %get3A_242 = vector.load %arg6[%get3A_240, %get3A_241] : memref<4096x1xi32, #tpu.memory_space<vmem>>, vector<512x1xi32>
    %iota3A_243 = tpu.iota {dimensions = array<i32: 0>} : vector<512x3072xi32>
    %add3A_244 = arith.constant 1024 : i32
    %add3A_245 = vector.broadcast %add3A_244 : i32 to vector<512x3072xi32>
    %add3A_246 = arith.addi %add3A_245, %iota3A_243 : vector<512x3072xi32>
    %eq3A_247 = vector.broadcast %get3A_242 : vector<512x1xi32> to vector<512x3072xi32>
    %eq3A_248 = arith.cmpi eq, %eq3A_247, %iota3A_207 : vector<512x3072xi32>
    %jit3A_249 = arith.constant 0 : i32
    %broadcast_in_dim3A_250 = vector.broadcast %jit3A_249 : i32 to vector<512x3072xi32>
    %select_n3A_251 = arith.select %eq3A_248, %add3A_246, %broadcast_in_dim3A_250 : vector<512x3072xi1>, vector<512x3072xi32>
    %reduce_sum3A_252 = arith.constant dense<0> : vector<3072xi32>
    %reduce_sum3A_253 = vector.multi_reduction <add>, %select_n3A_251, %reduce_sum3A_252 [0] : vector<512x3072xi32> to vector<3072xi32>
    %broadcast_in_dim3A_254 = vector.shape_cast %reduce_sum3A_253 : vector<3072xi32> to vector<1x3072xi32>
    %add3A_255 = arith.addi %add3A_239, %broadcast_in_dim3A_254 : vector<1x3072xi32>
    %get3A_256 = arith.constant 1536 : index
    %get3A_257 = arith.constant 0 : index
    %get3A_258 = vector.load %arg6[%get3A_256, %get3A_257] : memref<4096x1xi32, #tpu.memory_space<vmem>>, vector<512x1xi32>
    %iota3A_259 = tpu.iota {dimensions = array<i32: 0>} : vector<512x3072xi32>
    %add3A_260 = arith.constant 1536 : i32
    %add3A_261 = vector.broadcast %add3A_260 : i32 to vector<512x3072xi32>
    %add3A_262 = arith.addi %add3A_261, %iota3A_259 : vector<512x3072xi32>
    %eq3A_263 = vector.broadcast %get3A_258 : vector<512x1xi32> to vector<512x3072xi32>
    %eq3A_264 = arith.cmpi eq, %eq3A_263, %iota3A_207 : vector<512x3072xi32>
    %jit3A_265 = arith.constant 0 : i32
    %broadcast_in_dim3A_266 = vector.broadcast %jit3A_265 : i32 to vector<512x3072xi32>
    %select_n3A_267 = arith.select %eq3A_264, %add3A_262, %broadcast_in_dim3A_266 : vector<512x3072xi1>, vector<512x3072xi32>
    %reduce_sum3A_268 = arith.constant dense<0> : vector<3072xi32>
    %reduce_sum3A_269 = vector.multi_reduction <add>, %select_n3A_267, %reduce_sum3A_268 [0] : vector<512x3072xi32> to vector<3072xi32>
    %broadcast_in_dim3A_270 = vector.shape_cast %reduce_sum3A_269 : vector<3072xi32> to vector<1x3072xi32>
    %add3A_271 = arith.addi %add3A_255, %broadcast_in_dim3A_270 : vector<1x3072xi32>
    %get3A_272 = arith.constant 2048 : index
    %get3A_273 = arith.constant 0 : index
    %get3A_274 = vector.load %arg6[%get3A_272, %get3A_273] : memref<4096x1xi32, #tpu.memory_space<vmem>>, vector<512x1xi32>
    %iota3A_275 = tpu.iota {dimensions = array<i32: 0>} : vector<512x3072xi32>
    %add3A_276 = arith.constant 2048 : i32
    %add3A_277 = vector.broadcast %add3A_276 : i32 to vector<512x3072xi32>
    %add3A_278 = arith.addi %add3A_277, %iota3A_275 : vector<512x3072xi32>
    %eq3A_279 = vector.broadcast %get3A_274 : vector<512x1xi32> to vector<512x3072xi32>
    %eq3A_280 = arith.cmpi eq, %eq3A_279, %iota3A_207 : vector<512x3072xi32>
    %jit3A_281 = arith.constant 0 : i32
    %broadcast_in_dim3A_282 = vector.broadcast %jit3A_281 : i32 to vector<512x3072xi32>
    %select_n3A_283 = arith.select %eq3A_280, %add3A_278, %broadcast_in_dim3A_282 : vector<512x3072xi1>, vector<512x3072xi32>
    %reduce_sum3A_284 = arith.constant dense<0> : vector<3072xi32>
    %reduce_sum3A_285 = vector.multi_reduction <add>, %select_n3A_283, %reduce_sum3A_284 [0] : vector<512x3072xi32> to vector<3072xi32>
    %broadcast_in_dim3A_286 = vector.shape_cast %reduce_sum3A_285 : vector<3072xi32> to vector<1x3072xi32>
    %add3A_287 = arith.addi %add3A_271, %broadcast_in_dim3A_286 : vector<1x3072xi32>
    %get3A_288 = arith.constant 2560 : index
    %get3A_289 = arith.constant 0 : index
    %get3A_290 = vector.load %arg6[%get3A_288, %get3A_289] : memref<4096x1xi32, #tpu.memory_space<vmem>>, vector<512x1xi32>
    %iota3A_291 = tpu.iota {dimensions = array<i32: 0>} : vector<512x3072xi32>
    %add3A_292 = arith.constant 2560 : i32
    %add3A_293 = vector.broadcast %add3A_292 : i32 to vector<512x3072xi32>
    %add3A_294 = arith.addi %add3A_293, %iota3A_291 : vector<512x3072xi32>
    %eq3A_295 = vector.broadcast %get3A_290 : vector<512x1xi32> to vector<512x3072xi32>
    %eq3A_296 = arith.cmpi eq, %eq3A_295, %iota3A_207 : vector<512x3072xi32>
    %jit3A_297 = arith.constant 0 : i32
    %broadcast_in_dim3A_298 = vector.broadcast %jit3A_297 : i32 to vector<512x3072xi32>
    %select_n3A_299 = arith.select %eq3A_296, %add3A_294, %broadcast_in_dim3A_298 : vector<512x3072xi1>, vector<512x3072xi32>
    %reduce_sum3A_300 = arith.constant dense<0> : vector<3072xi32>
    %reduce_sum3A_301 = vector.multi_reduction <add>, %select_n3A_299, %reduce_sum3A_300 [0] : vector<512x3072xi32> to vector<3072xi32>
    %broadcast_in_dim3A_302 = vector.shape_cast %reduce_sum3A_301 : vector<3072xi32> to vector<1x3072xi32>
    %add3A_303 = arith.addi %add3A_287, %broadcast_in_dim3A_302 : vector<1x3072xi32>
    %get3A_304 = arith.constant 3072 : index
    %get3A_305 = arith.constant 0 : index
    %get3A_306 = vector.load %arg6[%get3A_304, %get3A_305] : memref<4096x1xi32, #tpu.memory_space<vmem>>, vector<512x1xi32>
    %iota3A_307 = tpu.iota {dimensions = array<i32: 0>} : vector<512x3072xi32>
    %add3A_308 = arith.constant 3072 : i32
    %add3A_309 = vector.broadcast %add3A_308 : i32 to vector<512x3072xi32>
    %add3A_310 = arith.addi %add3A_309, %iota3A_307 : vector<512x3072xi32>
    %eq3A_311 = vector.broadcast %get3A_306 : vector<512x1xi32> to vector<512x3072xi32>
    %eq3A_312 = arith.cmpi eq, %eq3A_311, %iota3A_207 : vector<512x3072xi32>
    %jit3A_313 = arith.constant 0 : i32
    %broadcast_in_dim3A_314 = vector.broadcast %jit3A_313 : i32 to vector<512x3072xi32>
    %select_n3A_315 = arith.select %eq3A_312, %add3A_310, %broadcast_in_dim3A_314 : vector<512x3072xi1>, vector<512x3072xi32>
    %reduce_sum3A_316 = arith.constant dense<0> : vector<3072xi32>
    %reduce_sum3A_317 = vector.multi_reduction <add>, %select_n3A_315, %reduce_sum3A_316 [0] : vector<512x3072xi32> to vector<3072xi32>
    %broadcast_in_dim3A_318 = vector.shape_cast %reduce_sum3A_317 : vector<3072xi32> to vector<1x3072xi32>
    %add3A_319 = arith.addi %add3A_303, %broadcast_in_dim3A_318 : vector<1x3072xi32>
    %get3A_320 = arith.constant 3584 : index
    %get3A_321 = arith.constant 0 : index
    %get3A_322 = vector.load %arg6[%get3A_320, %get3A_321] : memref<4096x1xi32, #tpu.memory_space<vmem>>, vector<512x1xi32>
    %iota3A_323 = tpu.iota {dimensions = array<i32: 0>} : vector<512x3072xi32>
    %add3A_324 = arith.constant 3584 : i32
    %add3A_325 = vector.broadcast %add3A_324 : i32 to vector<512x3072xi32>
    %add3A_326 = arith.addi %add3A_325, %iota3A_323 : vector<512x3072xi32>
    %eq3A_327 = vector.broadcast %get3A_322 : vector<512x1xi32> to vector<512x3072xi32>
    %eq3A_328 = arith.cmpi eq, %eq3A_327, %iota3A_207 : vector<512x3072xi32>
    %jit3A_329 = arith.constant 0 : i32
    %broadcast_in_dim3A_330 = vector.broadcast %jit3A_329 : i32 to vector<512x3072xi32>
    %select_n3A_331 = arith.select %eq3A_328, %add3A_326, %broadcast_in_dim3A_330 : vector<512x3072xi1>, vector<512x3072xi32>
    %reduce_sum3A_332 = arith.constant dense<0> : vector<3072xi32>
    %reduce_sum3A_333 = vector.multi_reduction <add>, %select_n3A_331, %reduce_sum3A_332 [0] : vector<512x3072xi32> to vector<3072xi32>
    %broadcast_in_dim3A_334 = vector.shape_cast %reduce_sum3A_333 : vector<3072xi32> to vector<1x3072xi32>
    %add3A_335 = arith.addi %add3A_319, %broadcast_in_dim3A_334 : vector<1x3072xi32>
    %swap3A_336 = arith.constant 0 : index
    %swap3A_337 = arith.constant 0 : index
    %swap3A_338 = arith.constant 0 : index
    %swap3A_339 = vector.load %arg3[%swap3A_336, %swap3A_337, %swap3A_338] : memref<1x1x3072xi32, #tpu.memory_space<vmem>>, vector<1x1x3072xi32>
    %swap3A_340 = vector.shape_cast %swap3A_339 : vector<1x1x3072xi32> to vector<1x3072xi32>
    %swap3A_341 = vector.shape_cast %add3A_335 : vector<1x3072xi32> to vector<1x1x3072xi32>
    tpu.vector_store %arg3[%swap3A_336, %swap3A_337, %swap3A_338], %swap3A_341 {strides = array<i32>} : memref<1x1x3072xi32, #tpu.memory_space<vmem>>, vector<1x1x3072xi32>,
    %mul3A = arith.constant 4096 : i32
    %mul3A_342 = arith.muli %arg0, %mul3A : i32
    %add3A_343 = vector.broadcast %mul3A_342 : i32 to vector<1x3072xi32>
    %add3A_344 = arith.addi %add3A_335, %add3A_343 : vector<1x3072xi32>
    %swap3A_345 = arith.constant 0 : index
    %swap3A_346 = arith.constant 0 : index
    %swap3A_347 = arith.constant 0 : index
    %swap3A_348 = vector.load %arg4[%swap3A_345, %swap3A_346, %swap3A_347] : memref<1x1x3072xi32, #tpu.memory_space<vmem>>, vector<1x1x3072xi32>
    %swap3A_349 = vector.shape_cast %swap3A_348 : vector<1x1x3072xi32> to vector<1x3072xi32>
    %swap3A_350 = vector.shape_cast %add3A_344 : vector<1x3072xi32> to vector<1x1x3072xi32>
    tpu.vector_store %arg4[%swap3A_345, %swap3A_346, %swap3A_347], %swap3A_350 {strides = array<i32>} : memref<1x1x3072xi32, #tpu.memory_space<vmem>>, vector<1x1x3072xi32>,
    return
  }
  func.func @transform_0(%arg0: i32) -> (i32, i32, i32) {
    %c0_i32 = arith.constant 0 : i32
    %c0_i32_0 = arith.constant 0 : i32
    %c0_i32_1 = arith.constant 0 : i32
    return %arg0, %c0_i32, %c0_i32_0 : i32, i32, i32
  }
  func.func @transform_1(%arg0: i32) -> (i32, i32, i32) {
    %c0_i32 = arith.constant 0 : i32
    %c0_i32_0 = arith.constant 0 : i32
    %c0_i32_1 = arith.constant 0 : i32
    return %arg0, %c0_i32, %c0_i32_0 : i32, i32, i32
  }
  func.func @transform_2(%arg0: i32) -> (i32, i32, i32) {
    %c0_i32 = arith.constant 0 : i32
    %c0_i32_0 = arith.constant 0 : i32
    %c0_i32_1 = arith.constant 0 : i32
    return %arg0, %c0_i32, %c0_i32_0 : i32, i32, i32
  }
  func.func @transform_3(%arg0: i32) -> (i32, i32, i32) {
    %c0_i32 = arith.constant 0 : i32
    %c0_i32_0 = arith.constant 0 : i32
    %c0_i32_1 = arith.constant 0 : i32
    return %arg0, %c0_i32, %c0_i32_0 : i32, i32, i32
  }
  func.func @transform_4(%arg0: i32) -> (i32, i32, i32) {
    %c0_i32 = arith.constant 0 : i32
    %c0_i32_0 = arith.constant 0 : i32
    %c0_i32_1 = arith.constant 0 : i32
    return %arg0, %c0_i32, %c0_i32_0 : i32, i32, i32
  }
}

</mosaic_0001>

<sc_bundles>
// kernel: kernel.4.cloned.1.call-start
scs
__scs_entry_jumppad:
0x0: {  	(pc) =	sbr.rel $0x88, $3  }
0x1: {  	(tag) =	ssettag $0x0;
	lr =	simm.s32 $0x1  }
0x2: {  	[smem:$0x3F9F] =	sst lr;
	_ =	strace $0xD0000000  }
0x3: {  	_ = 	snop  }
0x4: {  	_ = 	snop  }
0x5: {  	_ = 	snop  }
0x6: {  	_ = 	snop  }
0x7: {  	_ = 	snop  }
__scs_overlays_trampoline_lowered:
0x8: {  	[smem:$0x3FAE] =	sst s0  }
0x9: {  	[smem:$0x3FAF] =	sst s1  }
0xa: {  	[smem:$0x3FB0] =	sst s2  }
0xb: {  	[smem:$0x3FB1] =	sst s3  }
0xc: {  	[smem:$0x3FB2] =	sst s4  }
0xd: {  	[smem:$0x3FB3] =	sst s5  }
0xe: {  	[smem:$0x3FB4] =	sst s6  }
0xf: {  	[smem:$0x3FB5] =	sst s7  }
0x10: {  	[smem:$0x3FB6] =	sst s8  }
0x11: {  	[smem:$0x3FB7] =	sst s9;
	s0 =	simm.s32 @!p0 $0x0  }
0x12: {  	s1 =	sld [smem:$0x3F9D];
	s0 =	simm.s32 @p0 $0x1  }
0x13: {  	[smem:$0x3FB8] =	sst s0;
	s0 =	simm.s32 @!p1 $0x0  }
0x14: {  	s2 =	sld [smem:$0x3F9C];
	s0 =	simm.s32 @p1 $0x1  }
0x15: {  	[smem:$0x3FB9] =	sst s0;
	s0 =	simm.s32 @!p2 $0x0  }
0x16: {  	s3 =	sld [smem:$0x3FDB];
	s0 =	simm.s32 @p2 $0x1  }
0x17: {  	s4 =	simm.s32 $0x1BF5;
	[smem:$0x3FBB] =	sst s0  }
0x18: {  	s0 =	sld [smem:$0x3F9E];
	_ =	swait.ge [sflag:s4], $0x0  }
0x19: {  	s7 =	sld [smem:$0x3F9F]  }
0x1a: {  	s8 =	sadd.s32 $0xFFFFE003, lr  }
0x1b: {  	s9 =	sadd.s32 $0xFFFFFEF7, lr;
	s5 =	simm.s32 $0xFFFFFFFF;
	p2 =	slt.u32 s8, $0xFFFFF086  }
0x1c: {  	p1 =	slt.u32 s9, $0xF7A;
	s5 =	simm.s32 @!p2 $0x0  }
0x1d: {  	s5 =	simm.s32 @p1 $0x1;
	p0 =	seq.s32 s7, s2  }
0x1e: {  	s7 =	smul.u32 @!p0 $0xF7A, s2;
	p2 =	seq.s32 @!p0 s5, $0x0  }
0x1f: {  	s9 =	smul.u32 $0xF7A, s1;
	s8 =	simm.s32 @!p0 $0x1BF5;
	p2 =	por !p2, p0  }
0x20: {  	[sflag:s8] =	ssyncset.s32 @!p0 $0xFFFFF086;
	s6 =	sadd.s32 @!p0 s3, s7;
	s7 =	simm.s32 @!p0 $0x108  }
0x21: {  	s3 =	sadd.s32 s3, s9;
	s6 =	sadd.s32 @!p0 $0x88, s6;
	s7 =	simm.s32 @p2 $0x1082  }
0x22: {  	[simem:s7], [sflag:s8] =	dma.local @!p0 [hbm:s6], $0xF7A  }
0x23: {  	s9 =	sor.u32 $0xD0000000, s2;
	s6 =	simm.s32 $0x108;
	_ =	swait.ge @!p0 [sflag:s8], $0x0  }
0x24: {  	s3 =	sadd.s32 $0x88, s3;
	s6 =	simm.s32 @!p1 $0x1082;
	[sflag:s4] =	ssyncset.s32 $0xFFFFF086  }
0x25: {  	[simem:s6], [sflag:s4] =	dma.local [hbm:s3], $0xF7A  }
0x26: {  	[smem:$0x3F9F] =	sst s1;
	(tag) =	ssettag s2;
	_ =	strace s9  }
0x27: {  	s1 =	sld [smem:$0x3FAF]  }
0x28: {  	s2 =	sld [smem:$0x3FB0]  }
0x29: {  	s4 =	sld [smem:$0x3FB2]  }
0x2a: {  	p0 =	seq.s32 s5, $0x0;
	s5 =	sld [smem:$0x3FB3]  }
0x2b: {  	s6 =	sld [smem:$0x3FB4]  }
0x2c: {  	s7 =	sld [smem:$0x3FB5]  }
0x2d: {  	s3 =	simm.s32 $0x108;
	s8 =	sld [smem:$0x3FB6]  }
0x2e: {  	s3 =	simm.s32 @!p0 $0x1082;
	s9 =	sld [smem:$0x3FB7]  }
0x2f: {  	lr =	sadd.s32 s0, s3;
	s0 =	sld [smem:$0x3FAE]  }
0x30: {  	s3 =	sld [smem:$0x3FB1]  }
0x31: {  	[smem:$0x3FBA] =	sst s10  }
0x32: {  	s10 =	sld [smem:$0x3FB8];
	_ =	sdelay $0x3  }
0x33: {  	p0 =	seq.s32 s10, $0x1;
	s10 =	sld [smem:$0x3FBA];
	_ =	sdelay $0x3  }
0x34: {  	[smem:$0x3FBA] =	sst s10  }
0x35: {  	s10 =	sld [smem:$0x3FB9];
	_ =	sdelay $0x3  }
0x36: {  	p1 =	seq.s32 s10, $0x1;
	s10 =	sld [smem:$0x3FBA];
	_ =	sdelay $0x3  }
0x37: {  	[smem:$0x3FBA] =	sst s10  }
0x38: {  	s10 =	sld [smem:$0x3FBB]  }
0x39: {  	_ = 	snop;
	(pc) =	sbr.ind lr, $3  }
0x3a: {  	_ = 	snop  }
0x3b: {  	_ = 	snop  }
0x3c: {  	p2 =	seq.s32 s10, $0x1;
	s10 =	sld [smem:$0x3FBA]  }
0x3d: {  	_ =	shalt  }
0x3e: {  	_ =	shalt  }
0x3f: {  	_ =	shalt  }
0x40: {  	_ =	shalt  }
0x41: {  	_ =	shalt  }
0x42: {  	_ =	shalt  }
0x43: {  	_ =	shalt  }
0x44: {  	_ =	shalt  }
0x45: {  	_ =	shalt  }
0x46: {  	_ =	shalt  }
0x47: {  	_ =	shalt  }
0x48: {  	_ =	shalt  }
0x49: {  	_ =	shalt  }
0x4a: {  	_ =	shalt  }
0x4b: {  	_ =	shalt  }
0x4c: {  	_ =	shalt  }
0x4d: {  	_ =	shalt  }
0x4e: {  	_ =	shalt  }
0x4f: {  	_ =	shalt  }
0x50: {  	_ =	shalt  }
0x51: {  	_ =	shalt  }
0x52: {  	_ =	shalt  }
0x53: {  	_ =	shalt  }
0x54: {  	_ =	shalt  }
0x55: {  	_ =	shalt  }
0x56: {  	_ =	shalt  }
0x57: {  	_ =	shalt  }
0x58: {  	_ =	shalt  }
0x59: {  	_ =	shalt  }
0x5a: {  	_ =	shalt  }
0x5b: {  	_ =	shalt  }
0x5c: {  	_ =	shalt  }
0x5d: {  	_ =	shalt  }
0x5e: {  	_ =	shalt  }
0x5f: {  	_ =	shalt  }
0x60: {  	_ =	shalt  }
0x61: {  	_ =	shalt  }
0x62: {  	_ =	shalt  }
0x63: {  	_ =	shalt  }
0x64: {  	_ =	shalt  }
0x65: {  	_ =	shalt  }
0x66: {  	_ =	shalt  }
0x67: {  	_ =	shalt  }
0x68: {  	_ =	shalt  }
0x69: {  	_ =	shalt  }
0x6a: {  	_ =	shalt  }
0x6b: {  	_ =	shalt  }
0x6c: {  	_ =	shalt  }
0x6d: {  	_ =	shalt  }
0x6e: {  	_ =	shalt  }
0x6f: {  	_ =	shalt  }
0x70: {  	_ =	shalt  }
0x71: {  	_ =	shalt  }
0x72: {  	_ =	shalt  }
0x73: {  	_ =	shalt  }
0x74: {  	_ =	shalt  }
0x75: {  	_ =	shalt  }
0x76: {  	_ =	shalt  }
0x77: {  	_ =	shalt  }
0x78: {  	_ =	shalt  }
0x79: {  	_ =	shalt  }
0x7a: {  	_ =	shalt  }
0x7b: {  	_ =	shalt  }
0x7c: {  	_ =	shalt  }
0x7d: {  	_ =	shalt  }
0x7e: {  	_ =	shalt  }
0x7f: {  	_ =	shalt  }
0x80: {  	_ =	shalt  }
0x81: {  	_ =	shalt  }
0x82: {  	_ =	shalt  }
0x83: {  	_ =	shalt  }
0x84: {  	_ =	shalt  }
0x85: {  	_ =	shalt  }
0x86: {  	_ =	shalt  }
0x87: {  	_ =	shalt  }
.Lfunc_end0:
.L_simem_size_0:
called_computation_lowered:
.L_overlay_start_0:
0x88: {  	s2 =	sld [smem:$0x3FD9]  }
0x89: {  	s3 =	sld [smem:$0x3FFE];
	_ =	sdelay $0x1  }
0x8a: {  	s1 =	srdreg.scid  }
0x8b: {  	s0 =	sand.u32 $0x1, s1  }
0x8c: {  	s14 =	sshll.u32 s0, $0xA;
	s2 =	sadd.s32 s3, s2  }
0x8d: {  	s2 =	sadd.s32 s2, s14  }
0x8e: {  	[smem:$0x3FC6] =	sst s2  }
0x8f: {  	_ = 	snop  }
0x90: {  	s2 =	sld [smem:$0x3FD0];
	_ =	sdelay $0x2  }
0x91: {  	s4 =	simm.s32 $0xA;
	s5 =	simm.s32 $0x10;
	s15 =	sld [smem:$0x3FC9]  }
0x92: {  	[smem:s5], [sflag:s4] =	dma.local [hbm:s2], $0x1  }
0x93: {  	_ =	swait.eq [sflag:s4], $0x1  }
0x94: {  	[sflag:s4] =	ssyncset.done $0x0  }
0x95: {  	[sflag:s4] =	ssyncadd.s32 $0xFFFFFFFF  }
0x96: {  	s16 =	sld [smem:$0x10];
	(tm) =	ssettm $0x1  }
0x97: {  	s17 =	sld [smem:$0x3FFB];
	_ =	sdelay $0x3  }
0x98: {  	_ =	strace s17  }
0x99: {  	s4 =	sld [smem:$0x3FFC];
	_ =	sdelay $0x3  }
0x9a: {  	_ =	strace s4  }
0x9b: {  	s4 =	sld [smem:$0x3FFD];
	_ =	sdelay $0x3  }
0x9c: {  	_ =	strace s4  }
0x9d: {  	_ =	strace $0x8FFFFFFF  }
0x9e: {  	s18 =	sld [smem:$0x3FDB];
	_ =	sdelay $0x1  }
0x9f: {  	s19 =	simm.s32 $_scs_section_size  }
0xa0: {  	s6 =	simm.s32 $_size__tile_overlayer_lowered;
	s7 =	simm.s32 $_tile_overlayer_lowered  }
0xa1: {  	s22 =	simm.s32 $0x1BFF;
	s21 =	sshll.u32 s7, $0x1;
	s4 =	sadd.s32 s19, s18  }
0xa2: {  	s8 =	simm.s32 $0x0;
	s20 =	sshll.u32 s6, $0x1;
	s6 =	sadd.s32 s21, s4  }
0xa3: {  	[timem:s8], [sflag:s22] =	dma.local [hbm:s6], s20  }
0xa4: {  	_ =	swait.ge [sflag:s22], s20  }
0xa5: {  	s5 =	ssub.s32 $0x0, s20;
	[sflag:s22] =	ssyncset.done $0x0  }
0xa6: {  	[sflag:s22] =	ssyncadd.s32 s5;
	_ =	sdelay $0x1  }
0xa7: {  	s23 =	simm.s32 $0x1B8B  }
0xa8: {  	_ =	swait.ge [sflag:s23], $0x1  }
0xa9: {  	[sflag:s23] =	ssyncset.done $0x0  }
0xaa: {  	s25 =	simm.s32 $0x1B8E;
	s24 =	sld [smem:$0x3FFE];
	[sflag:s23] =	ssyncadd.s32 $0xFFFFFFFF  }
0xab: {  	s26 =	simm.s32 $execute0_lowered;
	[smem:$0x3FD2] =	sst s25  }
0xac: {  	s6 =	sshll.u32 s26, $0x1;
	_ =	strace $0x80000046;
	[dreg:$0x1] =	wrdreg $0xFFFFFFFF  }
0xad: {  	s28 =	simm.s32 $_size_execute0_lowered;
	s4 =	sadd.s32 s4, s6;
	[dreg:$0x0] =	wrdreg $0x0  }
0xae: {  	s6 =	sshll.u32 s28, $0x1;
	[dreg:$0x2] =	wrdreg s4  }
0xaf: {  	[dreg:$0x3] =	wrdreg s6  }
0xb0: {  	[dreg:$0x4] =	wrdreg $0xC0  }
0xb1: {  	_ =	task [dreg:s8], $0x5FFFF  }
0xb2: {  	[dreg:$0x1] =	wrdreg $0xFFFFFFFF  }
0xb3: {  	[dreg:$0x0] =	wrdreg $0x60  }
0xb4: {  	[dreg:$0x2] =	wrdreg s15  }
0xb5: {  	[dreg:$0x3] =	wrdreg s24  }
0xb6: {  	[dreg:$0x4] =	wrdreg s16  }
0xb7: {  	[dreg:$0x5] =	wrdreg $0x9  }
0xb8: {  	_ =	task.clear_ibuf [dreg:s8], $0x6FFFF;
	_ =	strace $0x90000046  }
0xb9: {  	s29 =	simm.s32 $0x9;
	_ =	strace $0x80000048  }
0xba: {  	_ =	swait.ge [sflag:s29], $0x1  }
0xbb: {  	[sflag:s29] =	ssyncadd.s32 $0xFFFFFFFF  }
0xbc: {  	_ =	strace $0x90000048  }
0xbd: {  	_ =	sfence  }
0xbe: {  	s30 =	sld [smem:$0x0];
	_ =	sdelay $0x2  }
0xbf: {  	s31 =	sshll.u32 s1, $0xD;
	s1 =	sshrl.u32 s1, $0x2  }
0xc0: {  	s3 =	sand.u32 $0x4000, s31;
	s1 =	sadd.s32 s1, s30  }
0xc1: {  	s0 =	sor.u32 s3, s0;
	s1 =	sshll.u32 s1, $0x11  }
0xc2: {  	s0 =	sor.u32 s1, s0  }
0xc3: {  	s0 =	sadd.s32 $0x8F2B, s0  }
0xc4: {  	[sflag:s0] =	ssyncadd.remote.s32 $0x1  }
0xc5: {  	_ =	sfence.sel $0xFFFF  }
0xc6: {  	[dreg:$0x0] =	wrdreg $0xFFFFFFFF;
	(pc) =	sbr.abs _section_cstart, $3  }
0xc7: {  	[dreg:$0x1] =	wrdreg $0xFFFFFFFF  }
0xc8: {  	_ =	task.clear_ibuf [dreg:s8], $0x2FFFF;
	_ =	strace $0x9FFFFFFF  }
0xc9: {  	(tm) =	ssettm $0x7FFFFFFF  }
tec
execute0_lowered:
.L_overlay_start_1:
0x0: {  	(tag) =	ssettag $0x1  }
0x1: {  	s0 =	srdreg.scid;
	s2 =	stileid.u32  }
0x2: {  	s0 =	sand.u32 $0x1, s0;
	s2 =	sshll.u32 s2, $0x1  }
0x3: {  	s2 =	sor.u32 s0, s2  }
0x4: {  	s1 =	rddreg [dreg:$0x0];
	s6 =	smul.u32 $0x30, s2  }
0x5: {  	s4 =	rddreg [dreg:$0x1];
	s7 =	smul.u32 $0x18000, s2  }
0x6: {  	s5 =	rddreg [dreg:$0x2];
	s3 =	simm.s32 $0x0  }
0x7: {  	[smem:$0x7FF] =	sst s3;
	s4 =	sadd.s32 s6, s4;
	s25 =	sadd.s32 s5, s7  }
0x8: {  	_ =	strace $0x80000047;
	s4 =	sadd.s32 $0xE00, s4;
	[dreg:$0x1c] =	wrdreg s25  }
0x9: {  	s26 =	sadd.s32 $0x1000, s25;
	[dreg:$0x4] =	wrdreg s4  }
0xa: {  	s31 =	sadd.s32 $0x2000, s25;
	[dreg:$0x5] =	wrdreg s26  }
0xb: {  	s7 =	sadd.s32 $0x3000, s25;
	[dreg:$0x6] =	wrdreg s31  }
0xc: {  	s2 =	smul.u32 $0xC0000, s2;
	s8 =	sadd.s32 $0x4000, s25;
	[dreg:$0x7] =	wrdreg s7  }
0xd: {  	s9 =	sadd.s32 $0x5000, s25;
	[dreg:$0x8] =	wrdreg s8  }
0xe: {  	s2 =	sshrl.u32 s2, $0x3;
	s10 =	sadd.s32 $0x6000, s25;
	[dreg:$0x9] =	wrdreg s9  }
0xf: {  	s11 =	sadd.s32 $0x7000, s25;
	s2 =	sadd.s32 s5, s2;
	[dreg:$0xa] =	wrdreg s10  }
0x10: {  	[dreg:$0xb] =	wrdreg s11;
	s12 =	sadd.s32 $0x8000, s2  }
0x11: {  	s13 =	sadd.s32 $0x9000, s2;
	[dreg:$0xc] =	wrdreg s12  }
0x12: {  	s14 =	sadd.s32 $0xA000, s2;
	[dreg:$0xd] =	wrdreg s13  }
0x13: {  	s15 =	sadd.s32 $0xB000, s2;
	[dreg:$0xe] =	wrdreg s14  }
0x14: {  	s28 =	simm.s32 $0x5;
	s16 =	sadd.s32 $0xC000, s2;
	[dreg:$0xf] =	wrdreg s15  }
0x15: {  	s29 =	simm.s32 $0x3;
	s17 =	sadd.s32 $0xD000, s2;
	[dreg:$0x10] =	wrdreg s16  }
0x16: {  	s30 =	simm.s32 $0x6;
	s18 =	sadd.s32 $0xE000, s2;
	[dreg:$0x11] =	wrdreg s17  }
0x17: {  	s0 =	ssub.s32 $0x2, s0;
	s20 =	sadd.s32 $0xF000, s2;
	[dreg:$0x12] =	wrdreg s18  }
0x18: {  	s19 =	sshrl.u32 s0, $0x1;
	s21 =	sadd.s32 $0x10000, s2;
	[dreg:$0x13] =	wrdreg s20  }
0x19: {  	s0 =	ssub.s32 s0, s19;
	s22 =	sadd.s32 $0x11000, s2;
	[dreg:$0x14] =	wrdreg s21  }
0x1a: {  	s6 =	sadd.s32 $0x200, s1;
	s23 =	sadd.s32 $0x12000, s2;
	[dreg:$0x15] =	wrdreg s22  }
0x1b: {  	s0 =	smax.u32 s0, $0x1;
	s24 =	sadd.s32 $0x13000, s2;
	[dreg:$0x16] =	wrdreg s23  }
0x1c: {  	s5 =	sadd.s32 $0x100, s1;
	s25 =	sadd.s32 $0x14000, s2;
	[dreg:$0x17] =	wrdreg s24  }
0x1d: {  	s7 =	sadd.s32 $0x300, s1;
	s26 =	sadd.s32 $0x15000, s2;
	[dreg:$0x18] =	wrdreg s25  }
0x1e: {  	s8 =	sadd.s32 $0x400, s1;
	s31 =	sadd.s32 $0x16000, s2;
	[dreg:$0x19] =	wrdreg s26  }
0x1f: {  	v2 =	vlaneseq.u32;
	s9 =	sadd.s32 $0x500, s1;
	s2 =	sadd.s32 $0x17000, s2;
	[dreg:$0x1a] =	wrdreg s31  }
0x20: {  	vm0 =	vmmov $0xffff;
	v1 =	vshrl.u32 v2, $0x3;
	s10 =	sadd.s32 $0x600, s1;
	s11 =	sadd.s32 $0x700, s1;
	[dreg:$0x1b] =	wrdreg s2  }
0x21: {  	v0 =	vand.u32 $0x7, v2;
	v2 =	vor.u32 $0x8, v2;
	v1 =	vmul.u32 $0x8, v1;
	s23 =	simm.s32 $0x1;
	s24 =	simm.s32 $0x4;
	s25 =	simm.s32 $0x2  }
.LBB2_1:
0x22: {  	[dreg:$0x1d] =	wrdreg s0  }
0x23: {  	s2 =	rddreg [dreg:$0x4];
	s12 =	simm.s32 $0x7  }
0x24: {  	[tilespmem:s3], [sflag:$0x7] =	stream.linear.gather [hbm4b:s2+s3], $0x180, $0x38;
	[tilespmem:$0x18180] =	vst v63  }
0x25: {  	_ =	swait.ge [sflag:s12], $0x180  }
0x26: {  	[sflag:s12] =	ssyncset.done $0x0  }
0x27: {  	[sflag:s12] =	ssyncadd.s32 $0xFFFFFE80  }
0x28: {  	v3 =	vld [tilespmem:$0x0];
	_ =	sdelay $0x4  }
0x29: {  	v4 =	vshll.u32 v3, $0x4  }
0x2a: {  	v3 =	vand.u32 $0x7, v3;
	v4 =	vand.u32 $0xFFFFFF80, v4  }
0x2b: {  	v3 =	vor.u32 v3, v4  }
0x2c: {  	v4 =	vperm.xlane v3, v0;
	_ =	sdelay $0x1  }
0x2d: {  	v4 =	vadd.s32 v1, v4;
	_ =	sdelay $0x3  }
0x2e: {  	s13 =	simm.s32 $0x180  }
0x2f: {  	[tilespmem:s13], [sflag:$0x1] =	stream.indirect_vreg.gather [hbm4b:s1+s3], $0x80, v4, vm0, $0xb8;
	[tilespmem:$0x18180] =	vst v63  }
0x30: {  	s14 =	simm.s32 $0x980  }
0x31: {  	[tilespmem:s14], [sflag:$0x1] =	stream.indirect_vreg.gather [hbm4b:s5+s3], $0x80, v4, vm0, $0xb8;
	[tilespmem:$0x18180] =	vst v63  }
0x32: {  	s15 =	simm.s32 $0x1180  }
0x33: {  	[tilespmem:s15], [sflag:$0x1] =	stream.indirect_vreg.gather [hbm4b:s6+s3], $0x80, v4, vm0, $0xb8;
	[tilespmem:$0x18180] =	vst v63  }
0x34: {  	s16 =	simm.s32 $0x1980  }
0x35: {  	[tilespmem:s16], [sflag:$0x1] =	stream.indirect_vreg.gather [hbm4b:s7+s3], $0x80, v4, vm0, $0xb8;
	[tilespmem:$0x18180] =	vst v63  }
0x36: {  	s17 =	simm.s32 $0x2180  }
0x37: {  	[tilespmem:s17], [sflag:$0x1] =	stream.indirect_vreg.gather [hbm4b:s8+s3], $0x80, v4, vm0, $0xb8;
	[tilespmem:$0x18180] =	vst v63  }
0x38: {  	s18 =	simm.s32 $0x2980;
	v3 =	vperm.xlane v3, v2  }
0x39: {  	[tilespmem:s18], [sflag:$0x1] =	stream.indirect_vreg.gather [hbm4b:s9+s3], $0x80, v4, vm0, $0xb8;
	[tilespmem:$0x18180] =	vst v63  }
0x3a: {  	s19 =	simm.s32 $0x3180;
	v3 =	vadd.s32 v1, v3  }
0x3b: {  	[tilespmem:s19], [sflag:$0x1] =	stream.indirect_vreg.gather [hbm4b:s10+s3], $0x80, v4, vm0, $0xb8;
	[tilespmem:$0x18180] =	vst v63  }
0x3c: {  	s20 =	simm.s32 $0x3980  }
0x3d: {  	[tilespmem:s20], [sflag:$0x1] =	stream.indirect_vreg.gather [hbm4b:s11+s3], $0x80, v4, vm0, $0xb8;
	[tilespmem:$0x18180] =	vst v63  }
0x3e: {  	s21 =	simm.s32 $0x4180  }
0x3f: {  	[tilespmem:s21], [sflag:$0x1] =	stream.indirect_vreg.gather [hbm4b:s1+s3], $0x80, v3, vm0, $0xb8;
	[tilespmem:$0x18180] =	vst v63  }
0x40: {  	s31 =	simm.s32 $0x4980  }
0x41: {  	[tilespmem:s31], [sflag:$0x1] =	stream.indirect_vreg.gather [hbm4b:s5+s3], $0x80, v3, vm0, $0xb8;
	[tilespmem:$0x18180] =	vst v63  }
0x42: {  	s2 =	simm.s32 $0x5180  }
0x43: {  	[tilespmem:s2], [sflag:$0x1] =	stream.indirect_vreg.gather [hbm4b:s6+s3], $0x80, v3, vm0, $0xb8;
	[tilespmem:$0x18180] =	vst v63  }
0x44: {  	s4 =	simm.s32 $0x5980  }
0x45: {  	[tilespmem:s4], [sflag:$0x1] =	stream.indirect_vreg.gather [hbm4b:s7+s3], $0x80, v3, vm0, $0xb8;
	[tilespmem:$0x18180] =	vst v63  }
0x46: {  	s13 =	simm.s32 $0x6180  }
0x47: {  	[tilespmem:s13], [sflag:$0x1] =	stream.indirect_vreg.gather [hbm4b:s8+s3], $0x80, v3, vm0, $0xb8;
	[tilespmem:$0x18180] =	vst v63  }
0x48: {  	s31 =	simm.s32 $0x6980  }
0x49: {  	[tilespmem:s31], [sflag:$0x1] =	stream.indirect_vreg.gather [hbm4b:s9+s3], $0x80, v3, vm0, $0xb8;
	[tilespmem:$0x18180] =	vst v63  }
0x4a: {  	s2 =	simm.s32 $0x7180  }
0x4b: {  	[tilespmem:s2], [sflag:$0x1] =	stream.indirect_vreg.gather [hbm4b:s10+s3], $0x80, v3, vm0, $0xb8;
	[tilespmem:$0x18180] =	vst v63  }
0x4c: {  	s4 =	simm.s32 $0x7980  }
0x4d: {  	[tilespmem:s4], [sflag:$0x1] =	stream.indirect_vreg.gather [hbm4b:s11+s3], $0x80, v3, vm0, $0xb8;
	[tilespmem:$0x18180] =	vst v63  }
0x4e: {  	v3 =	vld [tilespmem:$0x10];
	_ =	sdelay $0x4  }
0x4f: {  	v41 =	vshll.u32 v3, $0x4  }
0x50: {  	v3 =	vand.u32 $0x7, v3;
	v4 =	vand.u32 $0xFFFFFF80, v41  }
0x51: {  	v3 =	vor.u32 v3, v4  }
0x52: {  	v4 =	vperm.xlane v3, v0;
	_ =	sdelay $0x1  }
0x53: {  	v4 =	vadd.s32 v1, v4;
	_ =	sdelay $0x3  }
0x54: {  	s31 =	simm.s32 $0x8180  }
0x55: {  	[tilespmem:s31], [sflag:$0x2] =	stream.indirect_vreg.gather [hbm4b:s1+s3], $0x80, v4, vm0, $0xb8;
	[tilespmem:$0x18180] =	vst v63  }
0x56: {  	s2 =	simm.s32 $0x8980  }
0x57: {  	[tilespmem:s2], [sflag:$0x2] =	stream.indirect_vreg.gather [hbm4b:s5+s3], $0x80, v4, vm0, $0xb8;
	[tilespmem:$0x18180] =	vst v63  }
0x58: {  	s31 =	simm.s32 $0x9180  }
0x59: {  	[tilespmem:s31], [sflag:$0x2] =	stream.indirect_vreg.gather [hbm4b:s6+s3], $0x80, v4, vm0, $0xb8;
	[tilespmem:$0x18180] =	vst v63  }
0x5a: {  	s2 =	simm.s32 $0x9980  }
0x5b: {  	[tilespmem:s2], [sflag:$0x2] =	stream.indirect_vreg.gather [hbm4b:s7+s3], $0x80, v4, vm0, $0xb8;
	[tilespmem:$0x18180] =	vst v63  }
0x5c: {  	s31 =	simm.s32 $0xA180  }
0x5d: {  	[tilespmem:s31], [sflag:$0x2] =	stream.indirect_vreg.gather [hbm4b:s8+s3], $0x80, v4, vm0, $0xb8;
	[tilespmem:$0x18180] =	vst v63  }
0x5e: {  	v3 =	vperm.xlane v3, v2;
	s2 =	simm.s32 $0xA980  }
0x5f: {  	[tilespmem:s2], [sflag:$0x2] =	stream.indirect_vreg.gather [hbm4b:s9+s3], $0x80, v4, vm0, $0xb8;
	[tilespmem:$0x18180] =	vst v63  }
0x60: {  	v3 =	vadd.s32 v1, v3;
	s2 =	simm.s32 $0xB180  }
0x61: {  	[tilespmem:s2], [sflag:$0x2] =	stream.indirect_vreg.gather [hbm4b:s10+s3], $0x80, v4, vm0, $0xb8;
	[tilespmem:$0x18180] =	vst v63  }
0x62: {  	s2 =	simm.s32 $0xB980  }
0x63: {  	[tilespmem:s2], [sflag:$0x2] =	stream.indirect_vreg.gather [hbm4b:s11+s3], $0x80, v4, vm0, $0xb8;
	[tilespmem:$0x18180] =	vst v63  }
0x64: {  	s2 =	simm.s32 $0xC180  }
0x65: {  	[tilespmem:s2], [sflag:$0x2] =	stream.indirect_vreg.gather [hbm4b:s1+s3], $0x80, v3, vm0, $0xb8;
	[tilespmem:$0x18180] =	vst v63  }
0x66: {  	s2 =	simm.s32 $0xC980  }
0x67: {  	[tilespmem:s2], [sflag:$0x2] =	stream.indirect_vreg.gather [hbm4b:s5+s3], $0x80, v3, vm0, $0xb8;
	[tilespmem:$0x18180] =	vst v63  }
0x68: {  	s2 =	simm.s32 $0xD180  }
0x69: {  	[tilespmem:s2], [sflag:$0x2] =	stream.indirect_vreg.gather [hbm4b:s6+s3], $0x80, v3, vm0, $0xb8;
	[tilespmem:$0x18180] =	vst v63  }
0x6a: {  	s2 =	simm.s32 $0xD980  }
0x6b: {  	[tilespmem:s2], [sflag:$0x2] =	stream.indirect_vreg.gather [hbm4b:s7+s3], $0x80, v3, vm0, $0xb8;
	[tilespmem:$0x18180] =	vst v63  }
0x6c: {  	s2 =	simm.s32 $0xE180  }
0x6d: {  	[tilespmem:s2], [sflag:$0x2] =	stream.indirect_vreg.gather [hbm4b:s8+s3], $0x80, v3, vm0, $0xb8;
	[tilespmem:$0x18180] =	vst v63  }
0x6e: {  	s2 =	simm.s32 $0xE980  }
0x6f: {  	[tilespmem:s2], [sflag:$0x2] =	stream.indirect_vreg.gather [hbm4b:s9+s3], $0x80, v3, vm0, $0xb8;
	[tilespmem:$0x18180] =	vst v63  }
0x70: {  	s2 =	simm.s32 $0xF180  }
0x71: {  	[tilespmem:s2], [sflag:$0x2] =	stream.indirect_vreg.gather [hbm4b:s10+s3], $0x80, v3, vm0, $0xb8;
	[tilespmem:$0x18180] =	vst v63  }
0x72: {  	s2 =	simm.s32 $0xF980  }
0x73: {  	[tilespmem:s2], [sflag:$0x2] =	stream.indirect_vreg.gather [hbm4b:s11+s3], $0x80, v3, vm0, $0xb8;
	[tilespmem:$0x18180] =	vst v63  }
0x74: {  	v3 =	vld [tilespmem:$0x20];
	_ =	sdelay $0x4  }
0x75: {  	v42 =	vshll.u32 v3, $0x4  }
0x76: {  	v3 =	vand.u32 $0x7, v3;
	v4 =	vand.u32 $0xFFFFFF80, v42  }
0x77: {  	v3 =	vor.u32 v3, v4  }
0x78: {  	v4 =	vperm.xlane v3, v0;
	_ =	sdelay $0x1  }
0x79: {  	v4 =	vadd.s32 v1, v4;
	_ =	sdelay $0x3  }
0x7a: {  	s2 =	simm.s32 $0x10180  }
0x7b: {  	[tilespmem:s2], [sflag:$0x3] =	stream.indirect_vreg.gather [hbm4b:s1+s3], $0x80, v4, vm0, $0xb8;
	[tilespmem:$0x18180] =	vst v63  }
0x7c: {  	s0 =	simm.s32 $0x10980  }
0x7d: {  	[tilespmem:s0], [sflag:$0x3] =	stream.indirect_vreg.gather [hbm4b:s5+s3], $0x80, v4, vm0, $0xb8;
	[tilespmem:$0x18180] =	vst v63  }
0x7e: {  	s0 =	simm.s32 $0x11180  }
0x7f: {  	[tilespmem:s0], [sflag:$0x3] =	stream.indirect_vreg.gather [hbm4b:s6+s3], $0x80, v4, vm0, $0xb8;
	[tilespmem:$0x18180] =	vst v63  }
0x80: {  	s0 =	simm.s32 $0x11980  }
0x81: {  	[tilespmem:s0], [sflag:$0x3] =	stream.indirect_vreg.gather [hbm4b:s7+s3], $0x80, v4, vm0, $0xb8;
	[tilespmem:$0x18180] =	vst v63  }
0x82: {  	s0 =	simm.s32 $0x12180  }
0x83: {  	[tilespmem:s0], [sflag:$0x3] =	stream.indirect_vreg.gather [hbm4b:s8+s3], $0x80, v4, vm0, $0xb8;
	[tilespmem:$0x18180] =	vst v63  }
0x84: {  	v3 =	vperm.xlane v3, v2;
	s0 =	simm.s32 $0x12980  }
0x85: {  	[tilespmem:s0], [sflag:$0x3] =	stream.indirect_vreg.gather [hbm4b:s9+s3], $0x80, v4, vm0, $0xb8;
	[tilespmem:$0x18180] =	vst v63  }
0x86: {  	v3 =	vadd.s32 v1, v3;
	s0 =	simm.s32 $0x13180  }
0x87: {  	[tilespmem:s0], [sflag:$0x3] =	stream.indirect_vreg.gather [hbm4b:s10+s3], $0x80, v4, vm0, $0xb8;
	[tilespmem:$0x18180] =	vst v63  }
0x88: {  	s0 =	simm.s32 $0x13980  }
0x89: {  	[tilespmem:s0], [sflag:$0x3] =	stream.indirect_vreg.gather [hbm4b:s11+s3], $0x80, v4, vm0, $0xb8;
	[tilespmem:$0x18180] =	vst v63  }
0x8a: {  	s0 =	simm.s32 $0x14180  }
0x8b: {  	[tilespmem:s0], [sflag:$0x3] =	stream.indirect_vreg.gather [hbm4b:s1+s3], $0x80, v3, vm0, $0xb8;
	[tilespmem:$0x18180] =	vst v63  }
0x8c: {  	s0 =	simm.s32 $0x14980  }
0x8d: {  	[tilespmem:s0], [sflag:$0x3] =	stream.indirect_vreg.gather [hbm4b:s5+s3], $0x80, v3, vm0, $0xb8;
	[tilespmem:$0x18180] =	vst v63  }
0x8e: {  	s0 =	simm.s32 $0x15180  }
0x8f: {  	[tilespmem:s0], [sflag:$0x3] =	stream.indirect_vreg.gather [hbm4b:s6+s3], $0x80, v3, vm0, $0xb8;
	[tilespmem:$0x18180] =	vst v63  }
0x90: {  	s0 =	simm.s32 $0x15980  }
0x91: {  	[tilespmem:s0], [sflag:$0x3] =	stream.indirect_vreg.gather [hbm4b:s7+s3], $0x80, v3, vm0, $0xb8;
	[tilespmem:$0x18180] =	vst v63  }
0x92: {  	s0 =	simm.s32 $0x16180  }
0x93: {  	[tilespmem:s0], [sflag:$0x3] =	stream.indirect_vreg.gather [hbm4b:s8+s3], $0x80, v3, vm0, $0xb8;
	[tilespmem:$0x18180] =	vst v63  }
0x94: {  	s0 =	simm.s32 $0x16980  }
0x95: {  	[tilespmem:s0], [sflag:$0x3] =	stream.indirect_vreg.gather [hbm4b:s9+s3], $0x80, v3, vm0, $0xb8;
	[tilespmem:$0x18180] =	vst v63  }
0x96: {  	s0 =	simm.s32 $0x17180  }
0x97: {  	[tilespmem:s0], [sflag:$0x3] =	stream.indirect_vreg.gather [hbm4b:s10+s3], $0x80, v3, vm0, $0xb8;
	[tilespmem:$0x18180] =	vst v63  }
0x98: {  	s0 =	simm.s32 $0x17980  }
0x99: {  	[tilespmem:s0], [sflag:$0x3] =	stream.indirect_vreg.gather [hbm4b:s11+s3], $0x80, v3, vm0, $0xb8;
	[tilespmem:$0x18180] =	vst v63  }
0x9a: {  	_ =	swait.ge [sflag:s23], $0x8000  }
0x9b: {  	[sflag:s23] =	ssyncset.done $0x0  }
0x9c: {  	[sflag:s23] =	ssyncadd.s32 $0xFFFF8000  }
0x9d: {  	s0 =	simm.s32 $0x180;
	s2 =	rddreg [dreg:$0x1c]  }
0x9e: {  	[hbm4b:s2+s3] =	stream.linear.scatter [tilespmem:s0], [sflag:$0x4], $0x8000, $0x38;
	[tilespmem:$0x18180] =	vst v63  }
0x9f: {  	_ =	swait.ge [sflag:s24], $0x8000  }
0xa0: {  	[sflag:s24] =	ssyncset.done $0x0  }
0xa1: {  	[sflag:s24] =	ssyncadd.s32 $0xFFFF8000  }
0xa2: {  	v3 =	vld [tilespmem:$0x30];
	_ =	sdelay $0x4  }
0xa3: {  	v43 =	vshll.u32 v3, $0x4  }
0xa4: {  	v3 =	vand.u32 $0x7, v3;
	v4 =	vand.u32 $0xFFFFFF80, v43  }
0xa5: {  	v3 =	vor.u32 v3, v4  }
0xa6: {  	v4 =	vperm.xlane v3, v0;
	_ =	sdelay $0x1  }
0xa7: {  	v4 =	vadd.s32 v1, v4;
	_ =	sdelay $0x4  }
0xa8: {  	[tilespmem:s0], [sflag:$0x1] =	stream.indirect_vreg.gather [hbm4b:s1+s3], $0x80, v4, vm0, $0xb8;
	[tilespmem:$0x18180] =	vst v63  }
0xa9: {  	s14 =	simm.s32 $0x980  }
0xaa: {  	[tilespmem:s14], [sflag:$0x1] =	stream.indirect_vreg.gather [hbm4b:s5+s3], $0x80, v4, vm0, $0xb8;
	[tilespmem:$0x18180] =	vst v63  }
0xab: {  	s12 =	simm.s32 $0x1180  }
0xac: {  	[tilespmem:s12], [sflag:$0x1] =	stream.indirect_vreg.gather [hbm4b:s6+s3], $0x80, v4, vm0, $0xb8;
	[tilespmem:$0x18180] =	vst v63  }
0xad: {  	s15 =	simm.s32 $0x1980  }
0xae: {  	[tilespmem:s15], [sflag:$0x1] =	stream.indirect_vreg.gather [hbm4b:s7+s3], $0x80, v4, vm0, $0xb8;
	[tilespmem:$0x18180] =	vst v63  }
0xaf: {  	s22 =	simm.s32 $0x2180  }
0xb0: {  	[tilespmem:s22], [sflag:$0x1] =	stream.indirect_vreg.gather [hbm4b:s8+s3], $0x80, v4, vm0, $0xb8;
	[tilespmem:$0x18180] =	vst v63  }
0xb1: {  	s26 =	simm.s32 $0x2980;
	v3 =	vperm.xlane v3, v2  }
0xb2: {  	[tilespmem:s26], [sflag:$0x1] =	stream.indirect_vreg.gather [hbm4b:s9+s3], $0x80, v4, vm0, $0xb8;
	[tilespmem:$0x18180] =	vst v63  }
0xb3: {  	s16 =	simm.s32 $0x3180;
	v3 =	vadd.s32 v1, v3  }
0xb4: {  	[tilespmem:s16], [sflag:$0x1] =	stream.indirect_vreg.gather [hbm4b:s10+s3], $0x80, v4, vm0, $0xb8;
	[tilespmem:$0x18180] =	vst v63  }
0xb5: {  	s17 =	simm.s32 $0x3980  }
0xb6: {  	[tilespmem:s17], [sflag:$0x1] =	stream.indirect_vreg.gather [hbm4b:s11+s3], $0x80, v4, vm0, $0xb8;
	[tilespmem:$0x18180] =	vst v63  }
0xb7: {  	s18 =	simm.s32 $0x4180  }
0xb8: {  	[tilespmem:s18], [sflag:$0x1] =	stream.indirect_vreg.gather [hbm4b:s1+s3], $0x80, v3, vm0, $0xb8;
	[tilespmem:$0x18180] =	vst v63  }
0xb9: {  	s19 =	simm.s32 $0x4980  }
0xba: {  	[tilespmem:s19], [sflag:$0x1] =	stream.indirect_vreg.gather [hbm4b:s5+s3], $0x80, v3, vm0, $0xb8;
	[tilespmem:$0x18180] =	vst v63  }
0xbb: {  	s20 =	simm.s32 $0x5180  }
0xbc: {  	[tilespmem:s20], [sflag:$0x1] =	stream.indirect_vreg.gather [hbm4b:s6+s3], $0x80, v3, vm0, $0xb8;
	[tilespmem:$0x18180] =	vst v63  }
0xbd: {  	s21 =	simm.s32 $0x5980  }
0xbe: {  	[tilespmem:s21], [sflag:$0x1] =	stream.indirect_vreg.gather [hbm4b:s7+s3], $0x80, v3, vm0, $0xb8;
	[tilespmem:$0x18180] =	vst v63  }
0xbf: {  	s22 =	simm.s32 $0x6180  }
0xc0: {  	[tilespmem:s22], [sflag:$0x1] =	stream.indirect_vreg.gather [hbm4b:s8+s3], $0x80, v3, vm0, $0xb8;
	[tilespmem:$0x18180] =	vst v63  }
0xc1: {  	s26 =	simm.s32 $0x6980  }
0xc2: {  	[tilespmem:s26], [sflag:$0x1] =	stream.indirect_vreg.gather [hbm4b:s9+s3], $0x80, v3, vm0, $0xb8;
	[tilespmem:$0x18180] =	vst v63  }
0xc3: {  	s13 =	simm.s32 $0x7180  }
0xc4: {  	[tilespmem:s13], [sflag:$0x1] =	stream.indirect_vreg.gather [hbm4b:s10+s3], $0x80, v3, vm0, $0xb8;
	[tilespmem:$0x18180] =	vst v63  }
0xc5: {  	s4 =	simm.s32 $0x7980  }
0xc6: {  	[tilespmem:s4], [sflag:$0x1] =	stream.indirect_vreg.gather [hbm4b:s11+s3], $0x80, v3, vm0, $0xb8;
	[tilespmem:$0x18180] =	vst v63  }
0xc7: {  	_ =	swait.ge [sflag:s25], $0x8000  }
0xc8: {  	[sflag:s25] =	ssyncset.done $0x0  }
0xc9: {  	s19 =	simm.s32 $0x8180;
	s18 =	rddreg [dreg:$0x5];
	[sflag:s25] =	ssyncadd.s32 $0xFFFF8000  }
0xca: {  	[hbm4b:s18+s3] =	stream.linear.scatter [tilespmem:s19], [sflag:$0x5], $0x8000, $0x38;
	[tilespmem:$0x18180] =	vst v63  }
0xcb: {  	_ =	swait.ge [sflag:s28], $0x8000  }
0xcc: {  	[sflag:s28] =	ssyncset.done $0x0  }
0xcd: {  	[sflag:s28] =	ssyncadd.s32 $0xFFFF8000  }
0xce: {  	v3 =	vld [tilespmem:$0x40];
	_ =	sdelay $0x4  }
0xcf: {  	v44 =	vshll.u32 v3, $0x4  }
0xd0: {  	v3 =	vand.u32 $0x7, v3;
	v4 =	vand.u32 $0xFFFFFF80, v44  }
0xd1: {  	v3 =	vor.u32 v3, v4  }
0xd2: {  	v4 =	vperm.xlane v3, v0;
	_ =	sdelay $0x1  }
0xd3: {  	v4 =	vadd.s32 v1, v4;
	_ =	sdelay $0x4  }
0xd4: {  	[tilespmem:s19], [sflag:$0x2] =	stream.indirect_vreg.gather [hbm4b:s1+s3], $0x80, v4, vm0, $0xb8;
	[tilespmem:$0x18180] =	vst v63  }
0xd5: {  	s20 =	simm.s32 $0x8980  }
0xd6: {  	[tilespmem:s20], [sflag:$0x2] =	stream.indirect_vreg.gather [hbm4b:s5+s3], $0x80, v4, vm0, $0xb8;
	[tilespmem:$0x18180] =	vst v63  }
0xd7: {  	s4 =	simm.s32 $0x9180  }
0xd8: {  	[tilespmem:s4], [sflag:$0x2] =	stream.indirect_vreg.gather [hbm4b:s6+s3], $0x80, v4, vm0, $0xb8;
	[tilespmem:$0x18180] =	vst v63  }
0xd9: {  	s12 =	simm.s32 $0x9980  }
0xda: {  	[tilespmem:s12], [sflag:$0x2] =	stream.indirect_vreg.gather [hbm4b:s7+s3], $0x80, v4, vm0, $0xb8;
	[tilespmem:$0x18180] =	vst v63  }
0xdb: {  	s31 =	simm.s32 $0xA180  }
0xdc: {  	[tilespmem:s31], [sflag:$0x2] =	stream.indirect_vreg.gather [hbm4b:s8+s3], $0x80, v4, vm0, $0xb8;
	[tilespmem:$0x18180] =	vst v63  }
0xdd: {  	s21 =	simm.s32 $0xA980;
	v3 =	vperm.xlane v3, v2  }
0xde: {  	[tilespmem:s21], [sflag:$0x2] =	stream.indirect_vreg.gather [hbm4b:s9+s3], $0x80, v4, vm0, $0xb8;
	[tilespmem:$0x18180] =	vst v63  }
0xdf: {  	s13 =	simm.s32 $0xB180;
	v3 =	vadd.s32 v1, v3  }
0xe0: {  	[tilespmem:s13], [sflag:$0x2] =	stream.indirect_vreg.gather [hbm4b:s10+s3], $0x80, v4, vm0, $0xb8;
	[tilespmem:$0x18180] =	vst v63  }
0xe1: {  	s14 =	simm.s32 $0xB980  }
0xe2: {  	[tilespmem:s14], [sflag:$0x2] =	stream.indirect_vreg.gather [hbm4b:s11+s3], $0x80, v4, vm0, $0xb8;
	[tilespmem:$0x18180] =	vst v63  }
0xe3: {  	s15 =	simm.s32 $0xC180  }
0xe4: {  	[tilespmem:s15], [sflag:$0x2] =	stream.indirect_vreg.gather [hbm4b:s1+s3], $0x80, v3, vm0, $0xb8;
	[tilespmem:$0x18180] =	vst v63  }
0xe5: {  	s16 =	simm.s32 $0xC980  }
0xe6: {  	[tilespmem:s16], [sflag:$0x2] =	stream.indirect_vreg.gather [hbm4b:s5+s3], $0x80, v3, vm0, $0xb8;
	[tilespmem:$0x18180] =	vst v63  }
0xe7: {  	s17 =	simm.s32 $0xD180  }
0xe8: {  	[tilespmem:s17], [sflag:$0x2] =	stream.indirect_vreg.gather [hbm4b:s6+s3], $0x80, v3, vm0, $0xb8;
	[tilespmem:$0x18180] =	vst v63  }
0xe9: {  	s18 =	simm.s32 $0xD980  }
0xea: {  	[tilespmem:s18], [sflag:$0x2] =	stream.indirect_vreg.gather [hbm4b:s7+s3], $0x80, v3, vm0, $0xb8;
	[tilespmem:$0x18180] =	vst v63  }
0xeb: {  	s19 =	simm.s32 $0xE180  }
0xec: {  	[tilespmem:s19], [sflag:$0x2] =	stream.indirect_vreg.gather [hbm4b:s8+s3], $0x80, v3, vm0, $0xb8;
	[tilespmem:$0x18180] =	vst v63  }
0xed: {  	s20 =	simm.s32 $0xE980  }
0xee: {  	[tilespmem:s20], [sflag:$0x2] =	stream.indirect_vreg.gather [hbm4b:s9+s3], $0x80, v3, vm0, $0xb8;
	[tilespmem:$0x18180] =	vst v63  }
0xef: {  	s21 =	simm.s32 $0xF180  }
0xf0: {  	[tilespmem:s21], [sflag:$0x2] =	stream.indirect_vreg.gather [hbm4b:s10+s3], $0x80, v3, vm0, $0xb8;
	[tilespmem:$0x18180] =	vst v63  }
0xf1: {  	s31 =	simm.s32 $0xF980  }
0xf2: {  	[tilespmem:s31], [sflag:$0x2] =	stream.indirect_vreg.gather [hbm4b:s11+s3], $0x80, v3, vm0, $0xb8;
	[tilespmem:$0x18180] =	vst v63  }
0xf3: {  	_ =	swait.ge [sflag:s29], $0x8000  }
0xf4: {  	[sflag:s29] =	ssyncset.done $0x0  }
0xf5: {  	s0 =	simm.s32 $0x10180;
	s2 =	rddreg [dreg:$0x6];
	[sflag:s29] =	ssyncadd.s32 $0xFFFF8000  }
0xf6: {  	[hbm4b:s2+s3] =	stream.linear.scatter [tilespmem:s0], [sflag:$0x6], $0x8000, $0x38;
	[tilespmem:$0x18180] =	vst v63  }
0xf7: {  	_ =	swait.ge [sflag:s30], $0x8000  }
0xf8: {  	[sflag:s30] =	ssyncset.done $0x0  }
0xf9: {  	[sflag:s30] =	ssyncadd.s32 $0xFFFF8000  }
0xfa: {  	v3 =	vld [tilespmem:$0x50];
	_ =	sdelay $0x4  }
0xfb: {  	v45 =	vshll.u32 v3, $0x4  }
0xfc: {  	v3 =	vand.u32 $0x7, v3;
	v4 =	vand.u32 $0xFFFFFF80, v45  }
0xfd: {  	v3 =	vor.u32 v3, v4  }
0xfe: {  	v4 =	vperm.xlane v3, v0;
	_ =	sdelay $0x1  }
0xff: {  	v4 =	vadd.s32 v1, v4;
	_ =	sdelay $0x4  }
0x100: {  	[tilespmem:s0], [sflag:$0x3] =	stream.indirect_vreg.gather [hbm4b:s1+s3], $0x80, v4, vm0, $0xb8;
	[tilespmem:$0x18180] =	vst v63  }
0x101: {  	s31 =	simm.s32 $0x10980  }
0x102: {  	[tilespmem:s31], [sflag:$0x3] =	stream.indirect_vreg.gather [hbm4b:s5+s3], $0x80, v4, vm0, $0xb8;
	[tilespmem:$0x18180] =	vst v63  }
0x103: {  	s2 =	simm.s32 $0x11180  }
0x104: {  	[tilespmem:s2], [sflag:$0x3] =	stream.indirect_vreg.gather [hbm4b:s6+s3], $0x80, v4, vm0, $0xb8;
	[tilespmem:$0x18180] =	vst v63  }
0x105: {  	s31 =	simm.s32 $0x11980  }
0x106: {  	[tilespmem:s31], [sflag:$0x3] =	stream.indirect_vreg.gather [hbm4b:s7+s3], $0x80, v4, vm0, $0xb8;
	[tilespmem:$0x18180] =	vst v63  }
0x107: {  	s2 =	simm.s32 $0x12180  }
0x108: {  	[tilespmem:s2], [sflag:$0x3] =	stream.indirect_vreg.gather [hbm4b:s8+s3], $0x80, v4, vm0, $0xb8;
	[tilespmem:$0x18180] =	vst v63  }
0x109: {  	v3 =	vperm.xlane v3, v2;
	s31 =	simm.s32 $0x12980  }
0x10a: {  	[tilespmem:s31], [sflag:$0x3] =	stream.indirect_vreg.gather [hbm4b:s9+s3], $0x80, v4, vm0, $0xb8;
	[tilespmem:$0x18180] =	vst v63  }
0x10b: {  	v3 =	vadd.s32 v1, v3;
	s2 =	simm.s32 $0x13180  }
0x10c: {  	[tilespmem:s2], [sflag:$0x3] =	stream.indirect_vreg.gather [hbm4b:s10+s3], $0x80, v4, vm0, $0xb8;
	[tilespmem:$0x18180] =	vst v63  }
0x10d: {  	s31 =	simm.s32 $0x13980  }
0x10e: {  	[tilespmem:s31], [sflag:$0x3] =	stream.indirect_vreg.gather [hbm4b:s11+s3], $0x80, v4, vm0, $0xb8;
	[tilespmem:$0x18180] =	vst v63  }
0x10f: {  	s2 =	simm.s32 $0x14180  }
0x110: {  	[tilespmem:s2], [sflag:$0x3] =	stream.indirect_vreg.gather [hbm4b:s1+s3], $0x80, v3, vm0, $0xb8;
	[tilespmem:$0x18180] =	vst v63  }
0x111: {  	s31 =	simm.s32 $0x14980  }
0x112: {  	[tilespmem:s31], [sflag:$0x3] =	stream.indirect_vreg.gather [hbm4b:s5+s3], $0x80, v3, vm0, $0xb8;
	[tilespmem:$0x18180] =	vst v63  }
0x113: {  	s2 =	simm.s32 $0x15180  }
0x114: {  	[tilespmem:s2], [sflag:$0x3] =	stream.indirect_vreg.gather [hbm4b:s6+s3], $0x80, v3, vm0, $0xb8;
	[tilespmem:$0x18180] =	vst v63  }
0x115: {  	s31 =	simm.s32 $0x15980  }
0x116: {  	[tilespmem:s31], [sflag:$0x3] =	stream.indirect_vreg.gather [hbm4b:s7+s3], $0x80, v3, vm0, $0xb8;
	[tilespmem:$0x18180] =	vst v63  }
0x117: {  	s2 =	simm.s32 $0x16180  }
0x118: {  	[tilespmem:s2], [sflag:$0x3] =	stream.indirect_vreg.gather [hbm4b:s8+s3], $0x80, v3, vm0, $0xb8;
	[tilespmem:$0x18180] =	vst v63  }
0x119: {  	s31 =	simm.s32 $0x16980  }
0x11a: {  	[tilespmem:s31], [sflag:$0x3] =	stream.indirect_vreg.gather [hbm4b:s9+s3], $0x80, v3, vm0, $0xb8;
	[tilespmem:$0x18180] =	vst v63  }
0x11b: {  	s2 =	simm.s32 $0x17180  }
0x11c: {  	[tilespmem:s2], [sflag:$0x3] =	stream.indirect_vreg.gather [hbm4b:s10+s3], $0x80, v3, vm0, $0xb8;
	[tilespmem:$0x18180] =	vst v63  }
0x11d: {  	s31 =	simm.s32 $0x17980  }
0x11e: {  	[tilespmem:s31], [sflag:$0x3] =	stream.indirect_vreg.gather [hbm4b:s11+s3], $0x80, v3, vm0, $0xb8;
	[tilespmem:$0x18180] =	vst v63  }
0x11f: {  	_ =	swait.ge [sflag:s23], $0x8000  }
0x120: {  	[sflag:s23] =	ssyncset.done $0x0  }
0x121: {  	s31 =	simm.s32 $0x180;
	s0 =	rddreg [dreg:$0x7];
	[sflag:s23] =	ssyncadd.s32 $0xFFFF8000  }
0x122: {  	[hbm4b:s0+s3] =	stream.linear.scatter [tilespmem:s31], [sflag:$0x4], $0x8000, $0x38;
	[tilespmem:$0x18180] =	vst v63  }
0x123: {  	_ =	swait.ge [sflag:s24], $0x8000  }
0x124: {  	[sflag:s24] =	ssyncset.done $0x0  }
0x125: {  	[sflag:s24] =	ssyncadd.s32 $0xFFFF8000  }
0x126: {  	v3 =	vld [tilespmem:$0x60];
	_ =	sdelay $0x4  }
0x127: {  	v46 =	vshll.u32 v3, $0x4  }
0x128: {  	v3 =	vand.u32 $0x7, v3;
	v4 =	vand.u32 $0xFFFFFF80, v46  }
0x129: {  	v3 =	vor.u32 v3, v4  }
0x12a: {  	v4 =	vperm.xlane v3, v0;
	_ =	sdelay $0x1  }
0x12b: {  	v4 =	vadd.s32 v1, v4;
	_ =	sdelay $0x4  }
0x12c: {  	[tilespmem:s31], [sflag:$0x1] =	stream.indirect_vreg.gather [hbm4b:s1+s3], $0x80, v4, vm0, $0xb8;
	[tilespmem:$0x18180] =	vst v63  }
0x12d: {  	s31 =	simm.s32 $0x980  }
0x12e: {  	[tilespmem:s31], [sflag:$0x1] =	stream.indirect_vreg.gather [hbm4b:s5+s3], $0x80, v4, vm0, $0xb8;
	[tilespmem:$0x18180] =	vst v63  }
0x12f: {  	s2 =	simm.s32 $0x1180  }
0x130: {  	[tilespmem:s2], [sflag:$0x1] =	stream.indirect_vreg.gather [hbm4b:s6+s3], $0x80, v4, vm0, $0xb8;
	[tilespmem:$0x18180] =	vst v63  }
0x131: {  	s2 =	simm.s32 $0x1980  }
0x132: {  	[tilespmem:s2], [sflag:$0x1] =	stream.indirect_vreg.gather [hbm4b:s7+s3], $0x80, v4, vm0, $0xb8;
	[tilespmem:$0x18180] =	vst v63  }
0x133: {  	s2 =	simm.s32 $0x2180  }
0x134: {  	[tilespmem:s2], [sflag:$0x1] =	stream.indirect_vreg.gather [hbm4b:s8+s3], $0x80, v4, vm0, $0xb8;
	[tilespmem:$0x18180] =	vst v63  }
0x135: {  	v3 =	vperm.xlane v3, v2;
	s2 =	simm.s32 $0x2980  }
0x136: {  	[tilespmem:s2], [sflag:$0x1] =	stream.indirect_vreg.gather [hbm4b:s9+s3], $0x80, v4, vm0, $0xb8;
	[tilespmem:$0x18180] =	vst v63  }
0x137: {  	v3 =	vadd.s32 v1, v3;
	s2 =	simm.s32 $0x3180  }
0x138: {  	[tilespmem:s2], [sflag:$0x1] =	stream.indirect_vreg.gather [hbm4b:s10+s3], $0x80, v4, vm0, $0xb8;
	[tilespmem:$0x18180] =	vst v63  }
0x139: {  	s2 =	simm.s32 $0x3980  }
0x13a: {  	[tilespmem:s2], [sflag:$0x1] =	stream.indirect_vreg.gather [hbm4b:s11+s3], $0x80, v4, vm0, $0xb8;
	[tilespmem:$0x18180] =	vst v63  }
0x13b: {  	s2 =	simm.s32 $0x4180  }
0x13c: {  	[tilespmem:s2], [sflag:$0x1] =	stream.indirect_vreg.gather [hbm4b:s1+s3], $0x80, v3, vm0, $0xb8;
	[tilespmem:$0x18180] =	vst v63  }
0x13d: {  	s2 =	simm.s32 $0x4980  }
0x13e: {  	[tilespmem:s2], [sflag:$0x1] =	stream.indirect_vreg.gather [hbm4b:s5+s3], $0x80, v3, vm0, $0xb8;
	[tilespmem:$0x18180] =	vst v63  }
0x13f: {  	s2 =	simm.s32 $0x5180  }
0x140: {  	[tilespmem:s2], [sflag:$0x1] =	stream.indirect_vreg.gather [hbm4b:s6+s3], $0x80, v3, vm0, $0xb8;
	[tilespmem:$0x18180] =	vst v63  }
0x141: {  	s2 =	simm.s32 $0x5980  }
0x142: {  	[tilespmem:s2], [sflag:$0x1] =	stream.indirect_vreg.gather [hbm4b:s7+s3], $0x80, v3, vm0, $0xb8;
	[tilespmem:$0x18180] =	vst v63  }
0x143: {  	_ = 	snop  }
0x144: {  	[tilespmem:s22], [sflag:$0x1] =	stream.indirect_vreg.gather [hbm4b:s8+s3], $0x80, v3, vm0, $0xb8;
	[tilespmem:$0x18180] =	vst v63  }
0x145: {  	_ = 	snop  }
0x146: {  	[tilespmem:s26], [sflag:$0x1] =	stream.indirect_vreg.gather [hbm4b:s9+s3], $0x80, v3, vm0, $0xb8;
	[tilespmem:$0x18180] =	vst v63  }
0x147: {  	s26 =	simm.s32 $0x7180  }
0x148: {  	[tilespmem:s26], [sflag:$0x1] =	stream.indirect_vreg.gather [hbm4b:s10+s3], $0x80, v3, vm0, $0xb8;
	[tilespmem:$0x18180] =	vst v63  }
0x149: {  	s22 =	simm.s32 $0x7980  }
0x14a: {  	[tilespmem:s22], [sflag:$0x1] =	stream.indirect_vreg.gather [hbm4b:s11+s3], $0x80, v3, vm0, $0xb8;
	[tilespmem:$0x18180] =	vst v63  }
0x14b: {  	_ =	swait.ge [sflag:s25], $0x8000  }
0x14c: {  	[sflag:s25] =	ssyncset.done $0x0  }
0x14d: {  	s0 =	simm.s32 $0x8180;
	s2 =	rddreg [dreg:$0x8];
	[sflag:s25] =	ssyncadd.s32 $0xFFFF8000  }
0x14e: {  	[hbm4b:s2+s3] =	stream.linear.scatter [tilespmem:s0], [sflag:$0x5], $0x8000, $0x38;
	[tilespmem:$0x18180] =	vst v63  }
0x14f: {  	_ =	swait.ge [sflag:s28], $0x8000  }
0x150: {  	[sflag:s28] =	ssyncset.done $0x0  }
0x151: {  	[sflag:s28] =	ssyncadd.s32 $0xFFFF8000  }
0x152: {  	v3 =	vld [tilespmem:$0x70];
	_ =	sdelay $0x4  }
0x153: {  	v47 =	vshll.u32 v3, $0x4  }
0x154: {  	v3 =	vand.u32 $0x7, v3;
	v4 =	vand.u32 $0xFFFFFF80, v47  }
0x155: {  	v3 =	vor.u32 v3, v4  }
0x156: {  	v4 =	vperm.xlane v3, v0;
	_ =	sdelay $0x1  }
0x157: {  	v4 =	vadd.s32 v1, v4;
	_ =	sdelay $0x4  }
0x158: {  	[tilespmem:s0], [sflag:$0x2] =	stream.indirect_vreg.gather [hbm4b:s1+s3], $0x80, v4, vm0, $0xb8;
	[tilespmem:$0x18180] =	vst v63  }
0x159: {  	s2 =	simm.s32 $0x8980  }
0x15a: {  	[tilespmem:s2], [sflag:$0x2] =	stream.indirect_vreg.gather [hbm4b:s5+s3], $0x80, v4, vm0, $0xb8;
	[tilespmem:$0x18180] =	vst v63  }
0x15b: {  	_ = 	snop  }
0x15c: {  	[tilespmem:s4], [sflag:$0x2] =	stream.indirect_vreg.gather [hbm4b:s6+s3], $0x80, v4, vm0, $0xb8;
	[tilespmem:$0x18180] =	vst v63  }
0x15d: {  	_ = 	snop  }
0x15e: {  	[tilespmem:s12], [sflag:$0x2] =	stream.indirect_vreg.gather [hbm4b:s7+s3], $0x80, v4, vm0, $0xb8;
	[tilespmem:$0x18180] =	vst v63  }
0x15f: {  	s4 =	simm.s32 $0xA180  }
0x160: {  	[tilespmem:s4], [sflag:$0x2] =	stream.indirect_vreg.gather [hbm4b:s8+s3], $0x80, v4, vm0, $0xb8;
	[tilespmem:$0x18180] =	vst v63  }
0x161: {  	v3 =	vperm.xlane v3, v2;
	s12 =	simm.s32 $0xA980  }
0x162: {  	[tilespmem:s12], [sflag:$0x2] =	stream.indirect_vreg.gather [hbm4b:s9+s3], $0x80, v4, vm0, $0xb8;
	[tilespmem:$0x18180] =	vst v63  }
0x163: {  	v3 =	vadd.s32 v1, v3  }
0x164: {  	[tilespmem:s13], [sflag:$0x2] =	stream.indirect_vreg.gather [hbm4b:s10+s3], $0x80, v4, vm0, $0xb8;
	[tilespmem:$0x18180] =	vst v63  }
0x165: {  	_ = 	snop  }
0x166: {  	[tilespmem:s14], [sflag:$0x2] =	stream.indirect_vreg.gather [hbm4b:s11+s3], $0x80, v4, vm0, $0xb8;
	[tilespmem:$0x18180] =	vst v63  }
0x167: {  	_ = 	snop  }
0x168: {  	[tilespmem:s15], [sflag:$0x2] =	stream.indirect_vreg.gather [hbm4b:s1+s3], $0x80, v3, vm0, $0xb8;
	[tilespmem:$0x18180] =	vst v63  }
0x169: {  	_ = 	snop  }
0x16a: {  	[tilespmem:s16], [sflag:$0x2] =	stream.indirect_vreg.gather [hbm4b:s5+s3], $0x80, v3, vm0, $0xb8;
	[tilespmem:$0x18180] =	vst v63  }
0x16b: {  	_ = 	snop  }
0x16c: {  	[tilespmem:s17], [sflag:$0x2] =	stream.indirect_vreg.gather [hbm4b:s6+s3], $0x80, v3, vm0, $0xb8;
	[tilespmem:$0x18180] =	vst v63  }
0x16d: {  	_ = 	snop  }
0x16e: {  	[tilespmem:s18], [sflag:$0x2] =	stream.indirect_vreg.gather [hbm4b:s7+s3], $0x80, v3, vm0, $0xb8;
	[tilespmem:$0x18180] =	vst v63  }
0x16f: {  	_ = 	snop  }
0x170: {  	[tilespmem:s19], [sflag:$0x2] =	stream.indirect_vreg.gather [hbm4b:s8+s3], $0x80, v3, vm0, $0xb8;
	[tilespmem:$0x18180] =	vst v63  }
0x171: {  	_ = 	snop  }
0x172: {  	[tilespmem:s20], [sflag:$0x2] =	stream.indirect_vreg.gather [hbm4b:s9+s3], $0x80, v3, vm0, $0xb8;
	[tilespmem:$0x18180] =	vst v63  }
0x173: {  	_ = 	snop  }
0x174: {  	[tilespmem:s21], [sflag:$0x2] =	stream.indirect_vreg.gather [hbm4b:s10+s3], $0x80, v3, vm0, $0xb8;
	[tilespmem:$0x18180] =	vst v63  }
0x175: {  	s2 =	simm.s32 $0xF980  }
0x176: {  	[tilespmem:s2], [sflag:$0x2] =	stream.indirect_vreg.gather [hbm4b:s11+s3], $0x80, v3, vm0, $0xb8;
	[tilespmem:$0x18180] =	vst v63  }
0x177: {  	_ =	swait.ge [sflag:s29], $0x8000  }
0x178: {  	[sflag:s29] =	ssyncset.done $0x0  }
0x179: {  	s12 =	simm.s32 $0x10180;
	s4 =	rddreg [dreg:$0x9];
	[sflag:s29] =	ssyncadd.s32 $0xFFFF8000  }
0x17a: {  	[hbm4b:s4+s3] =	stream.linear.scatter [tilespmem:s12], [sflag:$0x6], $0x8000, $0x38;
	[tilespmem:$0x18180] =	vst v63  }
0x17b: {  	_ =	swait.ge [sflag:s30], $0x8000  }
0x17c: {  	[sflag:s30] =	ssyncset.done $0x0  }
0x17d: {  	[sflag:s30] =	ssyncadd.s32 $0xFFFF8000  }
0x17e: {  	v3 =	vld [tilespmem:$0x80];
	_ =	sdelay $0x4  }
0x17f: {  	v48 =	vshll.u32 v3, $0x4  }
0x180: {  	v3 =	vand.u32 $0x7, v3;
	v4 =	vand.u32 $0xFFFFFF80, v48  }
0x181: {  	v3 =	vor.u32 v3, v4  }
0x182: {  	v4 =	vperm.xlane v3, v0;
	_ =	sdelay $0x1  }
0x183: {  	v4 =	vadd.s32 v1, v4;
	_ =	sdelay $0x4  }
0x184: {  	[tilespmem:s12], [sflag:$0x3] =	stream.indirect_vreg.gather [hbm4b:s1+s3], $0x80, v4, vm0, $0xb8;
	[tilespmem:$0x18180] =	vst v63  }
0x185: {  	s13 =	simm.s32 $0x10980  }
0x186: {  	[tilespmem:s13], [sflag:$0x3] =	stream.indirect_vreg.gather [hbm4b:s5+s3], $0x80, v4, vm0, $0xb8;
	[tilespmem:$0x18180] =	vst v63  }
0x187: {  	s2 =	simm.s32 $0x11180  }
0x188: {  	[tilespmem:s2], [sflag:$0x3] =	stream.indirect_vreg.gather [hbm4b:s6+s3], $0x80, v4, vm0, $0xb8;
	[tilespmem:$0x18180] =	vst v63  }
0x189: {  	s4 =	simm.s32 $0x11980  }
0x18a: {  	[tilespmem:s4], [sflag:$0x3] =	stream.indirect_vreg.gather [hbm4b:s7+s3], $0x80, v4, vm0, $0xb8;
	[tilespmem:$0x18180] =	vst v63  }
0x18b: {  	s12 =	simm.s32 $0x12180  }
0x18c: {  	[tilespmem:s12], [sflag:$0x3] =	stream.indirect_vreg.gather [hbm4b:s8+s3], $0x80, v4, vm0, $0xb8;
	[tilespmem:$0x18180] =	vst v63  }
0x18d: {  	v3 =	vperm.xlane v3, v2;
	s13 =	simm.s32 $0x12980  }
0x18e: {  	[tilespmem:s13], [sflag:$0x3] =	stream.indirect_vreg.gather [hbm4b:s9+s3], $0x80, v4, vm0, $0xb8;
	[tilespmem:$0x18180] =	vst v63  }
0x18f: {  	v3 =	vadd.s32 v1, v3;
	s2 =	simm.s32 $0x13180  }
0x190: {  	[tilespmem:s2], [sflag:$0x3] =	stream.indirect_vreg.gather [hbm4b:s10+s3], $0x80, v4, vm0, $0xb8;
	[tilespmem:$0x18180] =	vst v63  }
0x191: {  	s4 =	simm.s32 $0x13980  }
0x192: {  	[tilespmem:s4], [sflag:$0x3] =	stream.indirect_vreg.gather [hbm4b:s11+s3], $0x80, v4, vm0, $0xb8;
	[tilespmem:$0x18180] =	vst v63  }
0x193: {  	s12 =	simm.s32 $0x14180  }
0x194: {  	[tilespmem:s12], [sflag:$0x3] =	stream.indirect_vreg.gather [hbm4b:s1+s3], $0x80, v3, vm0, $0xb8;
	[tilespmem:$0x18180] =	vst v63  }
0x195: {  	s13 =	simm.s32 $0x14980  }
0x196: {  	[tilespmem:s13], [sflag:$0x3] =	stream.indirect_vreg.gather [hbm4b:s5+s3], $0x80, v3, vm0, $0xb8;
	[tilespmem:$0x18180] =	vst v63  }
0x197: {  	s2 =	simm.s32 $0x15180  }
0x198: {  	[tilespmem:s2], [sflag:$0x3] =	stream.indirect_vreg.gather [hbm4b:s6+s3], $0x80, v3, vm0, $0xb8;
	[tilespmem:$0x18180] =	vst v63  }
0x199: {  	s4 =	simm.s32 $0x15980  }
0x19a: {  	[tilespmem:s4], [sflag:$0x3] =	stream.indirect_vreg.gather [hbm4b:s7+s3], $0x80, v3, vm0, $0xb8;
	[tilespmem:$0x18180] =	vst v63  }
0x19b: {  	s12 =	simm.s32 $0x16180  }
0x19c: {  	[tilespmem:s12], [sflag:$0x3] =	stream.indirect_vreg.gather [hbm4b:s8+s3], $0x80, v3, vm0, $0xb8;
	[tilespmem:$0x18180] =	vst v63  }
0x19d: {  	s13 =	simm.s32 $0x16980  }
0x19e: {  	[tilespmem:s13], [sflag:$0x3] =	stream.indirect_vreg.gather [hbm4b:s9+s3], $0x80, v3, vm0, $0xb8;
	[tilespmem:$0x18180] =	vst v63  }
0x19f: {  	s2 =	simm.s32 $0x17180  }
0x1a0: {  	[tilespmem:s2], [sflag:$0x3] =	stream.indirect_vreg.gather [hbm4b:s10+s3], $0x80, v3, vm0, $0xb8;
	[tilespmem:$0x18180] =	vst v63  }
0x1a1: {  	s4 =	simm.s32 $0x17980  }
0x1a2: {  	[tilespmem:s4], [sflag:$0x3] =	stream.indirect_vreg.gather [hbm4b:s11+s3], $0x80, v3, vm0, $0xb8;
	[tilespmem:$0x18180] =	vst v63  }
0x1a3: {  	_ =	swait.ge [sflag:s23], $0x8000  }
0x1a4: {  	[sflag:s23] =	ssyncset.done $0x0  }
0x1a5: {  	s13 =	simm.s32 $0x180;
	s12 =	rddreg [dreg:$0xa];
	[sflag:s23] =	ssyncadd.s32 $0xFFFF8000  }
0x1a6: {  	[hbm4b:s12+s3] =	stream.linear.scatter [tilespmem:s13], [sflag:$0x4], $0x8000, $0x38;
	[tilespmem:$0x18180] =	vst v63  }
0x1a7: {  	_ =	swait.ge [sflag:s24], $0x8000  }
0x1a8: {  	[sflag:s24] =	ssyncset.done $0x0  }
0x1a9: {  	[sflag:s24] =	ssyncadd.s32 $0xFFFF8000  }
0x1aa: {  	v3 =	vld [tilespmem:$0x90];
	_ =	sdelay $0x4  }
0x1ab: {  	v49 =	vshll.u32 v3, $0x4  }
0x1ac: {  	v3 =	vand.u32 $0x7, v3;
	v4 =	vand.u32 $0xFFFFFF80, v49  }
0x1ad: {  	v3 =	vor.u32 v3, v4  }
0x1ae: {  	v4 =	vperm.xlane v3, v0;
	_ =	sdelay $0x1  }
0x1af: {  	v4 =	vadd.s32 v1, v4;
	_ =	sdelay $0x4  }
0x1b0: {  	[tilespmem:s13], [sflag:$0x1] =	stream.indirect_vreg.gather [hbm4b:s1+s3], $0x80, v4, vm0, $0xb8;
	[tilespmem:$0x18180] =	vst v63  }
0x1b1: {  	_ = 	snop  }
0x1b2: {  	[tilespmem:s31], [sflag:$0x1] =	stream.indirect_vreg.gather [hbm4b:s5+s3], $0x80, v4, vm0, $0xb8;
	[tilespmem:$0x18180] =	vst v63  }
0x1b3: {  	s4 =	simm.s32 $0x1180  }
0x1b4: {  	[tilespmem:s4], [sflag:$0x1] =	stream.indirect_vreg.gather [hbm4b:s6+s3], $0x80, v4, vm0, $0xb8;
	[tilespmem:$0x18180] =	vst v63  }
0x1b5: {  	s13 =	simm.s32 $0x1980  }
0x1b6: {  	[tilespmem:s13], [sflag:$0x1] =	stream.indirect_vreg.gather [hbm4b:s7+s3], $0x80, v4, vm0, $0xb8;
	[tilespmem:$0x18180] =	vst v63  }
0x1b7: {  	s2 =	simm.s32 $0x2180  }
0x1b8: {  	[tilespmem:s2], [sflag:$0x1] =	stream.indirect_vreg.gather [hbm4b:s8+s3], $0x80, v4, vm0, $0xb8;
	[tilespmem:$0x18180] =	vst v63  }
0x1b9: {  	v3 =	vperm.xlane v3, v2;
	s4 =	simm.s32 $0x2980  }
0x1ba: {  	[tilespmem:s4], [sflag:$0x1] =	stream.indirect_vreg.gather [hbm4b:s9+s3], $0x80, v4, vm0, $0xb8;
	[tilespmem:$0x18180] =	vst v63  }
0x1bb: {  	v3 =	vadd.s32 v1, v3;
	s13 =	simm.s32 $0x3180  }
0x1bc: {  	[tilespmem:s13], [sflag:$0x1] =	stream.indirect_vreg.gather [hbm4b:s10+s3], $0x80, v4, vm0, $0xb8;
	[tilespmem:$0x18180] =	vst v63  }
0x1bd: {  	s2 =	simm.s32 $0x3980  }
0x1be: {  	[tilespmem:s2], [sflag:$0x1] =	stream.indirect_vreg.gather [hbm4b:s11+s3], $0x80, v4, vm0, $0xb8;
	[tilespmem:$0x18180] =	vst v63  }
0x1bf: {  	s4 =	simm.s32 $0x4180  }
0x1c0: {  	[tilespmem:s4], [sflag:$0x1] =	stream.indirect_vreg.gather [hbm4b:s1+s3], $0x80, v3, vm0, $0xb8;
	[tilespmem:$0x18180] =	vst v63  }
0x1c1: {  	s13 =	simm.s32 $0x4980  }
0x1c2: {  	[tilespmem:s13], [sflag:$0x1] =	stream.indirect_vreg.gather [hbm4b:s5+s3], $0x80, v3, vm0, $0xb8;
	[tilespmem:$0x18180] =	vst v63  }
0x1c3: {  	s2 =	simm.s32 $0x5180  }
0x1c4: {  	[tilespmem:s2], [sflag:$0x1] =	stream.indirect_vreg.gather [hbm4b:s6+s3], $0x80, v3, vm0, $0xb8;
	[tilespmem:$0x18180] =	vst v63  }
0x1c5: {  	s4 =	simm.s32 $0x5980  }
0x1c6: {  	[tilespmem:s4], [sflag:$0x1] =	stream.indirect_vreg.gather [hbm4b:s7+s3], $0x80, v3, vm0, $0xb8;
	[tilespmem:$0x18180] =	vst v63  }
0x1c7: {  	s0 =	simm.s32 $0x6180  }
0x1c8: {  	[tilespmem:s0], [sflag:$0x1] =	stream.indirect_vreg.gather [hbm4b:s8+s3], $0x80, v3, vm0, $0xb8;
	[tilespmem:$0x18180] =	vst v63  }
0x1c9: {  	s4 =	simm.s32 $0x6980  }
0x1ca: {  	[tilespmem:s4], [sflag:$0x1] =	stream.indirect_vreg.gather [hbm4b:s9+s3], $0x80, v3, vm0, $0xb8;
	[tilespmem:$0x18180] =	vst v63  }
0x1cb: {  	_ = 	snop  }
0x1cc: {  	[tilespmem:s26], [sflag:$0x1] =	stream.indirect_vreg.gather [hbm4b:s10+s3], $0x80, v3, vm0, $0xb8;
	[tilespmem:$0x18180] =	vst v63  }
0x1cd: {  	_ = 	snop  }
0x1ce: {  	[tilespmem:s22], [sflag:$0x1] =	stream.indirect_vreg.gather [hbm4b:s11+s3], $0x80, v3, vm0, $0xb8;
	[tilespmem:$0x18180] =	vst v63  }
0x1cf: {  	_ =	swait.ge [sflag:s25], $0x8000  }
0x1d0: {  	[sflag:s25] =	ssyncset.done $0x0  }
0x1d1: {  	s22 =	simm.s32 $0x8180;
	s13 =	rddreg [dreg:$0xb];
	[sflag:s25] =	ssyncadd.s32 $0xFFFF8000  }
0x1d2: {  	[hbm4b:s13+s3] =	stream.linear.scatter [tilespmem:s22], [sflag:$0x5], $0x8000, $0x38;
	[tilespmem:$0x18180] =	vst v63  }
0x1d3: {  	_ =	swait.ge [sflag:s28], $0x8000  }
0x1d4: {  	[sflag:s28] =	ssyncset.done $0x0  }
0x1d5: {  	[sflag:s28] =	ssyncadd.s32 $0xFFFF8000  }
0x1d6: {  	v3 =	vld [tilespmem:$0xA0];
	_ =	sdelay $0x4  }
0x1d7: {  	v50 =	vshll.u32 v3, $0x4  }
0x1d8: {  	v3 =	vand.u32 $0x7, v3;
	v4 =	vand.u32 $0xFFFFFF80, v50  }
0x1d9: {  	v3 =	vor.u32 v3, v4  }
0x1da: {  	v4 =	vperm.xlane v3, v0;
	_ =	sdelay $0x1  }
0x1db: {  	v4 =	vadd.s32 v1, v4;
	_ =	sdelay $0x4  }
0x1dc: {  	[tilespmem:s22], [sflag:$0x2] =	stream.indirect_vreg.gather [hbm4b:s1+s3], $0x80, v4, vm0, $0xb8;
	[tilespmem:$0x18180] =	vst v63  }
0x1dd: {  	s22 =	simm.s32 $0x8980  }
0x1de: {  	[tilespmem:s22], [sflag:$0x2] =	stream.indirect_vreg.gather [hbm4b:s5+s3], $0x80, v4, vm0, $0xb8;
	[tilespmem:$0x18180] =	vst v63  }
0x1df: {  	s2 =	simm.s32 $0x9180  }
0x1e0: {  	[tilespmem:s2], [sflag:$0x2] =	stream.indirect_vreg.gather [hbm4b:s6+s3], $0x80, v4, vm0, $0xb8;
	[tilespmem:$0x18180] =	vst v63  }
0x1e1: {  	s2 =	simm.s32 $0x9980  }
0x1e2: {  	[tilespmem:s2], [sflag:$0x2] =	stream.indirect_vreg.gather [hbm4b:s7+s3], $0x80, v4, vm0, $0xb8;
	[tilespmem:$0x18180] =	vst v63  }
0x1e3: {  	s2 =	simm.s32 $0xA180  }
0x1e4: {  	[tilespmem:s2], [sflag:$0x2] =	stream.indirect_vreg.gather [hbm4b:s8+s3], $0x80, v4, vm0, $0xb8;
	[tilespmem:$0x18180] =	vst v63  }
0x1e5: {  	v3 =	vperm.xlane v3, v2;
	s2 =	simm.s32 $0xA980  }
0x1e6: {  	[tilespmem:s2], [sflag:$0x2] =	stream.indirect_vreg.gather [hbm4b:s9+s3], $0x80, v4, vm0, $0xb8;
	[tilespmem:$0x18180] =	vst v63  }
0x1e7: {  	v3 =	vadd.s32 v1, v3;
	s2 =	simm.s32 $0xB180  }
0x1e8: {  	[tilespmem:s2], [sflag:$0x2] =	stream.indirect_vreg.gather [hbm4b:s10+s3], $0x80, v4, vm0, $0xb8;
	[tilespmem:$0x18180] =	vst v63  }
0x1e9: {  	s2 =	simm.s32 $0xB980  }
0x1ea: {  	[tilespmem:s2], [sflag:$0x2] =	stream.indirect_vreg.gather [hbm4b:s11+s3], $0x80, v4, vm0, $0xb8;
	[tilespmem:$0x18180] =	vst v63  }
0x1eb: {  	s15 =	simm.s32 $0xC180  }
0x1ec: {  	[tilespmem:s15], [sflag:$0x2] =	stream.indirect_vreg.gather [hbm4b:s1+s3], $0x80, v3, vm0, $0xb8;
	[tilespmem:$0x18180] =	vst v63  }
0x1ed: {  	s16 =	simm.s32 $0xC980  }
0x1ee: {  	[tilespmem:s16], [sflag:$0x2] =	stream.indirect_vreg.gather [hbm4b:s5+s3], $0x80, v3, vm0, $0xb8;
	[tilespmem:$0x18180] =	vst v63  }
0x1ef: {  	s17 =	simm.s32 $0xD180  }
0x1f0: {  	[tilespmem:s17], [sflag:$0x2] =	stream.indirect_vreg.gather [hbm4b:s6+s3], $0x80, v3, vm0, $0xb8;
	[tilespmem:$0x18180] =	vst v63  }
0x1f1: {  	s18 =	simm.s32 $0xD980  }
0x1f2: {  	[tilespmem:s18], [sflag:$0x2] =	stream.indirect_vreg.gather [hbm4b:s7+s3], $0x80, v3, vm0, $0xb8;
	[tilespmem:$0x18180] =	vst v63  }
0x1f3: {  	s19 =	simm.s32 $0xE180  }
0x1f4: {  	[tilespmem:s19], [sflag:$0x2] =	stream.indirect_vreg.gather [hbm4b:s8+s3], $0x80, v3, vm0, $0xb8;
	[tilespmem:$0x18180] =	vst v63  }
0x1f5: {  	s20 =	simm.s32 $0xE980  }
0x1f6: {  	[tilespmem:s20], [sflag:$0x2] =	stream.indirect_vreg.gather [hbm4b:s9+s3], $0x80, v3, vm0, $0xb8;
	[tilespmem:$0x18180] =	vst v63  }
0x1f7: {  	s21 =	simm.s32 $0xF180  }
0x1f8: {  	[tilespmem:s21], [sflag:$0x2] =	stream.indirect_vreg.gather [hbm4b:s10+s3], $0x80, v3, vm0, $0xb8;
	[tilespmem:$0x18180] =	vst v63  }
0x1f9: {  	s2 =	simm.s32 $0xF980  }
0x1fa: {  	[tilespmem:s2], [sflag:$0x2] =	stream.indirect_vreg.gather [hbm4b:s11+s3], $0x80, v3, vm0, $0xb8;
	[tilespmem:$0x18180] =	vst v63  }
0x1fb: {  	_ =	swait.ge [sflag:s29], $0x8000  }
0x1fc: {  	[sflag:s29] =	ssyncset.done $0x0  }
0x1fd: {  	s14 =	simm.s32 $0x10180;
	s2 =	rddreg [dreg:$0xc];
	[sflag:s29] =	ssyncadd.s32 $0xFFFF8000  }
0x1fe: {  	[hbm4b:s2+s3] =	stream.linear.scatter [tilespmem:s14], [sflag:$0x6], $0x8000, $0x38;
	[tilespmem:$0x18180] =	vst v63  }
0x1ff: {  	_ =	swait.ge [sflag:s30], $0x8000  }
0x200: {  	[sflag:s30] =	ssyncset.done $0x0  }
0x201: {  	[sflag:s30] =	ssyncadd.s32 $0xFFFF8000  }
0x202: {  	v3 =	vld [tilespmem:$0xB0];
	_ =	sdelay $0x4  }
0x203: {  	v51 =	vshll.u32 v3, $0x4  }
0x204: {  	v3 =	vand.u32 $0x7, v3;
	v4 =	vand.u32 $0xFFFFFF80, v51  }
0x205: {  	v3 =	vor.u32 v3, v4  }
0x206: {  	v4 =	vperm.xlane v3, v0;
	_ =	sdelay $0x1  }
0x207: {  	v4 =	vadd.s32 v1, v4;
	_ =	sdelay $0x4  }
0x208: {  	[tilespmem:s14], [sflag:$0x3] =	stream.indirect_vreg.gather [hbm4b:s1+s3], $0x80, v4, vm0, $0xb8;
	[tilespmem:$0x18180] =	vst v63  }
0x209: {  	s2 =	simm.s32 $0x10980  }
0x20a: {  	[tilespmem:s2], [sflag:$0x3] =	stream.indirect_vreg.gather [hbm4b:s5+s3], $0x80, v4, vm0, $0xb8;
	[tilespmem:$0x18180] =	vst v63  }
0x20b: {  	s2 =	simm.s32 $0x11180  }
0x20c: {  	[tilespmem:s2], [sflag:$0x3] =	stream.indirect_vreg.gather [hbm4b:s6+s3], $0x80, v4, vm0, $0xb8;
	[tilespmem:$0x18180] =	vst v63  }
0x20d: {  	s2 =	simm.s32 $0x11980  }
0x20e: {  	[tilespmem:s2], [sflag:$0x3] =	stream.indirect_vreg.gather [hbm4b:s7+s3], $0x80, v4, vm0, $0xb8;
	[tilespmem:$0x18180] =	vst v63  }
0x20f: {  	s2 =	simm.s32 $0x12180  }
0x210: {  	[tilespmem:s2], [sflag:$0x3] =	stream.indirect_vreg.gather [hbm4b:s8+s3], $0x80, v4, vm0, $0xb8;
	[tilespmem:$0x18180] =	vst v63  }
0x211: {  	v3 =	vperm.xlane v3, v2;
	s2 =	simm.s32 $0x12980  }
0x212: {  	[tilespmem:s2], [sflag:$0x3] =	stream.indirect_vreg.gather [hbm4b:s9+s3], $0x80, v4, vm0, $0xb8;
	[tilespmem:$0x18180] =	vst v63  }
0x213: {  	v3 =	vadd.s32 v1, v3;
	s2 =	simm.s32 $0x13180  }
0x214: {  	[tilespmem:s2], [sflag:$0x3] =	stream.indirect_vreg.gather [hbm4b:s10+s3], $0x80, v4, vm0, $0xb8;
	[tilespmem:$0x18180] =	vst v63  }
0x215: {  	s2 =	simm.s32 $0x13980  }
0x216: {  	[tilespmem:s2], [sflag:$0x3] =	stream.indirect_vreg.gather [hbm4b:s11+s3], $0x80, v4, vm0, $0xb8;
	[tilespmem:$0x18180] =	vst v63  }
0x217: {  	s2 =	simm.s32 $0x14180  }
0x218: {  	[tilespmem:s2], [sflag:$0x3] =	stream.indirect_vreg.gather [hbm4b:s1+s3], $0x80, v3, vm0, $0xb8;
	[tilespmem:$0x18180] =	vst v63  }
0x219: {  	s2 =	simm.s32 $0x14980  }
0x21a: {  	[tilespmem:s2], [sflag:$0x3] =	stream.indirect_vreg.gather [hbm4b:s5+s3], $0x80, v3, vm0, $0xb8;
	[tilespmem:$0x18180] =	vst v63  }
0x21b: {  	s2 =	simm.s32 $0x15180  }
0x21c: {  	[tilespmem:s2], [sflag:$0x3] =	stream.indirect_vreg.gather [hbm4b:s6+s3], $0x80, v3, vm0, $0xb8;
	[tilespmem:$0x18180] =	vst v63  }
0x21d: {  	s2 =	simm.s32 $0x15980  }
0x21e: {  	[tilespmem:s2], [sflag:$0x3] =	stream.indirect_vreg.gather [hbm4b:s7+s3], $0x80, v3, vm0, $0xb8;
	[tilespmem:$0x18180] =	vst v63  }
0x21f: {  	s2 =	simm.s32 $0x16180  }
0x220: {  	[tilespmem:s2], [sflag:$0x3] =	stream.indirect_vreg.gather [hbm4b:s8+s3], $0x80, v3, vm0, $0xb8;
	[tilespmem:$0x18180] =	vst v63  }
0x221: {  	s2 =	simm.s32 $0x16980  }
0x222: {  	[tilespmem:s2], [sflag:$0x3] =	stream.indirect_vreg.gather [hbm4b:s9+s3], $0x80, v3, vm0, $0xb8;
	[tilespmem:$0x18180] =	vst v63  }
0x223: {  	s2 =	simm.s32 $0x17180  }
0x224: {  	[tilespmem:s2], [sflag:$0x3] =	stream.indirect_vreg.gather [hbm4b:s10+s3], $0x80, v3, vm0, $0xb8;
	[tilespmem:$0x18180] =	vst v63  }
0x225: {  	s2 =	simm.s32 $0x17980  }
0x226: {  	[tilespmem:s2], [sflag:$0x3] =	stream.indirect_vreg.gather [hbm4b:s11+s3], $0x80, v3, vm0, $0xb8;
	[tilespmem:$0x18180] =	vst v63  }
0x227: {  	_ =	swait.ge [sflag:s23], $0x8000  }
0x228: {  	[sflag:s23] =	ssyncset.done $0x0  }
0x229: {  	s12 =	simm.s32 $0x180;
	s2 =	rddreg [dreg:$0xd];
	[sflag:s23] =	ssyncadd.s32 $0xFFFF8000  }
0x22a: {  	[hbm4b:s2+s3] =	stream.linear.scatter [tilespmem:s12], [sflag:$0x4], $0x8000, $0x38;
	[tilespmem:$0x18180] =	vst v63  }
0x22b: {  	_ =	swait.ge [sflag:s24], $0x8000  }
0x22c: {  	[sflag:s24] =	ssyncset.done $0x0  }
0x22d: {  	[sflag:s24] =	ssyncadd.s32 $0xFFFF8000  }
0x22e: {  	v3 =	vld [tilespmem:$0xC0];
	_ =	sdelay $0x4  }
0x22f: {  	v52 =	vshll.u32 v3, $0x4  }
0x230: {  	v3 =	vand.u32 $0x7, v3;
	v4 =	vand.u32 $0xFFFFFF80, v52  }
0x231: {  	v3 =	vor.u32 v3, v4  }
0x232: {  	v4 =	vperm.xlane v3, v0;
	_ =	sdelay $0x1  }
0x233: {  	v4 =	vadd.s32 v1, v4;
	_ =	sdelay $0x4  }
0x234: {  	[tilespmem:s12], [sflag:$0x1] =	stream.indirect_vreg.gather [hbm4b:s1+s3], $0x80, v4, vm0, $0xb8;
	[tilespmem:$0x18180] =	vst v63  }
0x235: {  	s31 =	simm.s32 $0x980  }
0x236: {  	[tilespmem:s31], [sflag:$0x1] =	stream.indirect_vreg.gather [hbm4b:s5+s3], $0x80, v4, vm0, $0xb8;
	[tilespmem:$0x18180] =	vst v63  }
0x237: {  	s2 =	simm.s32 $0x1180  }
0x238: {  	[tilespmem:s2], [sflag:$0x1] =	stream.indirect_vreg.gather [hbm4b:s6+s3], $0x80, v4, vm0, $0xb8;
	[tilespmem:$0x18180] =	vst v63  }
0x239: {  	s2 =	simm.s32 $0x1980  }
0x23a: {  	[tilespmem:s2], [sflag:$0x1] =	stream.indirect_vreg.gather [hbm4b:s7+s3], $0x80, v4, vm0, $0xb8;
	[tilespmem:$0x18180] =	vst v63  }
0x23b: {  	s2 =	simm.s32 $0x2180  }
0x23c: {  	[tilespmem:s2], [sflag:$0x1] =	stream.indirect_vreg.gather [hbm4b:s8+s3], $0x80, v4, vm0, $0xb8;
	[tilespmem:$0x18180] =	vst v63  }
0x23d: {  	v3 =	vperm.xlane v3, v2;
	s2 =	simm.s32 $0x2980  }
0x23e: {  	[tilespmem:s2], [sflag:$0x1] =	stream.indirect_vreg.gather [hbm4b:s9+s3], $0x80, v4, vm0, $0xb8;
	[tilespmem:$0x18180] =	vst v63  }
0x23f: {  	v3 =	vadd.s32 v1, v3;
	s2 =	simm.s32 $0x3180  }
0x240: {  	[tilespmem:s2], [sflag:$0x1] =	stream.indirect_vreg.gather [hbm4b:s10+s3], $0x80, v4, vm0, $0xb8;
	[tilespmem:$0x18180] =	vst v63  }
0x241: {  	s2 =	simm.s32 $0x3980  }
0x242: {  	[tilespmem:s2], [sflag:$0x1] =	stream.indirect_vreg.gather [hbm4b:s11+s3], $0x80, v4, vm0, $0xb8;
	[tilespmem:$0x18180] =	vst v63  }
0x243: {  	s2 =	simm.s32 $0x4180  }
0x244: {  	[tilespmem:s2], [sflag:$0x1] =	stream.indirect_vreg.gather [hbm4b:s1+s3], $0x80, v3, vm0, $0xb8;
	[tilespmem:$0x18180] =	vst v63  }
0x245: {  	s2 =	simm.s32 $0x4980  }
0x246: {  	[tilespmem:s2], [sflag:$0x1] =	stream.indirect_vreg.gather [hbm4b:s5+s3], $0x80, v3, vm0, $0xb8;
	[tilespmem:$0x18180] =	vst v63  }
0x247: {  	s2 =	simm.s32 $0x5180  }
0x248: {  	[tilespmem:s2], [sflag:$0x1] =	stream.indirect_vreg.gather [hbm4b:s6+s3], $0x80, v3, vm0, $0xb8;
	[tilespmem:$0x18180] =	vst v63  }
0x249: {  	s2 =	simm.s32 $0x5980  }
0x24a: {  	[tilespmem:s2], [sflag:$0x1] =	stream.indirect_vreg.gather [hbm4b:s7+s3], $0x80, v3, vm0, $0xb8;
	[tilespmem:$0x18180] =	vst v63  }
0x24b: {  	_ = 	snop  }
0x24c: {  	[tilespmem:s0], [sflag:$0x1] =	stream.indirect_vreg.gather [hbm4b:s8+s3], $0x80, v3, vm0, $0xb8;
	[tilespmem:$0x18180] =	vst v63  }
0x24d: {  	_ = 	snop  }
0x24e: {  	[tilespmem:s4], [sflag:$0x1] =	stream.indirect_vreg.gather [hbm4b:s9+s3], $0x80, v3, vm0, $0xb8;
	[tilespmem:$0x18180] =	vst v63  }
0x24f: {  	s2 =	simm.s32 $0x7180  }
0x250: {  	[tilespmem:s2], [sflag:$0x1] =	stream.indirect_vreg.gather [hbm4b:s10+s3], $0x80, v3, vm0, $0xb8;
	[tilespmem:$0x18180] =	vst v63  }
0x251: {  	s26 =	simm.s32 $0x7980  }
0x252: {  	[tilespmem:s26], [sflag:$0x1] =	stream.indirect_vreg.gather [hbm4b:s11+s3], $0x80, v3, vm0, $0xb8;
	[tilespmem:$0x18180] =	vst v63  }
0x253: {  	_ =	swait.ge [sflag:s25], $0x8000  }
0x254: {  	[sflag:s25] =	ssyncset.done $0x0  }
0x255: {  	s13 =	simm.s32 $0x8180;
	s2 =	rddreg [dreg:$0xe];
	[sflag:s25] =	ssyncadd.s32 $0xFFFF8000  }
0x256: {  	[hbm4b:s2+s3] =	stream.linear.scatter [tilespmem:s13], [sflag:$0x5], $0x8000, $0x38;
	[tilespmem:$0x18180] =	vst v63  }
0x257: {  	_ =	swait.ge [sflag:s28], $0x8000  }
0x258: {  	[sflag:s28] =	ssyncset.done $0x0  }
0x259: {  	[sflag:s28] =	ssyncadd.s32 $0xFFFF8000  }
0x25a: {  	v3 =	vld [tilespmem:$0xD0];
	_ =	sdelay $0x4  }
0x25b: {  	v53 =	vshll.u32 v3, $0x4  }
0x25c: {  	v3 =	vand.u32 $0x7, v3;
	v4 =	vand.u32 $0xFFFFFF80, v53  }
0x25d: {  	v3 =	vor.u32 v3, v4  }
0x25e: {  	v4 =	vperm.xlane v3, v0;
	_ =	sdelay $0x1  }
0x25f: {  	v4 =	vadd.s32 v1, v4;
	_ =	sdelay $0x4  }
0x260: {  	[tilespmem:s13], [sflag:$0x2] =	stream.indirect_vreg.gather [hbm4b:s1+s3], $0x80, v4, vm0, $0xb8;
	[tilespmem:$0x18180] =	vst v63  }
0x261: {  	s22 =	simm.s32 $0x8980  }
0x262: {  	[tilespmem:s22], [sflag:$0x2] =	stream.indirect_vreg.gather [hbm4b:s5+s3], $0x80, v4, vm0, $0xb8;
	[tilespmem:$0x18180] =	vst v63  }
0x263: {  	s2 =	simm.s32 $0x9180  }
0x264: {  	[tilespmem:s2], [sflag:$0x2] =	stream.indirect_vreg.gather [hbm4b:s6+s3], $0x80, v4, vm0, $0xb8;
	[tilespmem:$0x18180] =	vst v63  }
0x265: {  	s2 =	simm.s32 $0x9980  }
0x266: {  	[tilespmem:s2], [sflag:$0x2] =	stream.indirect_vreg.gather [hbm4b:s7+s3], $0x80, v4, vm0, $0xb8;
	[tilespmem:$0x18180] =	vst v63  }
0x267: {  	s2 =	simm.s32 $0xA180  }
0x268: {  	[tilespmem:s2], [sflag:$0x2] =	stream.indirect_vreg.gather [hbm4b:s8+s3], $0x80, v4, vm0, $0xb8;
	[tilespmem:$0x18180] =	vst v63  }
0x269: {  	v3 =	vperm.xlane v3, v2;
	s2 =	simm.s32 $0xA980  }
0x26a: {  	[tilespmem:s2], [sflag:$0x2] =	stream.indirect_vreg.gather [hbm4b:s9+s3], $0x80, v4, vm0, $0xb8;
	[tilespmem:$0x18180] =	vst v63  }
0x26b: {  	v3 =	vadd.s32 v1, v3;
	s2 =	simm.s32 $0xB180  }
0x26c: {  	[tilespmem:s2], [sflag:$0x2] =	stream.indirect_vreg.gather [hbm4b:s10+s3], $0x80, v4, vm0, $0xb8;
	[tilespmem:$0x18180] =	vst v63  }
0x26d: {  	s2 =	simm.s32 $0xB980  }
0x26e: {  	[tilespmem:s2], [sflag:$0x2] =	stream.indirect_vreg.gather [hbm4b:s11+s3], $0x80, v4, vm0, $0xb8;
	[tilespmem:$0x18180] =	vst v63  }
0x26f: {  	s15 =	simm.s32 $0xC180  }
0x270: {  	[tilespmem:s15], [sflag:$0x2] =	stream.indirect_vreg.gather [hbm4b:s1+s3], $0x80, v3, vm0, $0xb8;
	[tilespmem:$0x18180] =	vst v63  }
0x271: {  	s16 =	simm.s32 $0xC980  }
0x272: {  	[tilespmem:s16], [sflag:$0x2] =	stream.indirect_vreg.gather [hbm4b:s5+s3], $0x80, v3, vm0, $0xb8;
	[tilespmem:$0x18180] =	vst v63  }
0x273: {  	s17 =	simm.s32 $0xD180  }
0x274: {  	[tilespmem:s17], [sflag:$0x2] =	stream.indirect_vreg.gather [hbm4b:s6+s3], $0x80, v3, vm0, $0xb8;
	[tilespmem:$0x18180] =	vst v63  }
0x275: {  	s18 =	simm.s32 $0xD980  }
0x276: {  	[tilespmem:s18], [sflag:$0x2] =	stream.indirect_vreg.gather [hbm4b:s7+s3], $0x80, v3, vm0, $0xb8;
	[tilespmem:$0x18180] =	vst v63  }
0x277: {  	s19 =	simm.s32 $0xE180  }
0x278: {  	[tilespmem:s19], [sflag:$0x2] =	stream.indirect_vreg.gather [hbm4b:s8+s3], $0x80, v3, vm0, $0xb8;
	[tilespmem:$0x18180] =	vst v63  }
0x279: {  	s20 =	simm.s32 $0xE980  }
0x27a: {  	[tilespmem:s20], [sflag:$0x2] =	stream.indirect_vreg.gather [hbm4b:s9+s3], $0x80, v3, vm0, $0xb8;
	[tilespmem:$0x18180] =	vst v63  }
0x27b: {  	s21 =	simm.s32 $0xF180  }
0x27c: {  	[tilespmem:s21], [sflag:$0x2] =	stream.indirect_vreg.gather [hbm4b:s10+s3], $0x80, v3, vm0, $0xb8;
	[tilespmem:$0x18180] =	vst v63  }
0x27d: {  	s2 =	simm.s32 $0xF980  }
0x27e: {  	[tilespmem:s2], [sflag:$0x2] =	stream.indirect_vreg.gather [hbm4b:s11+s3], $0x80, v3, vm0, $0xb8;
	[tilespmem:$0x18180] =	vst v63  }
0x27f: {  	_ =	swait.ge [sflag:s29], $0x8000  }
0x280: {  	[sflag:s29] =	ssyncset.done $0x0  }
0x281: {  	s2 =	rddreg [dreg:$0xf];
	[sflag:s29] =	ssyncadd.s32 $0xFFFF8000  }
0x282: {  	[hbm4b:s2+s3] =	stream.linear.scatter [tilespmem:s14], [sflag:$0x6], $0x8000, $0x38;
	[tilespmem:$0x18180] =	vst v63  }
0x283: {  	_ =	swait.ge [sflag:s30], $0x8000  }
0x284: {  	[sflag:s30] =	ssyncset.done $0x0  }
0x285: {  	[sflag:s30] =	ssyncadd.s32 $0xFFFF8000  }
0x286: {  	v3 =	vld [tilespmem:$0xE0];
	_ =	sdelay $0x4  }
0x287: {  	v54 =	vshll.u32 v3, $0x4  }
0x288: {  	v3 =	vand.u32 $0x7, v3;
	v4 =	vand.u32 $0xFFFFFF80, v54  }
0x289: {  	v3 =	vor.u32 v3, v4  }
0x28a: {  	v4 =	vperm.xlane v3, v0;
	_ =	sdelay $0x1  }
0x28b: {  	v4 =	vadd.s32 v1, v4;
	_ =	sdelay $0x4  }
0x28c: {  	[tilespmem:s14], [sflag:$0x3] =	stream.indirect_vreg.gather [hbm4b:s1+s3], $0x80, v4, vm0, $0xb8;
	[tilespmem:$0x18180] =	vst v63  }
0x28d: {  	s2 =	simm.s32 $0x10980  }
0x28e: {  	[tilespmem:s2], [sflag:$0x3] =	stream.indirect_vreg.gather [hbm4b:s5+s3], $0x80, v4, vm0, $0xb8;
	[tilespmem:$0x18180] =	vst v63  }
0x28f: {  	s2 =	simm.s32 $0x11180  }
0x290: {  	[tilespmem:s2], [sflag:$0x3] =	stream.indirect_vreg.gather [hbm4b:s6+s3], $0x80, v4, vm0, $0xb8;
	[tilespmem:$0x18180] =	vst v63  }
0x291: {  	s2 =	simm.s32 $0x11980  }
0x292: {  	[tilespmem:s2], [sflag:$0x3] =	stream.indirect_vreg.gather [hbm4b:s7+s3], $0x80, v4, vm0, $0xb8;
	[tilespmem:$0x18180] =	vst v63  }
0x293: {  	s2 =	simm.s32 $0x12180  }
0x294: {  	[tilespmem:s2], [sflag:$0x3] =	stream.indirect_vreg.gather [hbm4b:s8+s3], $0x80, v4, vm0, $0xb8;
	[tilespmem:$0x18180] =	vst v63  }
0x295: {  	v3 =	vperm.xlane v3, v2;
	s2 =	simm.s32 $0x12980  }
0x296: {  	[tilespmem:s2], [sflag:$0x3] =	stream.indirect_vreg.gather [hbm4b:s9+s3], $0x80, v4, vm0, $0xb8;
	[tilespmem:$0x18180] =	vst v63  }
0x297: {  	v3 =	vadd.s32 v1, v3;
	s2 =	simm.s32 $0x13180  }
0x298: {  	[tilespmem:s2], [sflag:$0x3] =	stream.indirect_vreg.gather [hbm4b:s10+s3], $0x80, v4, vm0, $0xb8;
	[tilespmem:$0x18180] =	vst v63  }
0x299: {  	s2 =	simm.s32 $0x13980  }
0x29a: {  	[tilespmem:s2], [sflag:$0x3] =	stream.indirect_vreg.gather [hbm4b:s11+s3], $0x80, v4, vm0, $0xb8;
	[tilespmem:$0x18180] =	vst v63  }
0x29b: {  	s2 =	simm.s32 $0x14180  }
0x29c: {  	[tilespmem:s2], [sflag:$0x3] =	stream.indirect_vreg.gather [hbm4b:s1+s3], $0x80, v3, vm0, $0xb8;
	[tilespmem:$0x18180] =	vst v63  }
0x29d: {  	s2 =	simm.s32 $0x14980  }
0x29e: {  	[tilespmem:s2], [sflag:$0x3] =	stream.indirect_vreg.gather [hbm4b:s5+s3], $0x80, v3, vm0, $0xb8;
	[tilespmem:$0x18180] =	vst v63  }
0x29f: {  	s2 =	simm.s32 $0x15180  }
0x2a0: {  	[tilespmem:s2], [sflag:$0x3] =	stream.indirect_vreg.gather [hbm4b:s6+s3], $0x80, v3, vm0, $0xb8;
	[tilespmem:$0x18180] =	vst v63  }
0x2a1: {  	s2 =	simm.s32 $0x15980  }
0x2a2: {  	[tilespmem:s2], [sflag:$0x3] =	stream.indirect_vreg.gather [hbm4b:s7+s3], $0x80, v3, vm0, $0xb8;
	[tilespmem:$0x18180] =	vst v63  }
0x2a3: {  	s2 =	simm.s32 $0x16180  }
0x2a4: {  	[tilespmem:s2], [sflag:$0x3] =	stream.indirect_vreg.gather [hbm4b:s8+s3], $0x80, v3, vm0, $0xb8;
	[tilespmem:$0x18180] =	vst v63  }
0x2a5: {  	s2 =	simm.s32 $0x16980  }
0x2a6: {  	[tilespmem:s2], [sflag:$0x3] =	stream.indirect_vreg.gather [hbm4b:s9+s3], $0x80, v3, vm0, $0xb8;
	[tilespmem:$0x18180] =	vst v63  }
0x2a7: {  	s2 =	simm.s32 $0x17180  }
0x2a8: {  	[tilespmem:s2], [sflag:$0x3] =	stream.indirect_vreg.gather [hbm4b:s10+s3], $0x80, v3, vm0, $0xb8;
	[tilespmem:$0x18180] =	vst v63  }
0x2a9: {  	s2 =	simm.s32 $0x17980  }
0x2aa: {  	[tilespmem:s2], [sflag:$0x3] =	stream.indirect_vreg.gather [hbm4b:s11+s3], $0x80, v3, vm0, $0xb8;
	[tilespmem:$0x18180] =	vst v63  }
0x2ab: {  	_ =	swait.ge [sflag:s23], $0x8000  }
0x2ac: {  	[sflag:s23] =	ssyncset.done $0x0  }
0x2ad: {  	s2 =	rddreg [dreg:$0x10];
	[sflag:s23] =	ssyncadd.s32 $0xFFFF8000  }
0x2ae: {  	[hbm4b:s2+s3] =	stream.linear.scatter [tilespmem:s12], [sflag:$0x4], $0x8000, $0x38;
	[tilespmem:$0x18180] =	vst v63  }
0x2af: {  	_ =	swait.ge [sflag:s24], $0x8000  }
0x2b0: {  	[sflag:s24] =	ssyncset.done $0x0  }
0x2b1: {  	[sflag:s24] =	ssyncadd.s32 $0xFFFF8000  }
0x2b2: {  	v3 =	vld [tilespmem:$0xF0];
	_ =	sdelay $0x4  }
0x2b3: {  	v55 =	vshll.u32 v3, $0x4  }
0x2b4: {  	v3 =	vand.u32 $0x7, v3;
	v4 =	vand.u32 $0xFFFFFF80, v55  }
0x2b5: {  	v3 =	vor.u32 v3, v4  }
0x2b6: {  	v4 =	vperm.xlane v3, v0;
	_ =	sdelay $0x1  }
0x2b7: {  	v4 =	vadd.s32 v1, v4;
	_ =	sdelay $0x4  }
0x2b8: {  	[tilespmem:s12], [sflag:$0x1] =	stream.indirect_vreg.gather [hbm4b:s1+s3], $0x80, v4, vm0, $0xb8;
	[tilespmem:$0x18180] =	vst v63  }
0x2b9: {  	s31 =	simm.s32 $0x980  }
0x2ba: {  	[tilespmem:s31], [sflag:$0x1] =	stream.indirect_vreg.gather [hbm4b:s5+s3], $0x80, v4, vm0, $0xb8;
	[tilespmem:$0x18180] =	vst v63  }
0x2bb: {  	s2 =	simm.s32 $0x1180  }
0x2bc: {  	[tilespmem:s2], [sflag:$0x1] =	stream.indirect_vreg.gather [hbm4b:s6+s3], $0x80, v4, vm0, $0xb8;
	[tilespmem:$0x18180] =	vst v63  }
0x2bd: {  	s2 =	simm.s32 $0x1980  }
0x2be: {  	[tilespmem:s2], [sflag:$0x1] =	stream.indirect_vreg.gather [hbm4b:s7+s3], $0x80, v4, vm0, $0xb8;
	[tilespmem:$0x18180] =	vst v63  }
0x2bf: {  	s2 =	simm.s32 $0x2180  }
0x2c0: {  	[tilespmem:s2], [sflag:$0x1] =	stream.indirect_vreg.gather [hbm4b:s8+s3], $0x80, v4, vm0, $0xb8;
	[tilespmem:$0x18180] =	vst v63  }
0x2c1: {  	v3 =	vperm.xlane v3, v2;
	s2 =	simm.s32 $0x2980  }
0x2c2: {  	[tilespmem:s2], [sflag:$0x1] =	stream.indirect_vreg.gather [hbm4b:s9+s3], $0x80, v4, vm0, $0xb8;
	[tilespmem:$0x18180] =	vst v63  }
0x2c3: {  	v3 =	vadd.s32 v1, v3;
	s2 =	simm.s32 $0x3180  }
0x2c4: {  	[tilespmem:s2], [sflag:$0x1] =	stream.indirect_vreg.gather [hbm4b:s10+s3], $0x80, v4, vm0, $0xb8;
	[tilespmem:$0x18180] =	vst v63  }
0x2c5: {  	s2 =	simm.s32 $0x3980  }
0x2c6: {  	[tilespmem:s2], [sflag:$0x1] =	stream.indirect_vreg.gather [hbm4b:s11+s3], $0x80, v4, vm0, $0xb8;
	[tilespmem:$0x18180] =	vst v63  }
0x2c7: {  	s2 =	simm.s32 $0x4180  }
0x2c8: {  	[tilespmem:s2], [sflag:$0x1] =	stream.indirect_vreg.gather [hbm4b:s1+s3], $0x80, v3, vm0, $0xb8;
	[tilespmem:$0x18180] =	vst v63  }
0x2c9: {  	s2 =	simm.s32 $0x4980  }
0x2ca: {  	[tilespmem:s2], [sflag:$0x1] =	stream.indirect_vreg.gather [hbm4b:s5+s3], $0x80, v3, vm0, $0xb8;
	[tilespmem:$0x18180] =	vst v63  }
0x2cb: {  	s2 =	simm.s32 $0x5180  }
0x2cc: {  	[tilespmem:s2], [sflag:$0x1] =	stream.indirect_vreg.gather [hbm4b:s6+s3], $0x80, v3, vm0, $0xb8;
	[tilespmem:$0x18180] =	vst v63  }
0x2cd: {  	s2 =	simm.s32 $0x5980  }
0x2ce: {  	[tilespmem:s2], [sflag:$0x1] =	stream.indirect_vreg.gather [hbm4b:s7+s3], $0x80, v3, vm0, $0xb8;
	[tilespmem:$0x18180] =	vst v63  }
0x2cf: {  	s0 =	simm.s32 $0x6180  }
0x2d0: {  	[tilespmem:s0], [sflag:$0x1] =	stream.indirect_vreg.gather [hbm4b:s8+s3], $0x80, v3, vm0, $0xb8;
	[tilespmem:$0x18180] =	vst v63  }
0x2d1: {  	s4 =	simm.s32 $0x6980  }
0x2d2: {  	[tilespmem:s4], [sflag:$0x1] =	stream.indirect_vreg.gather [hbm4b:s9+s3], $0x80, v3, vm0, $0xb8;
	[tilespmem:$0x18180] =	vst v63  }
0x2d3: {  	s2 =	simm.s32 $0x7180  }
0x2d4: {  	[tilespmem:s2], [sflag:$0x1] =	stream.indirect_vreg.gather [hbm4b:s10+s3], $0x80, v3, vm0, $0xb8;
	[tilespmem:$0x18180] =	vst v63  }
0x2d5: {  	s26 =	simm.s32 $0x7980  }
0x2d6: {  	[tilespmem:s26], [sflag:$0x1] =	stream.indirect_vreg.gather [hbm4b:s11+s3], $0x80, v3, vm0, $0xb8;
	[tilespmem:$0x18180] =	vst v63  }
0x2d7: {  	_ =	swait.ge [sflag:s25], $0x8000  }
0x2d8: {  	[sflag:s25] =	ssyncset.done $0x0  }
0x2d9: {  	s2 =	rddreg [dreg:$0x11];
	[sflag:s25] =	ssyncadd.s32 $0xFFFF8000  }
0x2da: {  	[hbm4b:s2+s3] =	stream.linear.scatter [tilespmem:s13], [sflag:$0x5], $0x8000, $0x38;
	[tilespmem:$0x18180] =	vst v63  }
0x2db: {  	_ =	swait.ge [sflag:s28], $0x8000  }
0x2dc: {  	[sflag:s28] =	ssyncset.done $0x0  }
0x2dd: {  	[sflag:s28] =	ssyncadd.s32 $0xFFFF8000  }
0x2de: {  	v3 =	vld [tilespmem:$0x100];
	_ =	sdelay $0x4  }
0x2df: {  	v56 =	vshll.u32 v3, $0x4  }
0x2e0: {  	v3 =	vand.u32 $0x7, v3;
	v4 =	vand.u32 $0xFFFFFF80, v56  }
0x2e1: {  	v3 =	vor.u32 v3, v4  }
0x2e2: {  	v4 =	vperm.xlane v3, v0;
	_ =	sdelay $0x1  }
0x2e3: {  	v4 =	vadd.s32 v1, v4;
	_ =	sdelay $0x4  }
0x2e4: {  	[tilespmem:s13], [sflag:$0x2] =	stream.indirect_vreg.gather [hbm4b:s1+s3], $0x80, v4, vm0, $0xb8;
	[tilespmem:$0x18180] =	vst v63  }
0x2e5: {  	s22 =	simm.s32 $0x8980  }
0x2e6: {  	[tilespmem:s22], [sflag:$0x2] =	stream.indirect_vreg.gather [hbm4b:s5+s3], $0x80, v4, vm0, $0xb8;
	[tilespmem:$0x18180] =	vst v63  }
0x2e7: {  	s22 =	simm.s32 $0x9180  }
0x2e8: {  	[tilespmem:s22], [sflag:$0x2] =	stream.indirect_vreg.gather [hbm4b:s6+s3], $0x80, v4, vm0, $0xb8;
	[tilespmem:$0x18180] =	vst v63  }
0x2e9: {  	s22 =	simm.s32 $0x9980  }
0x2ea: {  	[tilespmem:s22], [sflag:$0x2] =	stream.indirect_vreg.gather [hbm4b:s7+s3], $0x80, v4, vm0, $0xb8;
	[tilespmem:$0x18180] =	vst v63  }
0x2eb: {  	s22 =	simm.s32 $0xA180  }
0x2ec: {  	[tilespmem:s22], [sflag:$0x2] =	stream.indirect_vreg.gather [hbm4b:s8+s3], $0x80, v4, vm0, $0xb8;
	[tilespmem:$0x18180] =	vst v63  }
0x2ed: {  	v3 =	vperm.xlane v3, v2;
	s22 =	simm.s32 $0xA980  }
0x2ee: {  	[tilespmem:s22], [sflag:$0x2] =	stream.indirect_vreg.gather [hbm4b:s9+s3], $0x80, v4, vm0, $0xb8;
	[tilespmem:$0x18180] =	vst v63  }
0x2ef: {  	v3 =	vadd.s32 v1, v3;
	s22 =	simm.s32 $0xB180  }
0x2f0: {  	[tilespmem:s22], [sflag:$0x2] =	stream.indirect_vreg.gather [hbm4b:s10+s3], $0x80, v4, vm0, $0xb8;
	[tilespmem:$0x18180] =	vst v63  }
0x2f1: {  	s22 =	simm.s32 $0xB980  }
0x2f2: {  	[tilespmem:s22], [sflag:$0x2] =	stream.indirect_vreg.gather [hbm4b:s11+s3], $0x80, v4, vm0, $0xb8;
	[tilespmem:$0x18180] =	vst v63  }
0x2f3: {  	s15 =	simm.s32 $0xC180  }
0x2f4: {  	[tilespmem:s15], [sflag:$0x2] =	stream.indirect_vreg.gather [hbm4b:s1+s3], $0x80, v3, vm0, $0xb8;
	[tilespmem:$0x18180] =	vst v63  }
0x2f5: {  	s16 =	simm.s32 $0xC980  }
0x2f6: {  	[tilespmem:s16], [sflag:$0x2] =	stream.indirect_vreg.gather [hbm4b:s5+s3], $0x80, v3, vm0, $0xb8;
	[tilespmem:$0x18180] =	vst v63  }
0x2f7: {  	s17 =	simm.s32 $0xD180  }
0x2f8: {  	[tilespmem:s17], [sflag:$0x2] =	stream.indirect_vreg.gather [hbm4b:s6+s3], $0x80, v3, vm0, $0xb8;
	[tilespmem:$0x18180] =	vst v63  }
0x2f9: {  	s18 =	simm.s32 $0xD980  }
0x2fa: {  	[tilespmem:s18], [sflag:$0x2] =	stream.indirect_vreg.gather [hbm4b:s7+s3], $0x80, v3, vm0, $0xb8;
	[tilespmem:$0x18180] =	vst v63  }
0x2fb: {  	s19 =	simm.s32 $0xE180  }
0x2fc: {  	[tilespmem:s19], [sflag:$0x2] =	stream.indirect_vreg.gather [hbm4b:s8+s3], $0x80, v3, vm0, $0xb8;
	[tilespmem:$0x18180] =	vst v63  }
0x2fd: {  	s20 =	simm.s32 $0xE980  }
0x2fe: {  	[tilespmem:s20], [sflag:$0x2] =	stream.indirect_vreg.gather [hbm4b:s9+s3], $0x80, v3, vm0, $0xb8;
	[tilespmem:$0x18180] =	vst v63  }
0x2ff: {  	s21 =	simm.s32 $0xF180  }
0x300: {  	[tilespmem:s21], [sflag:$0x2] =	stream.indirect_vreg.gather [hbm4b:s10+s3], $0x80, v3, vm0, $0xb8;
	[tilespmem:$0x18180] =	vst v63  }
0x301: {  	s20 =	simm.s32 $0xF980  }
0x302: {  	[tilespmem:s20], [sflag:$0x2] =	stream.indirect_vreg.gather [hbm4b:s11+s3], $0x80, v3, vm0, $0xb8;
	[tilespmem:$0x18180] =	vst v63  }
0x303: {  	_ =	swait.ge [sflag:s29], $0x8000  }
0x304: {  	[sflag:s29] =	ssyncset.done $0x0  }
0x305: {  	s22 =	rddreg [dreg:$0x12];
	[sflag:s29] =	ssyncadd.s32 $0xFFFF8000  }
0x306: {  	[hbm4b:s22+s3] =	stream.linear.scatter [tilespmem:s14], [sflag:$0x6], $0x8000, $0x38;
	[tilespmem:$0x18180] =	vst v63  }
0x307: {  	_ =	swait.ge [sflag:s30], $0x8000  }
0x308: {  	[sflag:s30] =	ssyncset.done $0x0  }
0x309: {  	[sflag:s30] =	ssyncadd.s32 $0xFFFF8000  }
0x30a: {  	v3 =	vld [tilespmem:$0x110];
	_ =	sdelay $0x4  }
0x30b: {  	v57 =	vshll.u32 v3, $0x4  }
0x30c: {  	v3 =	vand.u32 $0x7, v3;
	v4 =	vand.u32 $0xFFFFFF80, v57  }
0x30d: {  	v3 =	vor.u32 v3, v4  }
0x30e: {  	v4 =	vperm.xlane v3, v0;
	_ =	sdelay $0x1  }
0x30f: {  	v4 =	vadd.s32 v1, v4;
	_ =	sdelay $0x4  }
0x310: {  	[tilespmem:s14], [sflag:$0x3] =	stream.indirect_vreg.gather [hbm4b:s1+s3], $0x80, v4, vm0, $0xb8;
	[tilespmem:$0x18180] =	vst v63  }
0x311: {  	s15 =	simm.s32 $0x10980  }
0x312: {  	[tilespmem:s15], [sflag:$0x3] =	stream.indirect_vreg.gather [hbm4b:s5+s3], $0x80, v4, vm0, $0xb8;
	[tilespmem:$0x18180] =	vst v63  }
0x313: {  	s16 =	simm.s32 $0x11180  }
0x314: {  	[tilespmem:s16], [sflag:$0x3] =	stream.indirect_vreg.gather [hbm4b:s6+s3], $0x80, v4, vm0, $0xb8;
	[tilespmem:$0x18180] =	vst v63  }
0x315: {  	s17 =	simm.s32 $0x11980  }
0x316: {  	[tilespmem:s17], [sflag:$0x3] =	stream.indirect_vreg.gather [hbm4b:s7+s3], $0x80, v4, vm0, $0xb8;
	[tilespmem:$0x18180] =	vst v63  }
0x317: {  	s18 =	simm.s32 $0x12180  }
0x318: {  	[tilespmem:s18], [sflag:$0x3] =	stream.indirect_vreg.gather [hbm4b:s8+s3], $0x80, v4, vm0, $0xb8;
	[tilespmem:$0x18180] =	vst v63  }
0x319: {  	s19 =	simm.s32 $0x12980;
	v3 =	vperm.xlane v3, v2  }
0x31a: {  	[tilespmem:s19], [sflag:$0x3] =	stream.indirect_vreg.gather [hbm4b:s9+s3], $0x80, v4, vm0, $0xb8;
	[tilespmem:$0x18180] =	vst v63  }
0x31b: {  	s20 =	simm.s32 $0x13180;
	v3 =	vadd.s32 v1, v3  }
0x31c: {  	[tilespmem:s20], [sflag:$0x3] =	stream.indirect_vreg.gather [hbm4b:s10+s3], $0x80, v4, vm0, $0xb8;
	[tilespmem:$0x18180] =	vst v63  }
0x31d: {  	s22 =	simm.s32 $0x13980  }
0x31e: {  	[tilespmem:s22], [sflag:$0x3] =	stream.indirect_vreg.gather [hbm4b:s11+s3], $0x80, v4, vm0, $0xb8;
	[tilespmem:$0x18180] =	vst v63  }
0x31f: {  	s15 =	simm.s32 $0x14180  }
0x320: {  	[tilespmem:s15], [sflag:$0x3] =	stream.indirect_vreg.gather [hbm4b:s1+s3], $0x80, v3, vm0, $0xb8;
	[tilespmem:$0x18180] =	vst v63  }
0x321: {  	s16 =	simm.s32 $0x14980  }
0x322: {  	[tilespmem:s16], [sflag:$0x3] =	stream.indirect_vreg.gather [hbm4b:s5+s3], $0x80, v3, vm0, $0xb8;
	[tilespmem:$0x18180] =	vst v63  }
0x323: {  	s17 =	simm.s32 $0x15180  }
0x324: {  	[tilespmem:s17], [sflag:$0x3] =	stream.indirect_vreg.gather [hbm4b:s6+s3], $0x80, v3, vm0, $0xb8;
	[tilespmem:$0x18180] =	vst v63  }
0x325: {  	s18 =	simm.s32 $0x15980  }
0x326: {  	[tilespmem:s18], [sflag:$0x3] =	stream.indirect_vreg.gather [hbm4b:s7+s3], $0x80, v3, vm0, $0xb8;
	[tilespmem:$0x18180] =	vst v63  }
0x327: {  	s19 =	simm.s32 $0x16180  }
0x328: {  	[tilespmem:s19], [sflag:$0x3] =	stream.indirect_vreg.gather [hbm4b:s8+s3], $0x80, v3, vm0, $0xb8;
	[tilespmem:$0x18180] =	vst v63  }
0x329: {  	s20 =	simm.s32 $0x16980  }
0x32a: {  	[tilespmem:s20], [sflag:$0x3] =	stream.indirect_vreg.gather [hbm4b:s9+s3], $0x80, v3, vm0, $0xb8;
	[tilespmem:$0x18180] =	vst v63  }
0x32b: {  	s22 =	simm.s32 $0x17180  }
0x32c: {  	[tilespmem:s22], [sflag:$0x3] =	stream.indirect_vreg.gather [hbm4b:s10+s3], $0x80, v3, vm0, $0xb8;
	[tilespmem:$0x18180] =	vst v63  }
0x32d: {  	s15 =	simm.s32 $0x17980  }
0x32e: {  	[tilespmem:s15], [sflag:$0x3] =	stream.indirect_vreg.gather [hbm4b:s11+s3], $0x80, v3, vm0, $0xb8;
	[tilespmem:$0x18180] =	vst v63  }
0x32f: {  	_ =	swait.ge [sflag:s23], $0x8000  }
0x330: {  	[sflag:s23] =	ssyncset.done $0x0  }
0x331: {  	s16 =	rddreg [dreg:$0x13];
	[sflag:s23] =	ssyncadd.s32 $0xFFFF8000  }
0x332: {  	[hbm4b:s16+s3] =	stream.linear.scatter [tilespmem:s12], [sflag:$0x4], $0x8000, $0x38;
	[tilespmem:$0x18180] =	vst v63  }
0x333: {  	_ =	swait.ge [sflag:s24], $0x8000  }
0x334: {  	[sflag:s24] =	ssyncset.done $0x0  }
0x335: {  	[sflag:s24] =	ssyncadd.s32 $0xFFFF8000  }
0x336: {  	v3 =	vld [tilespmem:$0x120];
	_ =	sdelay $0x4  }
0x337: {  	v58 =	vshll.u32 v3, $0x4  }
0x338: {  	v3 =	vand.u32 $0x7, v3;
	v4 =	vand.u32 $0xFFFFFF80, v58  }
0x339: {  	v3 =	vor.u32 v3, v4  }
0x33a: {  	v4 =	vperm.xlane v3, v0;
	_ =	sdelay $0x1  }
0x33b: {  	v4 =	vadd.s32 v1, v4;
	_ =	sdelay $0x4  }
0x33c: {  	[tilespmem:s12], [sflag:$0x1] =	stream.indirect_vreg.gather [hbm4b:s1+s3], $0x80, v4, vm0, $0xb8;
	[tilespmem:$0x18180] =	vst v63  }
0x33d: {  	s31 =	simm.s32 $0x980  }
0x33e: {  	[tilespmem:s31], [sflag:$0x1] =	stream.indirect_vreg.gather [hbm4b:s5+s3], $0x80, v4, vm0, $0xb8;
	[tilespmem:$0x18180] =	vst v63  }
0x33f: {  	s17 =	simm.s32 $0x1180  }
0x340: {  	[tilespmem:s17], [sflag:$0x1] =	stream.indirect_vreg.gather [hbm4b:s6+s3], $0x80, v4, vm0, $0xb8;
	[tilespmem:$0x18180] =	vst v63  }
0x341: {  	s18 =	simm.s32 $0x1980  }
0x342: {  	[tilespmem:s18], [sflag:$0x1] =	stream.indirect_vreg.gather [hbm4b:s7+s3], $0x80, v4, vm0, $0xb8;
	[tilespmem:$0x18180] =	vst v63  }
0x343: {  	s19 =	simm.s32 $0x2180  }
0x344: {  	[tilespmem:s19], [sflag:$0x1] =	stream.indirect_vreg.gather [hbm4b:s8+s3], $0x80, v4, vm0, $0xb8;
	[tilespmem:$0x18180] =	vst v63  }
0x345: {  	s20 =	simm.s32 $0x2980;
	v3 =	vperm.xlane v3, v2  }
0x346: {  	[tilespmem:s20], [sflag:$0x1] =	stream.indirect_vreg.gather [hbm4b:s9+s3], $0x80, v4, vm0, $0xb8;
	[tilespmem:$0x18180] =	vst v63  }
0x347: {  	s15 =	simm.s32 $0x3180;
	v3 =	vadd.s32 v1, v3  }
0x348: {  	[tilespmem:s15], [sflag:$0x1] =	stream.indirect_vreg.gather [hbm4b:s10+s3], $0x80, v4, vm0, $0xb8;
	[tilespmem:$0x18180] =	vst v63  }
0x349: {  	s16 =	simm.s32 $0x3980  }
0x34a: {  	[tilespmem:s16], [sflag:$0x1] =	stream.indirect_vreg.gather [hbm4b:s11+s3], $0x80, v4, vm0, $0xb8;
	[tilespmem:$0x18180] =	vst v63  }
0x34b: {  	s17 =	simm.s32 $0x4180  }
0x34c: {  	[tilespmem:s17], [sflag:$0x1] =	stream.indirect_vreg.gather [hbm4b:s1+s3], $0x80, v3, vm0, $0xb8;
	[tilespmem:$0x18180] =	vst v63  }
0x34d: {  	s18 =	simm.s32 $0x4980  }
0x34e: {  	[tilespmem:s18], [sflag:$0x1] =	stream.indirect_vreg.gather [hbm4b:s5+s3], $0x80, v3, vm0, $0xb8;
	[tilespmem:$0x18180] =	vst v63  }
0x34f: {  	s19 =	simm.s32 $0x5180  }
0x350: {  	[tilespmem:s19], [sflag:$0x1] =	stream.indirect_vreg.gather [hbm4b:s6+s3], $0x80, v3, vm0, $0xb8;
	[tilespmem:$0x18180] =	vst v63  }
0x351: {  	s20 =	simm.s32 $0x5980  }
0x352: {  	[tilespmem:s20], [sflag:$0x1] =	stream.indirect_vreg.gather [hbm4b:s7+s3], $0x80, v3, vm0, $0xb8;
	[tilespmem:$0x18180] =	vst v63  }
0x353: {  	s0 =	simm.s32 $0x6180  }
0x354: {  	[tilespmem:s0], [sflag:$0x1] =	stream.indirect_vreg.gather [hbm4b:s8+s3], $0x80, v3, vm0, $0xb8;
	[tilespmem:$0x18180] =	vst v63  }
0x355: {  	s4 =	simm.s32 $0x6980  }
0x356: {  	[tilespmem:s4], [sflag:$0x1] =	stream.indirect_vreg.gather [hbm4b:s9+s3], $0x80, v3, vm0, $0xb8;
	[tilespmem:$0x18180] =	vst v63  }
0x357: {  	s2 =	simm.s32 $0x7180  }
0x358: {  	[tilespmem:s2], [sflag:$0x1] =	stream.indirect_vreg.gather [hbm4b:s10+s3], $0x80, v3, vm0, $0xb8;
	[tilespmem:$0x18180] =	vst v63  }
0x359: {  	s26 =	simm.s32 $0x7980  }
0x35a: {  	[tilespmem:s26], [sflag:$0x1] =	stream.indirect_vreg.gather [hbm4b:s11+s3], $0x80, v3, vm0, $0xb8;
	[tilespmem:$0x18180] =	vst v63  }
0x35b: {  	_ =	swait.ge [sflag:s25], $0x8000  }
0x35c: {  	[sflag:s25] =	ssyncset.done $0x0  }
0x35d: {  	s2 =	rddreg [dreg:$0x14];
	[sflag:s25] =	ssyncadd.s32 $0xFFFF8000  }
0x35e: {  	[hbm4b:s2+s3] =	stream.linear.scatter [tilespmem:s13], [sflag:$0x5], $0x8000, $0x38;
	[tilespmem:$0x18180] =	vst v63  }
0x35f: {  	_ =	swait.ge [sflag:s28], $0x8000  }
0x360: {  	[sflag:s28] =	ssyncset.done $0x0  }
0x361: {  	[sflag:s28] =	ssyncadd.s32 $0xFFFF8000  }
0x362: {  	v3 =	vld [tilespmem:$0x130];
	_ =	sdelay $0x4  }
0x363: {  	v59 =	vshll.u32 v3, $0x4  }
0x364: {  	v3 =	vand.u32 $0x7, v3;
	v4 =	vand.u32 $0xFFFFFF80, v59  }
0x365: {  	v3 =	vor.u32 v3, v4  }
0x366: {  	v4 =	vperm.xlane v3, v0;
	_ =	sdelay $0x1  }
0x367: {  	v4 =	vadd.s32 v1, v4;
	_ =	sdelay $0x4  }
0x368: {  	[tilespmem:s13], [sflag:$0x2] =	stream.indirect_vreg.gather [hbm4b:s1+s3], $0x80, v4, vm0, $0xb8;
	[tilespmem:$0x18180] =	vst v63  }
0x369: {  	s13 =	simm.s32 $0x8980  }
0x36a: {  	[tilespmem:s13], [sflag:$0x2] =	stream.indirect_vreg.gather [hbm4b:s5+s3], $0x80, v4, vm0, $0xb8;
	[tilespmem:$0x18180] =	vst v63  }
0x36b: {  	s2 =	simm.s32 $0x9180  }
0x36c: {  	[tilespmem:s2], [sflag:$0x2] =	stream.indirect_vreg.gather [hbm4b:s6+s3], $0x80, v4, vm0, $0xb8;
	[tilespmem:$0x18180] =	vst v63  }
0x36d: {  	s2 =	simm.s32 $0x9980  }
0x36e: {  	[tilespmem:s2], [sflag:$0x2] =	stream.indirect_vreg.gather [hbm4b:s7+s3], $0x80, v4, vm0, $0xb8;
	[tilespmem:$0x18180] =	vst v63  }
0x36f: {  	s2 =	simm.s32 $0xA180  }
0x370: {  	[tilespmem:s2], [sflag:$0x2] =	stream.indirect_vreg.gather [hbm4b:s8+s3], $0x80, v4, vm0, $0xb8;
	[tilespmem:$0x18180] =	vst v63  }
0x371: {  	v3 =	vperm.xlane v3, v2;
	s2 =	simm.s32 $0xA980  }
0x372: {  	[tilespmem:s2], [sflag:$0x2] =	stream.indirect_vreg.gather [hbm4b:s9+s3], $0x80, v4, vm0, $0xb8;
	[tilespmem:$0x18180] =	vst v63  }
0x373: {  	v3 =	vadd.s32 v1, v3;
	s2 =	simm.s32 $0xB180  }
0x374: {  	[tilespmem:s2], [sflag:$0x2] =	stream.indirect_vreg.gather [hbm4b:s10+s3], $0x80, v4, vm0, $0xb8;
	[tilespmem:$0x18180] =	vst v63  }
0x375: {  	s2 =	simm.s32 $0xB980  }
0x376: {  	[tilespmem:s2], [sflag:$0x2] =	stream.indirect_vreg.gather [hbm4b:s11+s3], $0x80, v4, vm0, $0xb8;
	[tilespmem:$0x18180] =	vst v63  }
0x377: {  	s2 =	simm.s32 $0xC180  }
0x378: {  	[tilespmem:s2], [sflag:$0x2] =	stream.indirect_vreg.gather [hbm4b:s1+s3], $0x80, v3, vm0, $0xb8;
	[tilespmem:$0x18180] =	vst v63  }
0x379: {  	s2 =	simm.s32 $0xC980  }
0x37a: {  	[tilespmem:s2], [sflag:$0x2] =	stream.indirect_vreg.gather [hbm4b:s5+s3], $0x80, v3, vm0, $0xb8;
	[tilespmem:$0x18180] =	vst v63  }
0x37b: {  	s2 =	simm.s32 $0xD180  }
0x37c: {  	[tilespmem:s2], [sflag:$0x2] =	stream.indirect_vreg.gather [hbm4b:s6+s3], $0x80, v3, vm0, $0xb8;
	[tilespmem:$0x18180] =	vst v63  }
0x37d: {  	s2 =	simm.s32 $0xD980  }
0x37e: {  	[tilespmem:s2], [sflag:$0x2] =	stream.indirect_vreg.gather [hbm4b:s7+s3], $0x80, v3, vm0, $0xb8;
	[tilespmem:$0x18180] =	vst v63  }
0x37f: {  	s2 =	simm.s32 $0xE180  }
0x380: {  	[tilespmem:s2], [sflag:$0x2] =	stream.indirect_vreg.gather [hbm4b:s8+s3], $0x80, v3, vm0, $0xb8;
	[tilespmem:$0x18180] =	vst v63  }
0x381: {  	s2 =	simm.s32 $0xE980  }
0x382: {  	[tilespmem:s2], [sflag:$0x2] =	stream.indirect_vreg.gather [hbm4b:s9+s3], $0x80, v3, vm0, $0xb8;
	[tilespmem:$0x18180] =	vst v63  }
0x383: {  	s21 =	simm.s32 $0xF180  }
0x384: {  	[tilespmem:s21], [sflag:$0x2] =	stream.indirect_vreg.gather [hbm4b:s10+s3], $0x80, v3, vm0, $0xb8;
	[tilespmem:$0x18180] =	vst v63  }
0x385: {  	s21 =	simm.s32 $0xF980  }
0x386: {  	[tilespmem:s21], [sflag:$0x2] =	stream.indirect_vreg.gather [hbm4b:s11+s3], $0x80, v3, vm0, $0xb8;
	[tilespmem:$0x18180] =	vst v63  }
0x387: {  	_ =	swait.ge [sflag:s29], $0x8000  }
0x388: {  	[sflag:s29] =	ssyncset.done $0x0  }
0x389: {  	s21 =	rddreg [dreg:$0x15];
	[sflag:s29] =	ssyncadd.s32 $0xFFFF8000  }
0x38a: {  	[hbm4b:s21+s3] =	stream.linear.scatter [tilespmem:s14], [sflag:$0x6], $0x8000, $0x38;
	[tilespmem:$0x18180] =	vst v63  }
0x38b: {  	_ =	swait.ge [sflag:s30], $0x8000  }
0x38c: {  	[sflag:s30] =	ssyncset.done $0x0  }
0x38d: {  	[sflag:s30] =	ssyncadd.s32 $0xFFFF8000  }
0x38e: {  	v3 =	vld [tilespmem:$0x140];
	_ =	sdelay $0x4  }
0x38f: {  	v60 =	vshll.u32 v3, $0x4  }
0x390: {  	v3 =	vand.u32 $0x7, v3;
	v4 =	vand.u32 $0xFFFFFF80, v60  }
0x391: {  	v3 =	vor.u32 v3, v4  }
0x392: {  	v4 =	vperm.xlane v3, v0;
	_ =	sdelay $0x1  }
0x393: {  	v4 =	vadd.s32 v1, v4;
	_ =	sdelay $0x4  }
0x394: {  	[tilespmem:s14], [sflag:$0x3] =	stream.indirect_vreg.gather [hbm4b:s1+s3], $0x80, v4, vm0, $0xb8;
	[tilespmem:$0x18180] =	vst v63  }
0x395: {  	s14 =	simm.s32 $0x10980  }
0x396: {  	[tilespmem:s14], [sflag:$0x3] =	stream.indirect_vreg.gather [hbm4b:s5+s3], $0x80, v4, vm0, $0xb8;
	[tilespmem:$0x18180] =	vst v63  }
0x397: {  	s21 =	simm.s32 $0x11180  }
0x398: {  	[tilespmem:s21], [sflag:$0x3] =	stream.indirect_vreg.gather [hbm4b:s6+s3], $0x80, v4, vm0, $0xb8;
	[tilespmem:$0x18180] =	vst v63  }
0x399: {  	s21 =	simm.s32 $0x11980  }
0x39a: {  	[tilespmem:s21], [sflag:$0x3] =	stream.indirect_vreg.gather [hbm4b:s7+s3], $0x80, v4, vm0, $0xb8;
	[tilespmem:$0x18180] =	vst v63  }
0x39b: {  	s21 =	simm.s32 $0x12180  }
0x39c: {  	[tilespmem:s21], [sflag:$0x3] =	stream.indirect_vreg.gather [hbm4b:s8+s3], $0x80, v4, vm0, $0xb8;
	[tilespmem:$0x18180] =	vst v63  }
0x39d: {  	v3 =	vperm.xlane v3, v2;
	s21 =	simm.s32 $0x12980  }
0x39e: {  	[tilespmem:s21], [sflag:$0x3] =	stream.indirect_vreg.gather [hbm4b:s9+s3], $0x80, v4, vm0, $0xb8;
	[tilespmem:$0x18180] =	vst v63  }
0x39f: {  	v3 =	vadd.s32 v1, v3;
	s21 =	simm.s32 $0x13180  }
0x3a0: {  	[tilespmem:s21], [sflag:$0x3] =	stream.indirect_vreg.gather [hbm4b:s10+s3], $0x80, v4, vm0, $0xb8;
	[tilespmem:$0x18180] =	vst v63  }
0x3a1: {  	s21 =	simm.s32 $0x13980  }
0x3a2: {  	[tilespmem:s21], [sflag:$0x3] =	stream.indirect_vreg.gather [hbm4b:s11+s3], $0x80, v4, vm0, $0xb8;
	[tilespmem:$0x18180] =	vst v63  }
0x3a3: {  	s21 =	simm.s32 $0x14180  }
0x3a4: {  	[tilespmem:s21], [sflag:$0x3] =	stream.indirect_vreg.gather [hbm4b:s1+s3], $0x80, v3, vm0, $0xb8;
	[tilespmem:$0x18180] =	vst v63  }
0x3a5: {  	s21 =	simm.s32 $0x14980  }
0x3a6: {  	[tilespmem:s21], [sflag:$0x3] =	stream.indirect_vreg.gather [hbm4b:s5+s3], $0x80, v3, vm0, $0xb8;
	[tilespmem:$0x18180] =	vst v63  }
0x3a7: {  	s21 =	simm.s32 $0x15180  }
0x3a8: {  	[tilespmem:s21], [sflag:$0x3] =	stream.indirect_vreg.gather [hbm4b:s6+s3], $0x80, v3, vm0, $0xb8;
	[tilespmem:$0x18180] =	vst v63  }
0x3a9: {  	s21 =	simm.s32 $0x15980  }
0x3aa: {  	[tilespmem:s21], [sflag:$0x3] =	stream.indirect_vreg.gather [hbm4b:s7+s3], $0x80, v3, vm0, $0xb8;
	[tilespmem:$0x18180] =	vst v63  }
0x3ab: {  	s21 =	simm.s32 $0x16180  }
0x3ac: {  	[tilespmem:s21], [sflag:$0x3] =	stream.indirect_vreg.gather [hbm4b:s8+s3], $0x80, v3, vm0, $0xb8;
	[tilespmem:$0x18180] =	vst v63  }
0x3ad: {  	s21 =	simm.s32 $0x16980  }
0x3ae: {  	[tilespmem:s21], [sflag:$0x3] =	stream.indirect_vreg.gather [hbm4b:s9+s3], $0x80, v3, vm0, $0xb8;
	[tilespmem:$0x18180] =	vst v63  }
0x3af: {  	s21 =	simm.s32 $0x17180  }
0x3b0: {  	[tilespmem:s21], [sflag:$0x3] =	stream.indirect_vreg.gather [hbm4b:s10+s3], $0x80, v3, vm0, $0xb8;
	[tilespmem:$0x18180] =	vst v63  }
0x3b1: {  	s21 =	simm.s32 $0x17980  }
0x3b2: {  	[tilespmem:s21], [sflag:$0x3] =	stream.indirect_vreg.gather [hbm4b:s11+s3], $0x80, v3, vm0, $0xb8;
	[tilespmem:$0x18180] =	vst v63  }
0x3b3: {  	_ =	swait.ge [sflag:s23], $0x8000  }
0x3b4: {  	[sflag:s23] =	ssyncset.done $0x0  }
0x3b5: {  	s21 =	simm.s32 $0x180;
	s2 =	rddreg [dreg:$0x16];
	[sflag:s23] =	ssyncadd.s32 $0xFFFF8000  }
0x3b6: {  	[hbm4b:s2+s3] =	stream.linear.scatter [tilespmem:s21], [sflag:$0x4], $0x8000, $0x38;
	[tilespmem:$0x18180] =	vst v63  }
0x3b7: {  	_ =	swait.ge [sflag:s24], $0x8000  }
0x3b8: {  	[sflag:s24] =	ssyncset.done $0x0  }
0x3b9: {  	[sflag:s24] =	ssyncadd.s32 $0xFFFF8000  }
0x3ba: {  	v3 =	vld [tilespmem:$0x150];
	_ =	sdelay $0x4  }
0x3bb: {  	v61 =	vshll.u32 v3, $0x4  }
0x3bc: {  	v3 =	vand.u32 $0x7, v3;
	v4 =	vand.u32 $0xFFFFFF80, v61  }
0x3bd: {  	v3 =	vor.u32 v3, v4  }
0x3be: {  	v4 =	vperm.xlane v3, v0;
	_ =	sdelay $0x1  }
0x3bf: {  	v4 =	vadd.s32 v1, v4;
	_ =	sdelay $0x4  }
0x3c0: {  	[tilespmem:s21], [sflag:$0x1] =	stream.indirect_vreg.gather [hbm4b:s1+s3], $0x80, v4, vm0, $0xb8;
	[tilespmem:$0x18180] =	vst v63  }
0x3c1: {  	s12 =	simm.s32 $0x980  }
0x3c2: {  	[tilespmem:s12], [sflag:$0x1] =	stream.indirect_vreg.gather [hbm4b:s5+s3], $0x80, v4, vm0, $0xb8;
	[tilespmem:$0x18180] =	vst v63  }
0x3c3: {  	s22 =	simm.s32 $0x1180  }
0x3c4: {  	[tilespmem:s22], [sflag:$0x1] =	stream.indirect_vreg.gather [hbm4b:s6+s3], $0x80, v4, vm0, $0xb8;
	[tilespmem:$0x18180] =	vst v63  }
0x3c5: {  	s31 =	simm.s32 $0x1980  }
0x3c6: {  	[tilespmem:s31], [sflag:$0x1] =	stream.indirect_vreg.gather [hbm4b:s7+s3], $0x80, v4, vm0, $0xb8;
	[tilespmem:$0x18180] =	vst v63  }
0x3c7: {  	s12 =	simm.s32 $0x2180  }
0x3c8: {  	[tilespmem:s12], [sflag:$0x1] =	stream.indirect_vreg.gather [hbm4b:s8+s3], $0x80, v4, vm0, $0xb8;
	[tilespmem:$0x18180] =	vst v63  }
0x3c9: {  	v3 =	vperm.xlane v3, v2;
	s22 =	simm.s32 $0x2980  }
0x3ca: {  	[tilespmem:s22], [sflag:$0x1] =	stream.indirect_vreg.gather [hbm4b:s9+s3], $0x80, v4, vm0, $0xb8;
	[tilespmem:$0x18180] =	vst v63  }
0x3cb: {  	s15 =	simm.s32 $0x3180;
	v3 =	vadd.s32 v1, v3  }
0x3cc: {  	[tilespmem:s15], [sflag:$0x1] =	stream.indirect_vreg.gather [hbm4b:s10+s3], $0x80, v4, vm0, $0xb8;
	[tilespmem:$0x18180] =	vst v63  }
0x3cd: {  	s16 =	simm.s32 $0x3980  }
0x3ce: {  	[tilespmem:s16], [sflag:$0x1] =	stream.indirect_vreg.gather [hbm4b:s11+s3], $0x80, v4, vm0, $0xb8;
	[tilespmem:$0x18180] =	vst v63  }
0x3cf: {  	s17 =	simm.s32 $0x4180  }
0x3d0: {  	[tilespmem:s17], [sflag:$0x1] =	stream.indirect_vreg.gather [hbm4b:s1+s3], $0x80, v3, vm0, $0xb8;
	[tilespmem:$0x18180] =	vst v63  }
0x3d1: {  	s18 =	simm.s32 $0x4980  }
0x3d2: {  	[tilespmem:s18], [sflag:$0x1] =	stream.indirect_vreg.gather [hbm4b:s5+s3], $0x80, v3, vm0, $0xb8;
	[tilespmem:$0x18180] =	vst v63  }
0x3d3: {  	s19 =	simm.s32 $0x5180  }
0x3d4: {  	[tilespmem:s19], [sflag:$0x1] =	stream.indirect_vreg.gather [hbm4b:s6+s3], $0x80, v3, vm0, $0xb8;
	[tilespmem:$0x18180] =	vst v63  }
0x3d5: {  	s20 =	simm.s32 $0x5980  }
0x3d6: {  	[tilespmem:s20], [sflag:$0x1] =	stream.indirect_vreg.gather [hbm4b:s7+s3], $0x80, v3, vm0, $0xb8;
	[tilespmem:$0x18180] =	vst v63  }
0x3d7: {  	s0 =	simm.s32 $0x6180  }
0x3d8: {  	[tilespmem:s0], [sflag:$0x1] =	stream.indirect_vreg.gather [hbm4b:s8+s3], $0x80, v3, vm0, $0xb8;
	[tilespmem:$0x18180] =	vst v63  }
0x3d9: {  	s4 =	simm.s32 $0x6980  }
0x3da: {  	[tilespmem:s4], [sflag:$0x1] =	stream.indirect_vreg.gather [hbm4b:s9+s3], $0x80, v3, vm0, $0xb8;
	[tilespmem:$0x18180] =	vst v63  }
0x3db: {  	s31 =	simm.s32 $0x7180  }
0x3dc: {  	[tilespmem:s31], [sflag:$0x1] =	stream.indirect_vreg.gather [hbm4b:s10+s3], $0x80, v3, vm0, $0xb8;
	[tilespmem:$0x18180] =	vst v63  }
0x3dd: {  	s26 =	simm.s32 $0x7980  }
0x3de: {  	[tilespmem:s26], [sflag:$0x1] =	stream.indirect_vreg.gather [hbm4b:s11+s3], $0x80, v3, vm0, $0xb8;
	[tilespmem:$0x18180] =	vst v63  }
0x3df: {  	_ =	swait.ge [sflag:s25], $0x8000  }
0x3e0: {  	[sflag:s25] =	ssyncset.done $0x0  }
0x3e1: {  	s4 =	simm.s32 $0x8180;
	s0 =	rddreg [dreg:$0x17];
	[sflag:s25] =	ssyncadd.s32 $0xFFFF8000  }
0x3e2: {  	[hbm4b:s0+s3] =	stream.linear.scatter [tilespmem:s4], [sflag:$0x5], $0x8000, $0x38;
	[tilespmem:$0x18180] =	vst v63  }
0x3e3: {  	_ =	swait.ge [sflag:s28], $0x8000  }
0x3e4: {  	[sflag:s28] =	ssyncset.done $0x0  }
0x3e5: {  	[sflag:s28] =	ssyncadd.s32 $0xFFFF8000  }
0x3e6: {  	v3 =	vld [tilespmem:$0x160];
	_ =	sdelay $0x4  }
0x3e7: {  	v62 =	vshll.u32 v3, $0x4  }
0x3e8: {  	v3 =	vand.u32 $0x7, v3;
	v4 =	vand.u32 $0xFFFFFF80, v62  }
0x3e9: {  	v3 =	vor.u32 v3, v4  }
0x3ea: {  	v4 =	vperm.xlane v3, v0;
	_ =	sdelay $0x1  }
0x3eb: {  	v4 =	vadd.s32 v1, v4;
	_ =	sdelay $0x4  }
0x3ec: {  	[tilespmem:s4], [sflag:$0x2] =	stream.indirect_vreg.gather [hbm4b:s1+s3], $0x80, v4, vm0, $0xb8;
	[tilespmem:$0x18180] =	vst v63  }
0x3ed: {  	s13 =	simm.s32 $0x8980  }
0x3ee: {  	[tilespmem:s13], [sflag:$0x2] =	stream.indirect_vreg.gather [hbm4b:s5+s3], $0x80, v4, vm0, $0xb8;
	[tilespmem:$0x18180] =	vst v63  }
0x3ef: {  	s12 =	simm.s32 $0x9180  }
0x3f0: {  	[tilespmem:s12], [sflag:$0x2] =	stream.indirect_vreg.gather [hbm4b:s6+s3], $0x80, v4, vm0, $0xb8;
	[tilespmem:$0x18180] =	vst v63  }
0x3f1: {  	s13 =	simm.s32 $0x9980  }
0x3f2: {  	[tilespmem:s13], [sflag:$0x2] =	stream.indirect_vreg.gather [hbm4b:s7+s3], $0x80, v4, vm0, $0xb8;
	[tilespmem:$0x18180] =	vst v63  }
0x3f3: {  	s15 =	simm.s32 $0xA180  }
0x3f4: {  	[tilespmem:s15], [sflag:$0x2] =	stream.indirect_vreg.gather [hbm4b:s8+s3], $0x80, v4, vm0, $0xb8;
	[tilespmem:$0x18180] =	vst v63  }
0x3f5: {  	s16 =	simm.s32 $0xA980;
	v3 =	vperm.xlane v3, v2  }
0x3f6: {  	[tilespmem:s16], [sflag:$0x2] =	stream.indirect_vreg.gather [hbm4b:s9+s3], $0x80, v4, vm0, $0xb8;
	[tilespmem:$0x18180] =	vst v63  }
0x3f7: {  	s17 =	simm.s32 $0xB180;
	v3 =	vadd.s32 v1, v3  }
0x3f8: {  	[tilespmem:s17], [sflag:$0x2] =	stream.indirect_vreg.gather [hbm4b:s10+s3], $0x80, v4, vm0, $0xb8;
	[tilespmem:$0x18180] =	vst v63  }
0x3f9: {  	s18 =	simm.s32 $0xB980  }
0x3fa: {  	[tilespmem:s18], [sflag:$0x2] =	stream.indirect_vreg.gather [hbm4b:s11+s3], $0x80, v4, vm0, $0xb8;
	[tilespmem:$0x18180] =	vst v63  }
0x3fb: {  	s19 =	simm.s32 $0xC180  }
0x3fc: {  	[tilespmem:s19], [sflag:$0x2] =	stream.indirect_vreg.gather [hbm4b:s1+s3], $0x80, v3, vm0, $0xb8;
	[tilespmem:$0x18180] =	vst v63  }
0x3fd: {  	s20 =	simm.s32 $0xC980  }
0x3fe: {  	[tilespmem:s20], [sflag:$0x2] =	stream.indirect_vreg.gather [hbm4b:s5+s3], $0x80, v3, vm0, $0xb8;
	[tilespmem:$0x18180] =	vst v63  }
0x3ff: {  	s26 =	simm.s32 $0xD180  }
0x400: {  	[tilespmem:s26], [sflag:$0x2] =	stream.indirect_vreg.gather [hbm4b:s6+s3], $0x80, v3, vm0, $0xb8;
	[tilespmem:$0x18180] =	vst v63  }
0x401: {  	s31 =	simm.s32 $0xD980  }
0x402: {  	[tilespmem:s31], [sflag:$0x2] =	stream.indirect_vreg.gather [hbm4b:s7+s3], $0x80, v3, vm0, $0xb8;
	[tilespmem:$0x18180] =	vst v63  }
0x403: {  	s2 =	simm.s32 $0xE180  }
0x404: {  	[tilespmem:s2], [sflag:$0x2] =	stream.indirect_vreg.gather [hbm4b:s8+s3], $0x80, v3, vm0, $0xb8;
	[tilespmem:$0x18180] =	vst v63  }
0x405: {  	s4 =	simm.s32 $0xE980  }
0x406: {  	[tilespmem:s4], [sflag:$0x2] =	stream.indirect_vreg.gather [hbm4b:s9+s3], $0x80, v3, vm0, $0xb8;
	[tilespmem:$0x18180] =	vst v63  }
0x407: {  	s12 =	simm.s32 $0xF180  }
0x408: {  	[tilespmem:s12], [sflag:$0x2] =	stream.indirect_vreg.gather [hbm4b:s10+s3], $0x80, v3, vm0, $0xb8;
	[tilespmem:$0x18180] =	vst v63  }
0x409: {  	s13 =	simm.s32 $0xF980  }
0x40a: {  	[tilespmem:s13], [sflag:$0x2] =	stream.indirect_vreg.gather [hbm4b:s11+s3], $0x80, v3, vm0, $0xb8;
	[tilespmem:$0x18180] =	vst v63  }
0x40b: {  	_ =	swait.ge [sflag:s29], $0x8000  }
0x40c: {  	[sflag:s29] =	ssyncset.done $0x0  }
0x40d: {  	s16 =	simm.s32 $0x10180;
	s15 =	rddreg [dreg:$0x18];
	[sflag:s29] =	ssyncadd.s32 $0xFFFF8000  }
0x40e: {  	[hbm4b:s15+s3] =	stream.linear.scatter [tilespmem:s16], [sflag:$0x6], $0x8000, $0x38;
	[tilespmem:$0x18180] =	vst v63  }
0x40f: {  	_ =	swait.ge [sflag:s30], $0x8000  }
0x410: {  	[sflag:s30] =	ssyncset.done $0x0  }
0x411: {  	[sflag:s30] =	ssyncadd.s32 $0xFFFF8000  }
0x412: {  	v3 =	vld [tilespmem:$0x170];
	_ =	sdelay $0x4  }
0x413: {  	v63 =	vshll.u32 v3, $0x4  }
0x414: {  	v3 =	vand.u32 $0x7, v3;
	v4 =	vand.u32 $0xFFFFFF80, v63  }
0x415: {  	v3 =	vor.u32 v3, v4  }
0x416: {  	v4 =	vperm.xlane v3, v0;
	_ =	sdelay $0x1  }
0x417: {  	v4 =	vadd.s32 v1, v4;
	_ =	sdelay $0x4  }
0x418: {  	[tilespmem:s16], [sflag:$0x3] =	stream.indirect_vreg.gather [hbm4b:s1+s3], $0x80, v4, vm0, $0xb8;
	[tilespmem:$0x18180] =	vst v63  }
0x419: {  	s14 =	simm.s32 $0x10980  }
0x41a: {  	[tilespmem:s14], [sflag:$0x3] =	stream.indirect_vreg.gather [hbm4b:s5+s3], $0x80, v4, vm0, $0xb8;
	[tilespmem:$0x18180] =	vst v63  }
0x41b: {  	s17 =	simm.s32 $0x11180  }
0x41c: {  	[tilespmem:s17], [sflag:$0x3] =	stream.indirect_vreg.gather [hbm4b:s6+s3], $0x80, v4, vm0, $0xb8;
	[tilespmem:$0x18180] =	vst v63  }
0x41d: {  	s18 =	simm.s32 $0x11980  }
0x41e: {  	[tilespmem:s18], [sflag:$0x3] =	stream.indirect_vreg.gather [hbm4b:s7+s3], $0x80, v4, vm0, $0xb8;
	[tilespmem:$0x18180] =	vst v63  }
0x41f: {  	s19 =	simm.s32 $0x12180  }
0x420: {  	[tilespmem:s19], [sflag:$0x3] =	stream.indirect_vreg.gather [hbm4b:s8+s3], $0x80, v4, vm0, $0xb8;
	[tilespmem:$0x18180] =	vst v63  }
0x421: {  	s20 =	simm.s32 $0x12980;
	v3 =	vperm.xlane v3, v2  }
0x422: {  	[tilespmem:s20], [sflag:$0x3] =	stream.indirect_vreg.gather [hbm4b:s9+s3], $0x80, v4, vm0, $0xb8;
	[tilespmem:$0x18180] =	vst v63  }
0x423: {  	s26 =	simm.s32 $0x13180;
	v3 =	vadd.s32 v1, v3  }
0x424: {  	[tilespmem:s26], [sflag:$0x3] =	stream.indirect_vreg.gather [hbm4b:s10+s3], $0x80, v4, vm0, $0xb8;
	[tilespmem:$0x18180] =	vst v63  }
0x425: {  	s31 =	simm.s32 $0x13980  }
0x426: {  	[tilespmem:s31], [sflag:$0x3] =	stream.indirect_vreg.gather [hbm4b:s11+s3], $0x80, v4, vm0, $0xb8;
	[tilespmem:$0x18180] =	vst v63  }
0x427: {  	s12 =	simm.s32 $0x14180  }
0x428: {  	[tilespmem:s12], [sflag:$0x3] =	stream.indirect_vreg.gather [hbm4b:s1+s3], $0x80, v3, vm0, $0xb8;
	[tilespmem:$0x18180] =	vst v63  }
0x429: {  	s13 =	simm.s32 $0x14980  }
0x42a: {  	[tilespmem:s13], [sflag:$0x3] =	stream.indirect_vreg.gather [hbm4b:s5+s3], $0x80, v3, vm0, $0xb8;
	[tilespmem:$0x18180] =	vst v63  }
0x42b: {  	s14 =	simm.s32 $0x15180  }
0x42c: {  	[tilespmem:s14], [sflag:$0x3] =	stream.indirect_vreg.gather [hbm4b:s6+s3], $0x80, v3, vm0, $0xb8;
	[tilespmem:$0x18180] =	vst v63  }
0x42d: {  	s15 =	simm.s32 $0x15980  }
0x42e: {  	[tilespmem:s15], [sflag:$0x3] =	stream.indirect_vreg.gather [hbm4b:s7+s3], $0x80, v3, vm0, $0xb8;
	[tilespmem:$0x18180] =	vst v63  }
0x42f: {  	s16 =	simm.s32 $0x16180  }
0x430: {  	[tilespmem:s16], [sflag:$0x3] =	stream.indirect_vreg.gather [hbm4b:s8+s3], $0x80, v3, vm0, $0xb8;
	[tilespmem:$0x18180] =	vst v63  }
0x431: {  	s17 =	simm.s32 $0x16980  }
0x432: {  	[tilespmem:s17], [sflag:$0x3] =	stream.indirect_vreg.gather [hbm4b:s9+s3], $0x80, v3, vm0, $0xb8;
	[tilespmem:$0x18180] =	vst v63  }
0x433: {  	s18 =	simm.s32 $0x17180  }
0x434: {  	[tilespmem:s18], [sflag:$0x3] =	stream.indirect_vreg.gather [hbm4b:s10+s3], $0x80, v3, vm0, $0xb8;
	[tilespmem:$0x18180] =	vst v63  }
0x435: {  	s19 =	simm.s32 $0x17980  }
0x436: {  	[tilespmem:s19], [sflag:$0x3] =	stream.indirect_vreg.gather [hbm4b:s11+s3], $0x80, v3, vm0, $0xb8;
	[tilespmem:$0x18180] =	vst v63  }
0x437: {  	s0 =	rddreg [dreg:$0x1d];
	_ =	swait.ge [sflag:s23], $0x8000  }
0x438: {  	[sflag:s23] =	ssyncset.done $0x0  }
0x439: {  	s21 =	simm.s32 $0x180;
	s20 =	rddreg [dreg:$0x19];
	[sflag:s23] =	ssyncadd.s32 $0xFFFF8000  }
0x43a: {  	[hbm4b:s20+s3] =	stream.linear.scatter [tilespmem:s21], [sflag:$0x4], $0x8000, $0x38;
	[tilespmem:$0x18180] =	vst v63  }
0x43b: {  	_ =	swait.ge [sflag:s25], $0x8000  }
0x43c: {  	[sflag:s25] =	ssyncset.done $0x0  }
0x43d: {  	s22 =	simm.s32 $0x8180;
	s26 =	rddreg [dreg:$0x1a];
	[sflag:s25] =	ssyncadd.s32 $0xFFFF8000  }
0x43e: {  	[hbm4b:s26+s3] =	stream.linear.scatter [tilespmem:s22], [sflag:$0x5], $0x8000, $0x38;
	[tilespmem:$0x18180] =	vst v63  }
0x43f: {  	_ =	swait.ge [sflag:s29], $0x8000  }
0x440: {  	[sflag:s29] =	ssyncset.done $0x0  }
0x441: {  	s4 =	simm.s32 $0x10180;
	s31 =	rddreg [dreg:$0x1b];
	[sflag:s29] =	ssyncadd.s32 $0xFFFF8000  }
0x442: {  	[hbm4b:s31+s3] =	stream.linear.scatter [tilespmem:s4], [sflag:$0x6], $0x8000, $0x38;
	[tilespmem:$0x18180] =	vst v63  }
0x443: {  	_ =	swait.ge [sflag:s24], $0x8000  }
0x444: {  	[sflag:s24] =	ssyncset.done $0x0  }
0x445: {  	[sflag:s24] =	ssyncadd.s32 $0xFFFF8000  }
0x446: {  	p0 =	sne.s32 s0, $0x1;
	_ =	swait.ge [sflag:s28], $0x8000  }
.Ltmp0:
0x447: {  	[sflag:s28] =	ssyncset.done $0x0;
	(pc) =	sbr.rel @p0 .LBB2_1-.Ltmp0, $4  }
0x448: {  	[sflag:s28] =	ssyncadd.s32 $0xFFFF8000  }
0x449: {  	_ =	swait.ge [sflag:s30], $0x8000  }
0x44a: {  	[sflag:s30] =	ssyncset.done $0x0  }
0x44b: {  	s0 =	sadd.s32 $0xFFFFFFFF, s0;
	[sflag:s30] =	ssyncadd.s32 $0xFFFF8000  }
0x44c: {  	_ =	sfence.sel $0x180000  }
0x44d: {  	[bflag:$0x0] =	sbarrier.arrive $0xFFFF  }
0x44e: {  	_ =	strace $0x90000047  }
0x44f: {  	s0 =	stileid.u32;
	[bflag:$0x2] =	sbarrier.arrive $0xFFFF  }
0x450: {  	p0 =	sne.s32 s0, $0x0;
	s0 =	rddreg [dreg:$0x3]  }
0x451: {  	s0 =	sadd.s32 @!p0 $0x100000, s0  }
0x452: {  	[sflag:s0] =	ssyncadd.tile.s32 @!p0 $0x1;
	_ =	shalt  }
.Lfunc_end2:
_tile_overlayer_lowered:
.L_overlay_start_2:
0x453: {  	(tag) =	ssettag $0x2  }
0x454: {  	s0 =	rddreg [dreg:$0x0];
	s2 =	stileid.u32  }
0x455: {  	s1 =	rddreg [dreg:$0x1];
	p0 =	sne.s32 s2, $0x0  }
0x456: {  	s3 =	rddreg [dreg:$0x2];
	[bflag:$0x3] =	sbarrier.arrive $0xFFFF;
	s2 =	simm.s32 @!p0 $0x1C07  }
0x457: {  	[timem:s3], [sflag:s2] =	dma.local @!p0 [hbm:s0], s1  }
0x458: {  	s0 =	simm.s32 @!p0 $0x7  }
0x459: {  	_ =	swait.ge @!p0 [sflag:s0], s1  }
0x45a: {  	s1 =	ssub.s32 @!p0 $0x0, s1;
	[sflag:s0] =	ssyncset.done @!p0 $0x0  }
0x45b: {  	[sflag:s0] =	ssyncadd.s32 @!p0 s1  }
0x45c: {  	[bflag:$0x3] =	sbarrier.arrive $0xFFFF  }
0x45d: {  	_ =	shalt  }

</sc_bundles>
